<compile_context>
chip_gen: v7x
topology: tpu7x:2x2x1
jax: 0.10.2.dev20260603
libtpu: 0.0.44.dev20260713+nightly
codegen_flags: <defaults>
</compile_context>

<pallas_src>
import functools

import jax
import jax.numpy as jnp
from jax import lax
from jax.experimental import pallas as pl
from jax.experimental.pallas import tpu as pltpu
from jax.experimental.pallas import tpu_sc as plsc

NC = 2
NS = 16
NW = NC * NS
C = 64
L = 16


def _pad_edges(src, dst, n_nodes, cpt):
    e = src.shape[0]
    pad = NW * cpt * C - e
    if pad:
        pad_src = jnp.arange(pad, dtype=jnp.int32) % 16
        pad_dst = n_nodes + (jnp.arange(pad, dtype=jnp.int32) % C)
        src = jnp.concatenate([src, pad_src])
        dst = jnp.concatenate([dst, pad_dst])
    return src.reshape(NW, cpt, C), dst.reshape(NW, cpt, C)



def _make_deg_kernel(n_nodes, n_pad, cpt):
    mesh = plsc.VectorSubcoreMesh(core_axis_name="c", subcore_axis_name="s")
    npre = min(8, cpt)

    @functools.partial(
        pl.kernel,
        out_type=jax.ShapeDtypeStruct((2 * n_nodes,), jnp.float32),
        mesh=mesh,
        scratch_types=[
            pltpu.VMEM_SHARED((n_pad,), jnp.float32),
            pltpu.VMEM((cpt, C), jnp.int32),
            pltpu.VMEM((C,), jnp.float32),
            pltpu.VMEM((2000,), jnp.float32),
            pltpu.SemaphoreType.DMA,
        ],
    )
    def deg_kernel(dstp_hbm, degp_hbm, deg_sh, idxb, onesv, zv, sem):
        cid = lax.axis_index("c")
        sid = lax.axis_index("s")
        wid = cid * NS + sid

        ones16 = jnp.ones((L,), jnp.float32)
        zero16 = jnp.zeros((L,), jnp.float32)
        for j in range(C // L):
            onesv[pl.ds(j * L, L)] = ones16

        def zfill(i, carry):
            zv[pl.ds(i * L, L)] = zero16
            return carry
        lax.fori_loop(0, 2000 // L, zfill, 0)

        @pl.when(sid < 5)
        def _():
            pltpu.sync_copy(zv, deg_sh.at[pl.ds(sid * 2000, 2000)])

        @pl.when(sid == 5)
        def _():
            pltpu.sync_copy(zv.at[pl.ds(0, n_pad - 10000)],
                            deg_sh.at[pl.ds(10000, n_pad - 10000)])

        pltpu.sync_copy(dstp_hbm.at[wid], idxb)
        plsc.subcore_barrier()

        for b in range(npre):
            pltpu.async_copy(onesv, deg_sh.at[idxb.at[b]], sem, add=True)

        def body(g, carry):
            pltpu.make_async_copy(onesv, deg_sh.at[idxb.at[g]], sem).wait()
            pltpu.async_copy(onesv, deg_sh.at[idxb.at[g + npre]], sem,
                             add=True)
            return carry
        lax.fori_loop(0, cpt - npre, body, 0)
        for b in range(npre):
            pltpu.make_async_copy(onesv, deg_sh.at[idxb.at[0]], sem).wait()

        plsc.subcore_barrier()

        @pl.when(sid < 5)
        def _():
            pltpu.sync_copy(deg_sh.at[pl.ds(sid * 2000, 2000)], zv)
            off = pl.multiple_of(cid * n_nodes + sid * 2000, 8)
            pltpu.sync_copy(zv, degp_hbm.at[pl.ds(off, 2000)])

    return deg_kernel



def _make_segsum_kernel(n_nodes, n_pad, d, cpt):
    mesh = plsc.VectorSubcoreMesh(core_axis_name="c", subcore_axis_name="s")
    rows_per_tile = n_pad // NS
    zr = 8
    wb_chunk = 128
    wb_full = n_nodes // wb_chunk
    wb_tail = n_nodes - wb_full * wb_chunk

    @functools.partial(
        pl.kernel,
        out_type=jax.ShapeDtypeStruct((2 * n_nodes, d), jnp.float32),
        mesh=mesh,
        scratch_types=[
            pltpu.VMEM_SHARED((n_pad, d), jnp.float32),
            pltpu.VMEM((cpt, C), jnp.int32),
            pltpu.VMEM((cpt, C), jnp.int32),
            pltpu.VMEM((3, C, d), jnp.float32),
            pltpu.VMEM((zr, d), jnp.float32),
            pltpu.SemaphoreType.DMA((3,)),
            pltpu.SemaphoreType.DMA((3,)),
        ],
        compiler_params=pltpu.CompilerParams(use_tc_tiling_on_sc=False),
    )
    def segsum_kernel(h_hbm, srcp_hbm, dstp_hbm, up_hbm,
                      acc_sh, srcb, dstb, rows3, zrows, gsem, ssem):
        cid = lax.axis_index("c")
        sid = lax.axis_index("s")
        wid = cid * NS + sid

        pltpu.sync_copy(srcp_hbm.at[wid], srcb)
        pltpu.sync_copy(dstp_hbm.at[wid], dstb)

        zero16 = jnp.zeros((L,), jnp.float32)

        def zfill_small(i, carry):
            zrows[i // (d // L), pl.ds((i % (d // L)) * L, L)] = zero16
            return carry
        lax.fori_loop(0, zr * (d // L), zfill_small, 0)

        def zfill_big(i, carry):
            rows3[0, i // (d // L), pl.ds((i % (d // L)) * L, L)] = zero16
            return carry
        lax.fori_loop(0, C * (d // L), zfill_big, 0)

        nzf = rows_per_tile // C
        nzr = (rows_per_tile - nzf * C) // zr

        def zcopy(kk, carry):
            r0 = pl.multiple_of(sid * rows_per_tile + kk * C, 8)
            pltpu.async_copy(rows3.at[0], acc_sh.at[pl.ds(r0, C)], ssem.at[0])
            return carry
        lax.fori_loop(0, nzf, zcopy, 0)

        def zcopy2(kk, carry):
            r0 = pl.multiple_of(
                sid * rows_per_tile + nzf * C + kk * zr, 8)
            pltpu.async_copy(zrows, acc_sh.at[pl.ds(r0, zr)], ssem.at[0])
            return carry
        lax.fori_loop(0, nzr, zcopy2, 0)

        def zdrain(kk, carry):
            pltpu.make_async_copy(
                rows3.at[0],
                acc_sh.at[pl.ds(pl.multiple_of(sid * rows_per_tile, 8), C)],
                ssem.at[0]).wait()
            return carry
        lax.fori_loop(0, nzf, zdrain, 0)

        def zdrain2(kk, carry):
            pltpu.make_async_copy(
                zrows,
                acc_sh.at[pl.ds(pl.multiple_of(sid * rows_per_tile, 8), zr)],
                ssem.at[0]).wait()
            return carry
        lax.fori_loop(0, nzr, zdrain2, 0)

        def prime(b, carry):
            pltpu.async_copy(h_hbm.at[srcb.at[b]], rows3.at[b], gsem.at[b])
            return carry
        lax.fori_loop(0, 2, prime, 0)

        plsc.subcore_barrier()

        def body(g, carry):
            b = lax.rem(g, 3)
            bn = lax.rem(g + 2, 3)
            pltpu.make_async_copy(h_hbm.at[srcb.at[g]], rows3.at[b],
                                  gsem.at[b]).wait()
            pltpu.async_copy(rows3.at[b], acc_sh.at[dstb.at[g]],
                             ssem.at[b], add=True)

            @pl.when(g >= 1)
            def _():
                pltpu.make_async_copy(rows3.at[bn],
                                      acc_sh.at[dstb.at[g - 1]],
                                      ssem.at[bn]).wait()

            @pl.when(g + 2 < cpt)
            def _():
                pltpu.async_copy(h_hbm.at[srcb.at[g + 2]], rows3.at[bn],
                                 gsem.at[bn])
            return carry
        lax.fori_loop(0, cpt, body, 0)
        bl = lax.rem(cpt - 1, 3)
        pltpu.make_async_copy(rows3.at[bl], acc_sh.at[dstb.at[cpt - 1]],
                              ssem.at[bl]).wait()

        plsc.subcore_barrier()

        def wb(j, carry):
            c = j * NS + sid

            @pl.when(c < wb_full)
            def _():
                r0 = pl.multiple_of(c * wb_chunk, 8)
                pltpu.async_copy(
                    acc_sh.at[pl.ds(r0, wb_chunk)],
                    up_hbm.at[pl.ds(cid * n_nodes + r0, wb_chunk)],
                    ssem.at[1])
            return carry
        lax.fori_loop(0, -(-wb_full // NS), wb, 0)

        if wb_tail:
            @pl.when(sid == NS - 1)
            def _():
                r0 = pl.multiple_of(wb_full * wb_chunk, 8)
                pltpu.async_copy(
                    acc_sh.at[pl.ds(r0, wb_tail)],
                    up_hbm.at[pl.ds(cid * n_nodes + r0, wb_tail)],
                    ssem.at[1])

        def wbdrain(j, carry):
            c = j * NS + sid

            @pl.when(c < wb_full)
            def _():
                r0 = pl.multiple_of(c * wb_chunk, 8)
                pltpu.make_async_copy(
                    acc_sh.at[pl.ds(r0, wb_chunk)],
                    up_hbm.at[pl.ds(cid * n_nodes + r0, wb_chunk)],
                    ssem.at[1]).wait()
            return carry
        lax.fori_loop(0, -(-wb_full // NS), wbdrain, 0)

        if wb_tail:
            @pl.when(sid == NS - 1)
            def _():
                r0 = pl.multiple_of(wb_full * wb_chunk, 8)
                pltpu.make_async_copy(
                    acc_sh.at[pl.ds(r0, wb_tail)],
                    up_hbm.at[pl.ds(cid * n_nodes + r0, wb_tail)],
                    ssem.at[1]).wait()

    return segsum_kernel



def _prep_body(degp_ref, x_ref, a0_ref, dinv_ref):
    deg = degp_ref[0] + degp_ref[1]
    dinv = lax.rsqrt(jnp.maximum(deg, 1.0))
    dinv_ref[...] = dinv
    a0_ref[...] = x_ref[...] * dinv


def _mid_body(u1p_ref, dinv_ref, tx1_ref, a1_ref):
    u = u1p_ref[0] + u1p_ref[1]
    dinv = dinv_ref[...]
    tx1 = -(dinv * u)
    tx1_ref[...] = tx1
    a1_ref[...] = dinv * tx1


def _out_body(x_ref, tx1_ref, u2p_ref, dinv_ref, fc_ref, w_ref, b_ref,
              out_ref):
    u2 = u2p_ref[0] + u2p_ref[1]
    tx2 = -2.0 * (dinv_ref[...] * u2) - x_ref[...]
    acc = jnp.dot(fc_ref[0] * x_ref[...], w_ref[0],
                  preferred_element_type=jnp.float32)
    acc = acc + jnp.dot(fc_ref[1] * tx1_ref[...], w_ref[1],
                        preferred_element_type=jnp.float32)
    acc = acc + jnp.dot(fc_ref[2] * tx2, w_ref[2],
                        preferred_element_type=jnp.float32)
    out_ref[...] = acc + b_ref[...]



def kernel(x, edge_index, filter_coeff, weight, bias):
    n, d = x.shape
    e = edge_index.shape[1]
    k = weight.shape[0]
    assert (n, d, k) == (10000, 128, 3), "kernel specialized to fixed shapes"

    src = edge_index[0].astype(jnp.int32)
    dst = edge_index[1].astype(jnp.int32)

    cpt = -(-e // (NW * C))
    n_pad = 10112
    srcp, dstp = _pad_edges(src, dst, n, cpt)

    br = 2000
    grid = (n // br,)

    degp = _make_deg_kernel(n, n_pad, cpt)(dstp)
    degp3 = degp.reshape(2, n, 1)

    a0, dinv = pl.pallas_call(
        _prep_body,
        grid=grid,
        in_specs=[
            pl.BlockSpec((2, br, 1), lambda i: (0, i, 0)),
            pl.BlockSpec((br, d), lambda i: (i, 0)),
        ],
        out_specs=[
            pl.BlockSpec((br, d), lambda i: (i, 0)),
            pl.BlockSpec((br, 1), lambda i: (i, 0)),
        ],
        out_shape=[
            jax.ShapeDtypeStruct((n, d), jnp.float32),
            jax.ShapeDtypeStruct((n, 1), jnp.float32),
        ],
    )(degp3, x)

    segsum = _make_segsum_kernel(n, n_pad, d, cpt)

    u1p = segsum(a0, srcp, dstp).reshape(2, n, d)

    tx1, a1 = pl.pallas_call(
        _mid_body,
        grid=grid,
        in_specs=[
            pl.BlockSpec((2, br, d), lambda i: (0, i, 0)),
            pl.BlockSpec((br, 1), lambda i: (i, 0)),
        ],
        out_specs=[
            pl.BlockSpec((br, d), lambda i: (i, 0)),
            pl.BlockSpec((br, d), lambda i: (i, 0)),
        ],
        out_shape=[
            jax.ShapeDtypeStruct((n, d), jnp.float32),
            jax.ShapeDtypeStruct((n, d), jnp.float32),
        ],
    )(u1p, dinv)

    u2p = segsum(a1, srcp, dstp).reshape(2, n, d)

    fc3 = filter_coeff.reshape(k, n, 1)
    bias2 = bias.reshape(1, d)
    out = pl.pallas_call(
        _out_body,
        grid=grid,
        in_specs=[
            pl.BlockSpec((br, d), lambda i: (i, 0)),
            pl.BlockSpec((br, d), lambda i: (i, 0)),
            pl.BlockSpec((2, br, d), lambda i: (0, i, 0)),
            pl.BlockSpec((br, 1), lambda i: (i, 0)),
            pl.BlockSpec((k, br, 1), lambda i: (0, i, 0)),
            pl.BlockSpec((k, d, d), lambda i: (0, 0, 0)),
            pl.BlockSpec((1, d), lambda i: (0, 0)),
        ],
        out_specs=pl.BlockSpec((br, d), lambda i: (i, 0)),
        out_shape=jax.ShapeDtypeStruct((n, d), jnp.float32),
    )(x, tx1, u2p, dinv, fc3, weight, bias2)

    return out

# --- scband reference (transcript-rebuilt; emitter-appended) ---
"""Pipeline reference for scband-cheb-layer-17703855194471 (READ-ONLY COPY).

The authoritative reference and input builder live on the scoring server;
editing this copy changes nothing except your own understanding.
"""

import jax, jax.numpy as jnp
import numpy as np
import math

N = 10000
E = 320000
D = 128
K = 3


def setup_inputs(seed: int = 0) -> dict:
    key = jax.random.key(seed)
    k1, k2, k3, k4 = jax.random.split(key, 4)
    x = jax.random.normal(k1, (N, D), dtype=jnp.float32)
    edge_index = jax.random.randint(k2, (2, E), 0, N, dtype=jnp.int32)
    filter_coeff = jax.random.normal(k3, (K, N), dtype=jnp.float32)
    stdv = math.sqrt(6.0 / (D + D))
    weight = jax.random.uniform(k4, (K, D, D), minval=-stdv, maxval=stdv, dtype=jnp.float32)
    bias = jnp.zeros((D,), dtype=jnp.float32)
    return {"x": x, "edge_index": edge_index, "filter_coeff": filter_coeff, "weight": weight, "bias": bias}


def reference(x, edge_index, filter_coeff, weight, bias):
    # Scaled Laplacian with lambda_max=2.0 (sym normalization):
    # L_hat = 2*L/lambda_max - I = (I - D^-1/2 A D^-1/2) - I = -D^-1/2 A D^-1/2
    src = edge_index[0]
    dst = edge_index[1]
    deg = jnp.clip(jnp.bincount(dst, length=N), 1)
    dinv = deg.astype(jnp.float32) ** -0.5
    w = -(dinv[dst] * dinv[src])  # per-edge weight of L_hat[dst, src]

    def spmm(h):
        # y[i] = sum_{(j->i)} w_e * h[j]  (gather from src, scatter-add to dst)
        msgs = h[src] * w[:, None]
        return jax.ops.segment_sum(msgs, dst, num_segments=N)

    Tx_0 = x
    out = jnp.matmul(filter_coeff[0][:, None] * Tx_0, weight[0])
    Tx_1 = spmm(x)
    out = out + jnp.matmul(filter_coeff[1][:, None] * Tx_1, weight[1])
    for k in range(2, weight.shape[0]):
        Tx_2 = 2.0 * spmm(Tx_1) - Tx_0
        out = out + jnp.matmul(filter_coeff[k][:, None] * Tx_2, weight[k])
        Tx_0, Tx_1 = Tx_1, Tx_2
    out = out + bias
    return out

if __name__ == "__main__":
    import jax
    _d = setup_inputs()
    print(jax.jit(kernel)(*tuple(_d.values())))

</pallas_src>

<mosaic_0001>
#map = affine_map<(d0, d1) -> (0, 0, 0)>
#map1 = affine_map<(d0, d1) -> (0)>
module attributes {stable_mosaic.version = 14 : i64} {
  func.func @deg_kernel(%arg0: i32, %arg1: i32, %arg2: memref<32x157x64xi32, #tpu.memory_space<hbm>>, %arg3: memref<20000xf32, #tpu.memory_space<hbm>>, %arg4: memref<10112xf32, #tpu.memory_space<vmem_shared>>, %arg5: memref<157x64xi32, #tpu.memory_space<vmem>>, %arg6: memref<64xf32, #tpu.memory_space<vmem>>, %arg7: memref<2000xf32, #tpu.memory_space<vmem>>, %arg8: memref<!tpu.dma_semaphore, #tpu.memory_space<semaphore_mem>>) attributes {dimension_semantics = [#tpu.dimension_semantics<core_parallel>, #tpu.dimension_semantics<subcore_parallel>], iteration_bounds = array<i64: 2, 16>, scalar_prefetch = 0 : i64, scratch_operands = 5 : i64, tpu.core_type = #tpu.core_type<sc_vector_subcore>, window_params = [{transform_indices = #map}, {transform_indices = #map1}]} {
    %mul3A = arith.constant 16 : i32
    %mul3A_0 = arith.muli %arg0, %mul3A : i32
    %add3A = arith.addi %mul3A_0, %arg1 : i32
    %broadcast_in_dim3A = arith.constant 1.000000e+00 : f32
    %broadcast_in_dim3A_1 = vector.broadcast %broadcast_in_dim3A : f32 to vector<16xf32>
    %broadcast_in_dim3A_2 = arith.constant 0.000000e+00 : f32
    %broadcast_in_dim3A_3 = vector.broadcast %broadcast_in_dim3A_2 : f32 to vector<16xf32>
    %swap3A = arith.constant 0 : index
    %swap3A_4 = tpu.vector_load %arg6[%swap3A] {strides = array<i32>} : memref<64xf32, #tpu.memory_space<vmem>>, vector<16xf32>,
    %swap3A_5 = vector.shape_cast %swap3A_4 : vector<16xf32> to vector<16xf32>
    %swap3A_6 = vector.shape_cast %broadcast_in_dim3A_1 : vector<16xf32> to vector<16xf32>
    tpu.vector_store %arg6[%swap3A], %swap3A_6 {strides = array<i32>} : memref<64xf32, #tpu.memory_space<vmem>>, vector<16xf32>,
    %swap3A_7 = arith.constant 16 : index
    %swap3A_8 = tpu.vector_load %arg6[%swap3A_7] {strides = array<i32>} : memref<64xf32, #tpu.memory_space<vmem>>, vector<16xf32>,
    %swap3A_9 = vector.shape_cast %swap3A_8 : vector<16xf32> to vector<16xf32>
    %swap3A_10 = vector.shape_cast %broadcast_in_dim3A_1 : vector<16xf32> to vector<16xf32>
    tpu.vector_store %arg6[%swap3A_7], %swap3A_10 {strides = array<i32>} : memref<64xf32, #tpu.memory_space<vmem>>, vector<16xf32>,
    %swap3A_11 = arith.constant 32 : index
    %swap3A_12 = tpu.vector_load %arg6[%swap3A_11] {strides = array<i32>} : memref<64xf32, #tpu.memory_space<vmem>>, vector<16xf32>,
    %swap3A_13 = vector.shape_cast %swap3A_12 : vector<16xf32> to vector<16xf32>
    %swap3A_14 = vector.shape_cast %broadcast_in_dim3A_1 : vector<16xf32> to vector<16xf32>
    tpu.vector_store %arg6[%swap3A_11], %swap3A_14 {strides = array<i32>} : memref<64xf32, #tpu.memory_space<vmem>>, vector<16xf32>,
    %swap3A_15 = arith.constant 48 : index
    %swap3A_16 = tpu.vector_load %arg6[%swap3A_15] {strides = array<i32>} : memref<64xf32, #tpu.memory_space<vmem>>, vector<16xf32>,
    %swap3A_17 = vector.shape_cast %swap3A_16 : vector<16xf32> to vector<16xf32>
    %swap3A_18 = vector.shape_cast %broadcast_in_dim3A_1 : vector<16xf32> to vector<16xf32>
    tpu.vector_store %arg6[%swap3A_15], %swap3A_18 {strides = array<i32>} : memref<64xf32, #tpu.memory_space<vmem>>, vector<16xf32>,
    %scan3A = arith.constant 0 : i32
    %scan3A_19 = arith.constant 0 : i32
    %scan3A_20 = arith.constant 125 : i32
    %scan3A_21 = arith.addi %scan3A_19, %scan3A_20 : i32
    %scan3A_22 = arith.constant 1 : i32
    scf.for %scan3A_136 = %scan3A_19 to %scan3A_21 step %scan3A_22  : i32 {
      %mul3A_137 = arith.constant 16 : i32
      %mul3A_138 = arith.muli %scan3A_136, %mul3A_137 : i32
      %swap3A_139 = arith.index_cast %mul3A_138 : i32 to index
      %swap3A_140 = tpu.vector_load %arg7[%swap3A_139] {strides = array<i32>} : memref<2000xf32, #tpu.memory_space<vmem>>, vector<16xf32>,
      %swap3A_141 = vector.shape_cast %swap3A_140 : vector<16xf32> to vector<16xf32>
      %swap3A_142 = vector.shape_cast %broadcast_in_dim3A_3 : vector<16xf32> to vector<16xf32>
      tpu.vector_store %arg7[%swap3A_139], %swap3A_142 {strides = array<i32>} : memref<2000xf32, #tpu.memory_space<vmem>>, vector<16xf32>,
    }
    %scan3A_23 = arith.constant 125 : i32
    %lt3A = arith.constant 5 : i32
    %lt3A_24 = arith.cmpi slt, %arg1, %lt3A : i32
    %convert_element_type3A = arith.extui %lt3A_24 : i1 to i32
    %cond3A = arith.constant 0 : i32
    %cond3A_25 = arith.cmpi ne, %convert_element_type3A, %cond3A : i32
    scf.if %cond3A_25 {
      %mul3A_136 = arith.constant 2000 : i32
      %mul3A_137 = arith.muli %arg1, %mul3A_136 : i32
      "tpu.region"() ({
        %run_scoped3A = tpu.sem_alloc : memref<!tpu.dma_semaphore, #tpu.memory_space<semaphore_mem>>
        %dma_start3A_138 = tpu.memref_slice %arg4[%mul3A_137] : memref<10112xf32, #tpu.memory_space<vmem_shared>> -> memref<2000xf32, #tpu.memory_space<vmem_shared>>
        %dma_start3A_139 = tpu.memref_slice %arg4[%mul3A_137] : memref<10112xf32, #tpu.memory_space<vmem_shared>> -> memref<2000xf32, #tpu.memory_space<vmem_shared>>
        tpu.enqueue_dma source(%arg7 : memref<2000xf32, #tpu.memory_space<vmem>>) target(%dma_start3A_139 : memref<2000xf32, #tpu.memory_space<vmem_shared>>) target_semaphore(%run_scoped3A : memref<!tpu.dma_semaphore, #tpu.memory_space<semaphore_mem>>)
        %dma_wait3A_140 = tpu.memref_slice %arg4[%mul3A_137] : memref<10112xf32, #tpu.memory_space<vmem_shared>> -> memref<2000xf32, #tpu.memory_space<vmem_shared>>
        %dma_wait3A_141 = tpu.memref_slice %arg4[%mul3A_137] : memref<10112xf32, #tpu.memory_space<vmem_shared>> -> memref<2000xf32, #tpu.memory_space<vmem_shared>>
        tpu.wait_dma2 semaphore(%run_scoped3A : memref<!tpu.dma_semaphore, #tpu.memory_space<semaphore_mem>>) src(%arg7 : memref<2000xf32, #tpu.memory_space<vmem>>) dst(%dma_wait3A_141 : memref<2000xf32, #tpu.memory_space<vmem_shared>>)
        tpu.yield
      }) : () -> ()
    } else {
    }
    %eq3A = arith.constant 5 : i32
    %eq3A_26 = arith.cmpi eq, %arg1, %eq3A : i32
    %convert_element_type3A_27 = arith.extui %eq3A_26 : i1 to i32
    %cond3A_28 = arith.constant 0 : i32
    %cond3A_29 = arith.cmpi ne, %convert_element_type3A_27, %cond3A_28 : i32
    scf.if %cond3A_29 {
      "tpu.region"() ({
        %run_scoped3A = tpu.sem_alloc : memref<!tpu.dma_semaphore, #tpu.memory_space<semaphore_mem>>
        %dma_start3A_136 = arith.constant 0 : i32
        %dma_start3A_137 = tpu.memref_slice %arg7[%dma_start3A_136] : memref<2000xf32, #tpu.memory_space<vmem>> -> memref<112xf32, #tpu.memory_space<vmem>>
        %dma_start3A_138 = arith.constant 10000 : i32
        %dma_start3A_139 = tpu.memref_slice %arg4[%dma_start3A_138] : memref<10112xf32, #tpu.memory_space<vmem_shared>> -> memref<112xf32, #tpu.memory_space<vmem_shared>>
        %dma_start3A_140 = arith.constant 10000 : i32
        %dma_start3A_141 = tpu.memref_slice %arg4[%dma_start3A_140] : memref<10112xf32, #tpu.memory_space<vmem_shared>> -> memref<112xf32, #tpu.memory_space<vmem_shared>>
        %dma_start3A_142 = arith.constant 0 : i32
        %dma_start3A_143 = tpu.memref_slice %arg7[%dma_start3A_142] : memref<2000xf32, #tpu.memory_space<vmem>> -> memref<112xf32, #tpu.memory_space<vmem>>
        tpu.enqueue_dma source(%dma_start3A_143 : memref<112xf32, #tpu.memory_space<vmem>>) target(%dma_start3A_141 : memref<112xf32, #tpu.memory_space<vmem_shared>>) target_semaphore(%run_scoped3A : memref<!tpu.dma_semaphore, #tpu.memory_space<semaphore_mem>>)
        %dma_wait3A_144 = arith.constant 0 : i32
        %dma_wait3A_145 = tpu.memref_slice %arg7[%dma_wait3A_144] : memref<2000xf32, #tpu.memory_space<vmem>> -> memref<112xf32, #tpu.memory_space<vmem>>
        %dma_wait3A_146 = arith.constant 10000 : i32
        %dma_wait3A_147 = tpu.memref_slice %arg4[%dma_wait3A_146] : memref<10112xf32, #tpu.memory_space<vmem_shared>> -> memref<112xf32, #tpu.memory_space<vmem_shared>>
        %dma_wait3A_148 = arith.constant 10000 : i32
        %dma_wait3A_149 = tpu.memref_slice %arg4[%dma_wait3A_148] : memref<10112xf32, #tpu.memory_space<vmem_shared>> -> memref<112xf32, #tpu.memory_space<vmem_shared>>
        %dma_wait3A_150 = arith.constant 0 : i32
        %dma_wait3A_151 = tpu.memref_slice %arg7[%dma_wait3A_150] : memref<2000xf32, #tpu.memory_space<vmem>> -> memref<112xf32, #tpu.memory_space<vmem>>
        tpu.wait_dma2 semaphore(%run_scoped3A : memref<!tpu.dma_semaphore, #tpu.memory_space<semaphore_mem>>) src(%dma_wait3A_151 : memref<112xf32, #tpu.memory_space<vmem>>) dst(%dma_wait3A_149 : memref<112xf32, #tpu.memory_space<vmem_shared>>)
        tpu.yield
      }) : () -> ()
    } else {
    }
    "tpu.region"() ({
      %run_scoped3A = tpu.sem_alloc : memref<!tpu.dma_semaphore, #tpu.memory_space<semaphore_mem>>
      %dma_start3A_136 = arith.constant 0 : i32
      %dma_start3A_137 = arith.constant 0 : i32
      %dma_start3A_138 = tpu.memref_slice %arg2[%add3A, %dma_start3A_136, %dma_start3A_137] : memref<32x157x64xi32, #tpu.memory_space<hbm>> -> memref<1x157x64xi32, #tpu.memory_space<hbm>>
      %dma_start3A_139 = tpu.memref_squeeze %dma_start3A_138 : memref<1x157x64xi32, #tpu.memory_space<hbm>> -> memref<157x64xi32, #tpu.memory_space<hbm>>
      %dma_start3A_140 = arith.constant 0 : i32
      %dma_start3A_141 = arith.constant 0 : i32
      %dma_start3A_142 = tpu.memref_slice %arg2[%add3A, %dma_start3A_140, %dma_start3A_141] : memref<32x157x64xi32, #tpu.memory_space<hbm>> -> memref<1x157x64xi32, #tpu.memory_space<hbm>>
      %dma_start3A_143 = tpu.memref_squeeze %dma_start3A_142 : memref<1x157x64xi32, #tpu.memory_space<hbm>> -> memref<157x64xi32, #tpu.memory_space<hbm>>
      tpu.enqueue_dma source(%dma_start3A_143 : memref<157x64xi32, #tpu.memory_space<hbm>>) target(%arg5 : memref<157x64xi32, #tpu.memory_space<vmem>>) target_semaphore(%run_scoped3A : memref<!tpu.dma_semaphore, #tpu.memory_space<semaphore_mem>>)
      %dma_wait3A_144 = arith.constant 0 : i32
      %dma_wait3A_145 = arith.constant 0 : i32
      %dma_wait3A_146 = tpu.memref_slice %arg2[%add3A, %dma_wait3A_144, %dma_wait3A_145] : memref<32x157x64xi32, #tpu.memory_space<hbm>> -> memref<1x157x64xi32, #tpu.memory_space<hbm>>
      %dma_wait3A_147 = tpu.memref_squeeze %dma_wait3A_146 : memref<1x157x64xi32, #tpu.memory_space<hbm>> -> memref<157x64xi32, #tpu.memory_space<hbm>>
      %dma_wait3A_148 = arith.constant 0 : i32
      %dma_wait3A_149 = arith.constant 0 : i32
      %dma_wait3A_150 = tpu.memref_slice %arg2[%add3A, %dma_wait3A_148, %dma_wait3A_149] : memref<32x157x64xi32, #tpu.memory_space<hbm>> -> memref<1x157x64xi32, #tpu.memory_space<hbm>>
      %dma_wait3A_151 = tpu.memref_squeeze %dma_wait3A_150 : memref<1x157x64xi32, #tpu.memory_space<hbm>> -> memref<157x64xi32, #tpu.memory_space<hbm>>
      tpu.wait_dma2 semaphore(%run_scoped3A : memref<!tpu.dma_semaphore, #tpu.memory_space<semaphore_mem>>) src(%dma_wait3A_151 : memref<157x64xi32, #tpu.memory_space<hbm>>) dst(%arg5 : memref<157x64xi32, #tpu.memory_space<vmem>>)
      tpu.yield
    }) : () -> ()
    %barrier3A = arith.constant 0 : index
    tpu.barrier barrier_id(%barrier3A)
    %dma_start3A = arith.constant 0 : i32
    %dma_start3A_30 = arith.constant 0 : i32
    %dma_start3A_31 = tpu.memref_slice %arg5[%dma_start3A, %dma_start3A_30] : memref<157x64xi32, #tpu.memory_space<vmem>> -> memref<1x64xi32, #tpu.memory_space<vmem>>
    %dma_start3A_32 = tpu.memref_squeeze %dma_start3A_31 : memref<1x64xi32, #tpu.memory_space<vmem>> -> memref<64xi32, #tpu.memory_space<vmem>>
    %dma_start3A_33 = arith.constant 0 : i32
    %dma_start3A_34 = tpu.memref_slice %arg4[%dma_start3A_33] : memref<10112xf32, #tpu.memory_space<vmem_shared>> -> memref<10112xf32, #tpu.memory_space<vmem_shared>>
    tpu.enqueue_indirect_dma source(%arg6 : memref<64xf32, #tpu.memory_space<vmem>>) target(%dma_start3A_34 : memref<10112xf32, #tpu.memory_space<vmem_shared>>) offsets(%dma_start3A_32 : memref<64xi32, #tpu.memory_space<vmem>>) semaphore(%arg8 : memref<!tpu.dma_semaphore, #tpu.memory_space<semaphore_mem>>) {add = true}
    %dma_start3A_35 = arith.constant 1 : i32
    %dma_start3A_36 = arith.constant 0 : i32
    %dma_start3A_37 = tpu.memref_slice %arg5[%dma_start3A_35, %dma_start3A_36] : memref<157x64xi32, #tpu.memory_space<vmem>> -> memref<1x64xi32, #tpu.memory_space<vmem>>
    %dma_start3A_38 = tpu.memref_squeeze %dma_start3A_37 : memref<1x64xi32, #tpu.memory_space<vmem>> -> memref<64xi32, #tpu.memory_space<vmem>>
    %dma_start3A_39 = arith.constant 0 : i32
    %dma_start3A_40 = tpu.memref_slice %arg4[%dma_start3A_39] : memref<10112xf32, #tpu.memory_space<vmem_shared>> -> memref<10112xf32, #tpu.memory_space<vmem_shared>>
    tpu.enqueue_indirect_dma source(%arg6 : memref<64xf32, #tpu.memory_space<vmem>>) target(%dma_start3A_40 : memref<10112xf32, #tpu.memory_space<vmem_shared>>) offsets(%dma_start3A_38 : memref<64xi32, #tpu.memory_space<vmem>>) semaphore(%arg8 : memref<!tpu.dma_semaphore, #tpu.memory_space<semaphore_mem>>) {add = true}
    %dma_start3A_41 = arith.constant 2 : i32
    %dma_start3A_42 = arith.constant 0 : i32
    %dma_start3A_43 = tpu.memref_slice %arg5[%dma_start3A_41, %dma_start3A_42] : memref<157x64xi32, #tpu.memory_space<vmem>> -> memref<1x64xi32, #tpu.memory_space<vmem>>
    %dma_start3A_44 = tpu.memref_squeeze %dma_start3A_43 : memref<1x64xi32, #tpu.memory_space<vmem>> -> memref<64xi32, #tpu.memory_space<vmem>>
    %dma_start3A_45 = arith.constant 0 : i32
    %dma_start3A_46 = tpu.memref_slice %arg4[%dma_start3A_45] : memref<10112xf32, #tpu.memory_space<vmem_shared>> -> memref<10112xf32, #tpu.memory_space<vmem_shared>>
    tpu.enqueue_indirect_dma source(%arg6 : memref<64xf32, #tpu.memory_space<vmem>>) target(%dma_start3A_46 : memref<10112xf32, #tpu.memory_space<vmem_shared>>) offsets(%dma_start3A_44 : memref<64xi32, #tpu.memory_space<vmem>>) semaphore(%arg8 : memref<!tpu.dma_semaphore, #tpu.memory_space<semaphore_mem>>) {add = true}
    %dma_start3A_47 = arith.constant 3 : i32
    %dma_start3A_48 = arith.constant 0 : i32
    %dma_start3A_49 = tpu.memref_slice %arg5[%dma_start3A_47, %dma_start3A_48] : memref<157x64xi32, #tpu.memory_space<vmem>> -> memref<1x64xi32, #tpu.memory_space<vmem>>
    %dma_start3A_50 = tpu.memref_squeeze %dma_start3A_49 : memref<1x64xi32, #tpu.memory_space<vmem>> -> memref<64xi32, #tpu.memory_space<vmem>>
    %dma_start3A_51 = arith.constant 0 : i32
    %dma_start3A_52 = tpu.memref_slice %arg4[%dma_start3A_51] : memref<10112xf32, #tpu.memory_space<vmem_shared>> -> memref<10112xf32, #tpu.memory_space<vmem_shared>>
    tpu.enqueue_indirect_dma source(%arg6 : memref<64xf32, #tpu.memory_space<vmem>>) target(%dma_start3A_52 : memref<10112xf32, #tpu.memory_space<vmem_shared>>) offsets(%dma_start3A_50 : memref<64xi32, #tpu.memory_space<vmem>>) semaphore(%arg8 : memref<!tpu.dma_semaphore, #tpu.memory_space<semaphore_mem>>) {add = true}
    %dma_start3A_53 = arith.constant 4 : i32
    %dma_start3A_54 = arith.constant 0 : i32
    %dma_start3A_55 = tpu.memref_slice %arg5[%dma_start3A_53, %dma_start3A_54] : memref<157x64xi32, #tpu.memory_space<vmem>> -> memref<1x64xi32, #tpu.memory_space<vmem>>
    %dma_start3A_56 = tpu.memref_squeeze %dma_start3A_55 : memref<1x64xi32, #tpu.memory_space<vmem>> -> memref<64xi32, #tpu.memory_space<vmem>>
    %dma_start3A_57 = arith.constant 0 : i32
    %dma_start3A_58 = tpu.memref_slice %arg4[%dma_start3A_57] : memref<10112xf32, #tpu.memory_space<vmem_shared>> -> memref<10112xf32, #tpu.memory_space<vmem_shared>>
    tpu.enqueue_indirect_dma source(%arg6 : memref<64xf32, #tpu.memory_space<vmem>>) target(%dma_start3A_58 : memref<10112xf32, #tpu.memory_space<vmem_shared>>) offsets(%dma_start3A_56 : memref<64xi32, #tpu.memory_space<vmem>>) semaphore(%arg8 : memref<!tpu.dma_semaphore, #tpu.memory_space<semaphore_mem>>) {add = true}
    %dma_start3A_59 = arith.constant 5 : i32
    %dma_start3A_60 = arith.constant 0 : i32
    %dma_start3A_61 = tpu.memref_slice %arg5[%dma_start3A_59, %dma_start3A_60] : memref<157x64xi32, #tpu.memory_space<vmem>> -> memref<1x64xi32, #tpu.memory_space<vmem>>
    %dma_start3A_62 = tpu.memref_squeeze %dma_start3A_61 : memref<1x64xi32, #tpu.memory_space<vmem>> -> memref<64xi32, #tpu.memory_space<vmem>>
    %dma_start3A_63 = arith.constant 0 : i32
    %dma_start3A_64 = tpu.memref_slice %arg4[%dma_start3A_63] : memref<10112xf32, #tpu.memory_space<vmem_shared>> -> memref<10112xf32, #tpu.memory_space<vmem_shared>>
    tpu.enqueue_indirect_dma source(%arg6 : memref<64xf32, #tpu.memory_space<vmem>>) target(%dma_start3A_64 : memref<10112xf32, #tpu.memory_space<vmem_shared>>) offsets(%dma_start3A_62 : memref<64xi32, #tpu.memory_space<vmem>>) semaphore(%arg8 : memref<!tpu.dma_semaphore, #tpu.memory_space<semaphore_mem>>) {add = true}
    %dma_start3A_65 = arith.constant 6 : i32
    %dma_start3A_66 = arith.constant 0 : i32
    %dma_start3A_67 = tpu.memref_slice %arg5[%dma_start3A_65, %dma_start3A_66] : memref<157x64xi32, #tpu.memory_space<vmem>> -> memref<1x64xi32, #tpu.memory_space<vmem>>
    %dma_start3A_68 = tpu.memref_squeeze %dma_start3A_67 : memref<1x64xi32, #tpu.memory_space<vmem>> -> memref<64xi32, #tpu.memory_space<vmem>>
    %dma_start3A_69 = arith.constant 0 : i32
    %dma_start3A_70 = tpu.memref_slice %arg4[%dma_start3A_69] : memref<10112xf32, #tpu.memory_space<vmem_shared>> -> memref<10112xf32, #tpu.memory_space<vmem_shared>>
    tpu.enqueue_indirect_dma source(%arg6 : memref<64xf32, #tpu.memory_space<vmem>>) target(%dma_start3A_70 : memref<10112xf32, #tpu.memory_space<vmem_shared>>) offsets(%dma_start3A_68 : memref<64xi32, #tpu.memory_space<vmem>>) semaphore(%arg8 : memref<!tpu.dma_semaphore, #tpu.memory_space<semaphore_mem>>) {add = true}
    %dma_start3A_71 = arith.constant 7 : i32
    %dma_start3A_72 = arith.constant 0 : i32
    %dma_start3A_73 = tpu.memref_slice %arg5[%dma_start3A_71, %dma_start3A_72] : memref<157x64xi32, #tpu.memory_space<vmem>> -> memref<1x64xi32, #tpu.memory_space<vmem>>
    %dma_start3A_74 = tpu.memref_squeeze %dma_start3A_73 : memref<1x64xi32, #tpu.memory_space<vmem>> -> memref<64xi32, #tpu.memory_space<vmem>>
    %dma_start3A_75 = arith.constant 0 : i32
    %dma_start3A_76 = tpu.memref_slice %arg4[%dma_start3A_75] : memref<10112xf32, #tpu.memory_space<vmem_shared>> -> memref<10112xf32, #tpu.memory_space<vmem_shared>>
    tpu.enqueue_indirect_dma source(%arg6 : memref<64xf32, #tpu.memory_space<vmem>>) target(%dma_start3A_76 : memref<10112xf32, #tpu.memory_space<vmem_shared>>) offsets(%dma_start3A_74 : memref<64xi32, #tpu.memory_space<vmem>>) semaphore(%arg8 : memref<!tpu.dma_semaphore, #tpu.memory_space<semaphore_mem>>) {add = true}
    %scan3A_77 = arith.constant 0 : i32
    %scan3A_78 = arith.constant 0 : i32
    %scan3A_79 = arith.constant 149 : i32
    %scan3A_80 = arith.addi %scan3A_78, %scan3A_79 : i32
    %scan3A_81 = arith.constant 1 : i32
    scf.for %scan3A_136 = %scan3A_78 to %scan3A_80 step %scan3A_81  : i32 {
      %dma_wait3A_137 = arith.constant 0 : i32
      %dma_wait3A_138 = tpu.memref_slice %arg5[%scan3A_136, %dma_wait3A_137] : memref<157x64xi32, #tpu.memory_space<vmem>> -> memref<1x64xi32, #tpu.memory_space<vmem>>
      %dma_wait3A_139 = tpu.memref_squeeze %dma_wait3A_138 : memref<1x64xi32, #tpu.memory_space<vmem>> -> memref<64xi32, #tpu.memory_space<vmem>>
      %dma_wait3A_140 = arith.constant 0 : i32
      %dma_wait3A_141 = tpu.memref_slice %arg4[%dma_wait3A_140] : memref<10112xf32, #tpu.memory_space<vmem_shared>> -> memref<10112xf32, #tpu.memory_space<vmem_shared>>
      tpu.wait_indirect_dma semaphore(%arg8 : memref<!tpu.dma_semaphore, #tpu.memory_space<semaphore_mem>>) src(%arg6 : memref<64xf32, #tpu.memory_space<vmem>>) dst(%dma_wait3A_141 : memref<10112xf32, #tpu.memory_space<vmem_shared>>)
      %add3A_142 = arith.constant 8 : i32
      %add3A_143 = arith.addi %scan3A_136, %add3A_142 : i32
      %dma_start3A_144 = arith.constant 0 : i32
      %dma_start3A_145 = tpu.memref_slice %arg5[%add3A_143, %dma_start3A_144] : memref<157x64xi32, #tpu.memory_space<vmem>> -> memref<1x64xi32, #tpu.memory_space<vmem>>
      %dma_start3A_146 = tpu.memref_squeeze %dma_start3A_145 : memref<1x64xi32, #tpu.memory_space<vmem>> -> memref<64xi32, #tpu.memory_space<vmem>>
      %dma_start3A_147 = arith.constant 0 : i32
      %dma_start3A_148 = tpu.memref_slice %arg4[%dma_start3A_147] : memref<10112xf32, #tpu.memory_space<vmem_shared>> -> memref<10112xf32, #tpu.memory_space<vmem_shared>>
      tpu.enqueue_indirect_dma source(%arg6 : memref<64xf32, #tpu.memory_space<vmem>>) target(%dma_start3A_148 : memref<10112xf32, #tpu.memory_space<vmem_shared>>) offsets(%dma_start3A_146 : memref<64xi32, #tpu.memory_space<vmem>>) semaphore(%arg8 : memref<!tpu.dma_semaphore, #tpu.memory_space<semaphore_mem>>) {add = true}
    }
    %scan3A_82 = arith.constant 149 : i32
    %dma_wait3A = arith.constant 0 : i32
    %dma_wait3A_83 = arith.constant 0 : i32
    %dma_wait3A_84 = tpu.memref_slice %arg5[%dma_wait3A, %dma_wait3A_83] : memref<157x64xi32, #tpu.memory_space<vmem>> -> memref<1x64xi32, #tpu.memory_space<vmem>>
    %dma_wait3A_85 = tpu.memref_squeeze %dma_wait3A_84 : memref<1x64xi32, #tpu.memory_space<vmem>> -> memref<64xi32, #tpu.memory_space<vmem>>
    %dma_wait3A_86 = arith.constant 0 : i32
    %dma_wait3A_87 = tpu.memref_slice %arg4[%dma_wait3A_86] : memref<10112xf32, #tpu.memory_space<vmem_shared>> -> memref<10112xf32, #tpu.memory_space<vmem_shared>>
    tpu.wait_indirect_dma semaphore(%arg8 : memref<!tpu.dma_semaphore, #tpu.memory_space<semaphore_mem>>) src(%arg6 : memref<64xf32, #tpu.memory_space<vmem>>) dst(%dma_wait3A_87 : memref<10112xf32, #tpu.memory_space<vmem_shared>>)
    %dma_wait3A_88 = arith.constant 0 : i32
    %dma_wait3A_89 = arith.constant 0 : i32
    %dma_wait3A_90 = tpu.memref_slice %arg5[%dma_wait3A_88, %dma_wait3A_89] : memref<157x64xi32, #tpu.memory_space<vmem>> -> memref<1x64xi32, #tpu.memory_space<vmem>>
    %dma_wait3A_91 = tpu.memref_squeeze %dma_wait3A_90 : memref<1x64xi32, #tpu.memory_space<vmem>> -> memref<64xi32, #tpu.memory_space<vmem>>
    %dma_wait3A_92 = arith.constant 0 : i32
    %dma_wait3A_93 = tpu.memref_slice %arg4[%dma_wait3A_92] : memref<10112xf32, #tpu.memory_space<vmem_shared>> -> memref<10112xf32, #tpu.memory_space<vmem_shared>>
    tpu.wait_indirect_dma semaphore(%arg8 : memref<!tpu.dma_semaphore, #tpu.memory_space<semaphore_mem>>) src(%arg6 : memref<64xf32, #tpu.memory_space<vmem>>) dst(%dma_wait3A_93 : memref<10112xf32, #tpu.memory_space<vmem_shared>>)
    %dma_wait3A_94 = arith.constant 0 : i32
    %dma_wait3A_95 = arith.constant 0 : i32
    %dma_wait3A_96 = tpu.memref_slice %arg5[%dma_wait3A_94, %dma_wait3A_95] : memref<157x64xi32, #tpu.memory_space<vmem>> -> memref<1x64xi32, #tpu.memory_space<vmem>>
    %dma_wait3A_97 = tpu.memref_squeeze %dma_wait3A_96 : memref<1x64xi32, #tpu.memory_space<vmem>> -> memref<64xi32, #tpu.memory_space<vmem>>
    %dma_wait3A_98 = arith.constant 0 : i32
    %dma_wait3A_99 = tpu.memref_slice %arg4[%dma_wait3A_98] : memref<10112xf32, #tpu.memory_space<vmem_shared>> -> memref<10112xf32, #tpu.memory_space<vmem_shared>>
    tpu.wait_indirect_dma semaphore(%arg8 : memref<!tpu.dma_semaphore, #tpu.memory_space<semaphore_mem>>) src(%arg6 : memref<64xf32, #tpu.memory_space<vmem>>) dst(%dma_wait3A_99 : memref<10112xf32, #tpu.memory_space<vmem_shared>>)
    %dma_wait3A_100 = arith.constant 0 : i32
    %dma_wait3A_101 = arith.constant 0 : i32
    %dma_wait3A_102 = tpu.memref_slice %arg5[%dma_wait3A_100, %dma_wait3A_101] : memref<157x64xi32, #tpu.memory_space<vmem>> -> memref<1x64xi32, #tpu.memory_space<vmem>>
    %dma_wait3A_103 = tpu.memref_squeeze %dma_wait3A_102 : memref<1x64xi32, #tpu.memory_space<vmem>> -> memref<64xi32, #tpu.memory_space<vmem>>
    %dma_wait3A_104 = arith.constant 0 : i32
    %dma_wait3A_105 = tpu.memref_slice %arg4[%dma_wait3A_104] : memref<10112xf32, #tpu.memory_space<vmem_shared>> -> memref<10112xf32, #tpu.memory_space<vmem_shared>>
    tpu.wait_indirect_dma semaphore(%arg8 : memref<!tpu.dma_semaphore, #tpu.memory_space<semaphore_mem>>) src(%arg6 : memref<64xf32, #tpu.memory_space<vmem>>) dst(%dma_wait3A_105 : memref<10112xf32, #tpu.memory_space<vmem_shared>>)
    %dma_wait3A_106 = arith.constant 0 : i32
    %dma_wait3A_107 = arith.constant 0 : i32
    %dma_wait3A_108 = tpu.memref_slice %arg5[%dma_wait3A_106, %dma_wait3A_107] : memref<157x64xi32, #tpu.memory_space<vmem>> -> memref<1x64xi32, #tpu.memory_space<vmem>>
    %dma_wait3A_109 = tpu.memref_squeeze %dma_wait3A_108 : memref<1x64xi32, #tpu.memory_space<vmem>> -> memref<64xi32, #tpu.memory_space<vmem>>
    %dma_wait3A_110 = arith.constant 0 : i32
    %dma_wait3A_111 = tpu.memref_slice %arg4[%dma_wait3A_110] : memref<10112xf32, #tpu.memory_space<vmem_shared>> -> memref<10112xf32, #tpu.memory_space<vmem_shared>>
    tpu.wait_indirect_dma semaphore(%arg8 : memref<!tpu.dma_semaphore, #tpu.memory_space<semaphore_mem>>) src(%arg6 : memref<64xf32, #tpu.memory_space<vmem>>) dst(%dma_wait3A_111 : memref<10112xf32, #tpu.memory_space<vmem_shared>>)
    %dma_wait3A_112 = arith.constant 0 : i32
    %dma_wait3A_113 = arith.constant 0 : i32
    %dma_wait3A_114 = tpu.memref_slice %arg5[%dma_wait3A_112, %dma_wait3A_113] : memref<157x64xi32, #tpu.memory_space<vmem>> -> memref<1x64xi32, #tpu.memory_space<vmem>>
    %dma_wait3A_115 = tpu.memref_squeeze %dma_wait3A_114 : memref<1x64xi32, #tpu.memory_space<vmem>> -> memref<64xi32, #tpu.memory_space<vmem>>
    %dma_wait3A_116 = arith.constant 0 : i32
    %dma_wait3A_117 = tpu.memref_slice %arg4[%dma_wait3A_116] : memref<10112xf32, #tpu.memory_space<vmem_shared>> -> memref<10112xf32, #tpu.memory_space<vmem_shared>>
    tpu.wait_indirect_dma semaphore(%arg8 : memref<!tpu.dma_semaphore, #tpu.memory_space<semaphore_mem>>) src(%arg6 : memref<64xf32, #tpu.memory_space<vmem>>) dst(%dma_wait3A_117 : memref<10112xf32, #tpu.memory_space<vmem_shared>>)
    %dma_wait3A_118 = arith.constant 0 : i32
    %dma_wait3A_119 = arith.constant 0 : i32
    %dma_wait3A_120 = tpu.memref_slice %arg5[%dma_wait3A_118, %dma_wait3A_119] : memref<157x64xi32, #tpu.memory_space<vmem>> -> memref<1x64xi32, #tpu.memory_space<vmem>>
    %dma_wait3A_121 = tpu.memref_squeeze %dma_wait3A_120 : memref<1x64xi32, #tpu.memory_space<vmem>> -> memref<64xi32, #tpu.memory_space<vmem>>
    %dma_wait3A_122 = arith.constant 0 : i32
    %dma_wait3A_123 = tpu.memref_slice %arg4[%dma_wait3A_122] : memref<10112xf32, #tpu.memory_space<vmem_shared>> -> memref<10112xf32, #tpu.memory_space<vmem_shared>>
    tpu.wait_indirect_dma semaphore(%arg8 : memref<!tpu.dma_semaphore, #tpu.memory_space<semaphore_mem>>) src(%arg6 : memref<64xf32, #tpu.memory_space<vmem>>) dst(%dma_wait3A_123 : memref<10112xf32, #tpu.memory_space<vmem_shared>>)
    %dma_wait3A_124 = arith.constant 0 : i32
    %dma_wait3A_125 = arith.constant 0 : i32
    %dma_wait3A_126 = tpu.memref_slice %arg5[%dma_wait3A_124, %dma_wait3A_125] : memref<157x64xi32, #tpu.memory_space<vmem>> -> memref<1x64xi32, #tpu.memory_space<vmem>>
    %dma_wait3A_127 = tpu.memref_squeeze %dma_wait3A_126 : memref<1x64xi32, #tpu.memory_space<vmem>> -> memref<64xi32, #tpu.memory_space<vmem>>
    %dma_wait3A_128 = arith.constant 0 : i32
    %dma_wait3A_129 = tpu.memref_slice %arg4[%dma_wait3A_128] : memref<10112xf32, #tpu.memory_space<vmem_shared>> -> memref<10112xf32, #tpu.memory_space<vmem_shared>>
    tpu.wait_indirect_dma semaphore(%arg8 : memref<!tpu.dma_semaphore, #tpu.memory_space<semaphore_mem>>) src(%arg6 : memref<64xf32, #tpu.memory_space<vmem>>) dst(%dma_wait3A_129 : memref<10112xf32, #tpu.memory_space<vmem_shared>>)
    %barrier3A_130 = arith.constant 0 : index
    tpu.barrier barrier_id(%barrier3A_130)
    %lt3A_131 = arith.constant 5 : i32
    %lt3A_132 = arith.cmpi slt, %arg1, %lt3A_131 : i32
    %convert_element_type3A_133 = arith.extui %lt3A_132 : i1 to i32
    %cond3A_134 = arith.constant 0 : i32
    %cond3A_135 = arith.cmpi ne, %convert_element_type3A_133, %cond3A_134 : i32
    scf.if %cond3A_135 {
      %mul3A_136 = arith.constant 2000 : i32
      %mul3A_137 = arith.muli %arg1, %mul3A_136 : i32
      "tpu.region"() ({
        %run_scoped3A = tpu.sem_alloc : memref<!tpu.dma_semaphore, #tpu.memory_space<semaphore_mem>>
        %dma_start3A_143 = tpu.memref_slice %arg4[%mul3A_137] : memref<10112xf32, #tpu.memory_space<vmem_shared>> -> memref<2000xf32, #tpu.memory_space<vmem_shared>>
        %dma_start3A_144 = tpu.memref_slice %arg4[%mul3A_137] : memref<10112xf32, #tpu.memory_space<vmem_shared>> -> memref<2000xf32, #tpu.memory_space<vmem_shared>>
        tpu.enqueue_dma source(%dma_start3A_144 : memref<2000xf32, #tpu.memory_space<vmem_shared>>) target(%arg7 : memref<2000xf32, #tpu.memory_space<vmem>>) target_semaphore(%run_scoped3A : memref<!tpu.dma_semaphore, #tpu.memory_space<semaphore_mem>>)
        %dma_wait3A_145 = tpu.memref_slice %arg4[%mul3A_137] : memref<10112xf32, #tpu.memory_space<vmem_shared>> -> memref<2000xf32, #tpu.memory_space<vmem_shared>>
        %dma_wait3A_146 = tpu.memref_slice %arg4[%mul3A_137] : memref<10112xf32, #tpu.memory_space<vmem_shared>> -> memref<2000xf32, #tpu.memory_space<vmem_shared>>
        tpu.wait_dma2 semaphore(%run_scoped3A : memref<!tpu.dma_semaphore, #tpu.memory_space<semaphore_mem>>) src(%dma_wait3A_146 : memref<2000xf32, #tpu.memory_space<vmem_shared>>) dst(%arg7 : memref<2000xf32, #tpu.memory_space<vmem>>)
        tpu.yield
      }) : () -> ()
      %mul3A_138 = arith.constant 10000 : i32
      %mul3A_139 = arith.muli %arg0, %mul3A_138 : i32
      %mul3A_140 = arith.constant 2000 : i32
      %mul3A_141 = arith.muli %arg1, %mul3A_140 : i32
      %add3A_142 = arith.addi %mul3A_139, %mul3A_141 : i32
      %multiple_of3A = tpu.assume_multiple %add3A_142, 8 : i32
      "tpu.region"() ({
        %run_scoped3A = tpu.sem_alloc : memref<!tpu.dma_semaphore, #tpu.memory_space<semaphore_mem>>
        %dma_start3A_143 = tpu.memref_slice %arg3[%multiple_of3A] : memref<20000xf32, #tpu.memory_space<hbm>> -> memref<2000xf32, #tpu.memory_space<hbm>>
        %dma_start3A_144 = tpu.memref_slice %arg3[%multiple_of3A] : memref<20000xf32, #tpu.memory_space<hbm>> -> memref<2000xf32, #tpu.memory_space<hbm>>
        tpu.enqueue_dma source(%arg7 : memref<2000xf32, #tpu.memory_space<vmem>>) target(%dma_start3A_144 : memref<2000xf32, #tpu.memory_space<hbm>>) target_semaphore(%run_scoped3A : memref<!tpu.dma_semaphore, #tpu.memory_space<semaphore_mem>>)
        %dma_wait3A_145 = tpu.memref_slice %arg3[%multiple_of3A] : memref<20000xf32, #tpu.memory_space<hbm>> -> memref<2000xf32, #tpu.memory_space<hbm>>
        %dma_wait3A_146 = tpu.memref_slice %arg3[%multiple_of3A] : memref<20000xf32, #tpu.memory_space<hbm>> -> memref<2000xf32, #tpu.memory_space<hbm>>
        tpu.wait_dma2 semaphore(%run_scoped3A : memref<!tpu.dma_semaphore, #tpu.memory_space<semaphore_mem>>) src(%arg7 : memref<2000xf32, #tpu.memory_space<vmem>>) dst(%dma_wait3A_146 : memref<2000xf32, #tpu.memory_space<hbm>>)
        tpu.yield
      }) : () -> ()
    } else {
    }
    return
  }
}

#map = affine_map<(d0, d1) -> (0, 0)>
#map1 = affine_map<(d0, d1) -> (0, 0, 0)>
module attributes {stable_mosaic.version = 14 : i64} {
  func.func @segsum_kernel(%arg0: i32, %arg1: i32, %arg2: memref<10000x128xf32, #tpu.memory_space<hbm>>, %arg3: memref<32x157x64xi32, #tpu.memory_space<hbm>>, %arg4: memref<32x157x64xi32, #tpu.memory_space<hbm>>, %arg5: memref<20000x128xf32, #tpu.memory_space<hbm>>, %arg6: memref<10112x128xf32, #tpu.memory_space<vmem_shared>>, %arg7: memref<157x64xi32, #tpu.memory_space<vmem>>, %arg8: memref<157x64xi32, #tpu.memory_space<vmem>>, %arg9: memref<3x64x128xf32, #tpu.memory_space<vmem>>, %arg10: memref<8x128xf32, #tpu.memory_space<vmem>>, %arg11: memref<3x!tpu.dma_semaphore, #tpu.memory_space<semaphore_mem>>, %arg12: memref<3x!tpu.dma_semaphore, #tpu.memory_space<semaphore_mem>>) attributes {dimension_semantics = [#tpu.dimension_semantics<core_parallel>, #tpu.dimension_semantics<subcore_parallel>], iteration_bounds = array<i64: 2, 16>, scalar_prefetch = 0 : i64, scratch_operands = 7 : i64, tpu.core_type = #tpu.core_type<sc_vector_subcore>, window_params = [{transform_indices = #map}, {transform_indices = #map1}, {transform_indices = #map1}, {transform_indices = #map}]} {
    %mul3A = arith.constant 16 : i32
    %mul3A_0 = arith.muli %arg0, %mul3A : i32
    %add3A = arith.addi %mul3A_0, %arg1 : i32
    "tpu.region"() ({
      %run_scoped3A = tpu.sem_alloc : memref<!tpu.dma_semaphore, #tpu.memory_space<semaphore_mem>>
      %dma_start3A = arith.constant 0 : i32
      %dma_start3A_83 = arith.constant 0 : i32
      %dma_start3A_84 = tpu.memref_slice %arg3[%add3A, %dma_start3A, %dma_start3A_83] : memref<32x157x64xi32, #tpu.memory_space<hbm>> -> memref<1x157x64xi32, #tpu.memory_space<hbm>>
      %dma_start3A_85 = tpu.memref_squeeze %dma_start3A_84 : memref<1x157x64xi32, #tpu.memory_space<hbm>> -> memref<157x64xi32, #tpu.memory_space<hbm>>
      %dma_start3A_86 = arith.constant 0 : i32
      %dma_start3A_87 = arith.constant 0 : i32
      %dma_start3A_88 = tpu.memref_slice %arg3[%add3A, %dma_start3A_86, %dma_start3A_87] : memref<32x157x64xi32, #tpu.memory_space<hbm>> -> memref<1x157x64xi32, #tpu.memory_space<hbm>>
      %dma_start3A_89 = tpu.memref_squeeze %dma_start3A_88 : memref<1x157x64xi32, #tpu.memory_space<hbm>> -> memref<157x64xi32, #tpu.memory_space<hbm>>
      tpu.enqueue_dma source(%dma_start3A_89 : memref<157x64xi32, #tpu.memory_space<hbm>>) target(%arg7 : memref<157x64xi32, #tpu.memory_space<vmem>>) target_semaphore(%run_scoped3A : memref<!tpu.dma_semaphore, #tpu.memory_space<semaphore_mem>>)
      %dma_wait3A_90 = arith.constant 0 : i32
      %dma_wait3A_91 = arith.constant 0 : i32
      %dma_wait3A_92 = tpu.memref_slice %arg3[%add3A, %dma_wait3A_90, %dma_wait3A_91] : memref<32x157x64xi32, #tpu.memory_space<hbm>> -> memref<1x157x64xi32, #tpu.memory_space<hbm>>
      %dma_wait3A_93 = tpu.memref_squeeze %dma_wait3A_92 : memref<1x157x64xi32, #tpu.memory_space<hbm>> -> memref<157x64xi32, #tpu.memory_space<hbm>>
      %dma_wait3A_94 = arith.constant 0 : i32
      %dma_wait3A_95 = arith.constant 0 : i32
      %dma_wait3A_96 = tpu.memref_slice %arg3[%add3A, %dma_wait3A_94, %dma_wait3A_95] : memref<32x157x64xi32, #tpu.memory_space<hbm>> -> memref<1x157x64xi32, #tpu.memory_space<hbm>>
      %dma_wait3A_97 = tpu.memref_squeeze %dma_wait3A_96 : memref<1x157x64xi32, #tpu.memory_space<hbm>> -> memref<157x64xi32, #tpu.memory_space<hbm>>
      tpu.wait_dma2 semaphore(%run_scoped3A : memref<!tpu.dma_semaphore, #tpu.memory_space<semaphore_mem>>) src(%dma_wait3A_97 : memref<157x64xi32, #tpu.memory_space<hbm>>) dst(%arg7 : memref<157x64xi32, #tpu.memory_space<vmem>>)
      tpu.yield
    }) : () -> ()
    "tpu.region"() ({
      %run_scoped3A = tpu.sem_alloc : memref<!tpu.dma_semaphore, #tpu.memory_space<semaphore_mem>>
      %dma_start3A = arith.constant 0 : i32
      %dma_start3A_83 = arith.constant 0 : i32
      %dma_start3A_84 = tpu.memref_slice %arg4[%add3A, %dma_start3A, %dma_start3A_83] : memref<32x157x64xi32, #tpu.memory_space<hbm>> -> memref<1x157x64xi32, #tpu.memory_space<hbm>>
      %dma_start3A_85 = tpu.memref_squeeze %dma_start3A_84 : memref<1x157x64xi32, #tpu.memory_space<hbm>> -> memref<157x64xi32, #tpu.memory_space<hbm>>
      %dma_start3A_86 = arith.constant 0 : i32
      %dma_start3A_87 = arith.constant 0 : i32
      %dma_start3A_88 = tpu.memref_slice %arg4[%add3A, %dma_start3A_86, %dma_start3A_87] : memref<32x157x64xi32, #tpu.memory_space<hbm>> -> memref<1x157x64xi32, #tpu.memory_space<hbm>>
      %dma_start3A_89 = tpu.memref_squeeze %dma_start3A_88 : memref<1x157x64xi32, #tpu.memory_space<hbm>> -> memref<157x64xi32, #tpu.memory_space<hbm>>
      tpu.enqueue_dma source(%dma_start3A_89 : memref<157x64xi32, #tpu.memory_space<hbm>>) target(%arg8 : memref<157x64xi32, #tpu.memory_space<vmem>>) target_semaphore(%run_scoped3A : memref<!tpu.dma_semaphore, #tpu.memory_space<semaphore_mem>>)
      %dma_wait3A_90 = arith.constant 0 : i32
      %dma_wait3A_91 = arith.constant 0 : i32
      %dma_wait3A_92 = tpu.memref_slice %arg4[%add3A, %dma_wait3A_90, %dma_wait3A_91] : memref<32x157x64xi32, #tpu.memory_space<hbm>> -> memref<1x157x64xi32, #tpu.memory_space<hbm>>
      %dma_wait3A_93 = tpu.memref_squeeze %dma_wait3A_92 : memref<1x157x64xi32, #tpu.memory_space<hbm>> -> memref<157x64xi32, #tpu.memory_space<hbm>>
      %dma_wait3A_94 = arith.constant 0 : i32
      %dma_wait3A_95 = arith.constant 0 : i32
      %dma_wait3A_96 = tpu.memref_slice %arg4[%add3A, %dma_wait3A_94, %dma_wait3A_95] : memref<32x157x64xi32, #tpu.memory_space<hbm>> -> memref<1x157x64xi32, #tpu.memory_space<hbm>>
      %dma_wait3A_97 = tpu.memref_squeeze %dma_wait3A_96 : memref<1x157x64xi32, #tpu.memory_space<hbm>> -> memref<157x64xi32, #tpu.memory_space<hbm>>
      tpu.wait_dma2 semaphore(%run_scoped3A : memref<!tpu.dma_semaphore, #tpu.memory_space<semaphore_mem>>) src(%dma_wait3A_97 : memref<157x64xi32, #tpu.memory_space<hbm>>) dst(%arg8 : memref<157x64xi32, #tpu.memory_space<vmem>>)
      tpu.yield
    }) : () -> ()
    %broadcast_in_dim3A = arith.constant 0.000000e+00 : f32
    %broadcast_in_dim3A_1 = vector.broadcast %broadcast_in_dim3A : f32 to vector<16xf32>
    %scan3A = arith.constant 0 : i32
    %scan3A_2 = arith.constant 0 : i32
    %scan3A_3 = arith.constant 64 : i32
    %scan3A_4 = arith.addi %scan3A_2, %scan3A_3 : i32
    %scan3A_5 = arith.constant 1 : i32
    scf.for %scan3A_83 = %scan3A_2 to %scan3A_4 step %scan3A_5  : i32 {
      %jit3A = arith.constant 8 : i32
      %div3A = arith.divsi %scan3A_83, %jit3A : i32
      %sign3A = arith.constant 0 : i32
      %sign3A_84 = arith.cmpi sgt, %scan3A_83, %sign3A : i32
      %sign3A_85 = arith.extui %sign3A_84 : i1 to i32
      %sign3A_86 = arith.constant 0 : i32
      %sign3A_87 = arith.cmpi slt, %scan3A_83, %sign3A_86 : i32
      %sign3A_88 = arith.extui %sign3A_87 : i1 to i32
      %sign3A_89 = arith.subi %sign3A_85, %sign3A_88 : i32
      %sign3A_90 = arith.constant 0 : i32
      %sign3A_91 = arith.cmpi sgt, %jit3A, %sign3A_90 : i32
      %sign3A_92 = arith.extui %sign3A_91 : i1 to i32
      %sign3A_93 = arith.constant 0 : i32
      %sign3A_94 = arith.cmpi slt, %jit3A, %sign3A_93 : i32
      %sign3A_95 = arith.extui %sign3A_94 : i1 to i32
      %sign3A_96 = arith.subi %sign3A_92, %sign3A_95 : i32
      %ne3A = arith.cmpi ne, %sign3A_89, %sign3A_96 : i32
      %rem3A_97 = arith.remsi %scan3A_83, %jit3A : i32
      %ne3A_98 = arith.constant 0 : i32
      %ne3A_99 = arith.cmpi ne, %rem3A_97, %ne3A_98 : i32
      %and3A = arith.andi %ne3A, %ne3A_99 : i1
      %sub3A = arith.constant 1 : i32
      %sub3A_100 = arith.subi %div3A, %sub3A : i32
      %select_n3A = arith.select %and3A, %sub3A_100, %div3A : i32
      %jit3A_101 = arith.constant 8 : i32
      %eq3A_102 = arith.constant 0 : i32
      %eq3A_103 = arith.cmpi eq, %jit3A_101, %eq3A_102 : i32
      %jit3A_104 = arith.constant 1 : i32
      %select_n3A_105 = arith.select %eq3A_103, %jit3A_104, %jit3A_101 : i32
      %rem3A_106 = arith.remsi %scan3A_83, %select_n3A_105 : i32
      %ne3A_107 = arith.constant 0 : i32
      %ne3A_108 = arith.cmpi ne, %rem3A_106, %ne3A_107 : i32
      %lt3A = arith.constant 0 : i32
      %lt3A_109 = arith.cmpi slt, %rem3A_106, %lt3A : i32
      %lt3A_110 = arith.constant 0 : i32
      %lt3A_111 = arith.cmpi slt, %select_n3A_105, %lt3A_110 : i32
      %ne3A_112 = arith.xori %lt3A_109, %lt3A_111 : i1
      %and3A_113 = arith.andi %ne3A_112, %ne3A_108 : i1
      %add3A_114 = arith.addi %rem3A_106, %select_n3A_105 : i32
      %select_n3A_115 = arith.select %and3A_113, %add3A_114, %rem3A_106 : i32
      %mul3A_116 = arith.constant 16 : i32
      %mul3A_117 = arith.muli %select_n3A_115, %mul3A_116 : i32
      %swap3A = arith.index_cast %select_n3A : i32 to index
      %swap3A_118 = arith.index_cast %mul3A_117 : i32 to index
      %swap3A_119 = tpu.vector_load %arg10[%swap3A, %swap3A_118] {strides = array<i32>} : memref<8x128xf32, #tpu.memory_space<vmem>>, vector<1x16xf32>,
      %swap3A_120 = vector.shape_cast %swap3A_119 : vector<1x16xf32> to vector<16xf32>
      %swap3A_121 = vector.shape_cast %broadcast_in_dim3A_1 : vector<16xf32> to vector<1x16xf32>
      tpu.vector_store %arg10[%swap3A, %swap3A_118], %swap3A_121 {strides = array<i32>} : memref<8x128xf32, #tpu.memory_space<vmem>>, vector<1x16xf32>,
    }
    %scan3A_6 = arith.constant 64 : i32
    %scan3A_7 = arith.constant 0 : i32
    %scan3A_8 = arith.constant 0 : i32
    %scan3A_9 = arith.constant 512 : i32
    %scan3A_10 = arith.addi %scan3A_8, %scan3A_9 : i32
    %scan3A_11 = arith.constant 1 : i32
    scf.for %scan3A_83 = %scan3A_8 to %scan3A_10 step %scan3A_11  : i32 {
      %jit3A = arith.constant 8 : i32
      %div3A = arith.divsi %scan3A_83, %jit3A : i32
      %sign3A = arith.constant 0 : i32
      %sign3A_84 = arith.cmpi sgt, %scan3A_83, %sign3A : i32
      %sign3A_85 = arith.extui %sign3A_84 : i1 to i32
      %sign3A_86 = arith.constant 0 : i32
      %sign3A_87 = arith.cmpi slt, %scan3A_83, %sign3A_86 : i32
      %sign3A_88 = arith.extui %sign3A_87 : i1 to i32
      %sign3A_89 = arith.subi %sign3A_85, %sign3A_88 : i32
      %sign3A_90 = arith.constant 0 : i32
      %sign3A_91 = arith.cmpi sgt, %jit3A, %sign3A_90 : i32
      %sign3A_92 = arith.extui %sign3A_91 : i1 to i32
      %sign3A_93 = arith.constant 0 : i32
      %sign3A_94 = arith.cmpi slt, %jit3A, %sign3A_93 : i32
      %sign3A_95 = arith.extui %sign3A_94 : i1 to i32
      %sign3A_96 = arith.subi %sign3A_92, %sign3A_95 : i32
      %ne3A = arith.cmpi ne, %sign3A_89, %sign3A_96 : i32
      %rem3A_97 = arith.remsi %scan3A_83, %jit3A : i32
      %ne3A_98 = arith.constant 0 : i32
      %ne3A_99 = arith.cmpi ne, %rem3A_97, %ne3A_98 : i32
      %and3A = arith.andi %ne3A, %ne3A_99 : i1
      %sub3A = arith.constant 1 : i32
      %sub3A_100 = arith.subi %div3A, %sub3A : i32
      %select_n3A = arith.select %and3A, %sub3A_100, %div3A : i32
      %jit3A_101 = arith.constant 8 : i32
      %eq3A_102 = arith.constant 0 : i32
      %eq3A_103 = arith.cmpi eq, %jit3A_101, %eq3A_102 : i32
      %jit3A_104 = arith.constant 1 : i32
      %select_n3A_105 = arith.select %eq3A_103, %jit3A_104, %jit3A_101 : i32
      %rem3A_106 = arith.remsi %scan3A_83, %select_n3A_105 : i32
      %ne3A_107 = arith.constant 0 : i32
      %ne3A_108 = arith.cmpi ne, %rem3A_106, %ne3A_107 : i32
      %lt3A = arith.constant 0 : i32
      %lt3A_109 = arith.cmpi slt, %rem3A_106, %lt3A : i32
      %lt3A_110 = arith.constant 0 : i32
      %lt3A_111 = arith.cmpi slt, %select_n3A_105, %lt3A_110 : i32
      %ne3A_112 = arith.xori %lt3A_109, %lt3A_111 : i1
      %and3A_113 = arith.andi %ne3A_112, %ne3A_108 : i1
      %add3A_114 = arith.addi %rem3A_106, %select_n3A_105 : i32
      %select_n3A_115 = arith.select %and3A_113, %add3A_114, %rem3A_106 : i32
      %mul3A_116 = arith.constant 16 : i32
      %mul3A_117 = arith.muli %select_n3A_115, %mul3A_116 : i32
      %swap3A = arith.constant 0 : i32
      %swap3A_118 = arith.index_cast %swap3A : i32 to index
      %swap3A_119 = arith.index_cast %select_n3A : i32 to index
      %swap3A_120 = arith.index_cast %mul3A_117 : i32 to index
      %swap3A_121 = tpu.vector_load %arg9[%swap3A_118, %swap3A_119, %swap3A_120] {strides = array<i32>} : memref<3x64x128xf32, #tpu.memory_space<vmem>>, vector<1x1x16xf32>,
      %swap3A_122 = vector.shape_cast %swap3A_121 : vector<1x1x16xf32> to vector<16xf32>
      %swap3A_123 = vector.shape_cast %broadcast_in_dim3A_1 : vector<16xf32> to vector<1x1x16xf32>
      tpu.vector_store %arg9[%swap3A_118, %swap3A_119, %swap3A_120], %swap3A_123 {strides = array<i32>} : memref<3x64x128xf32, #tpu.memory_space<vmem>>, vector<1x1x16xf32>,
    }
    %scan3A_12 = arith.constant 512 : i32
    %scan3A_13 = arith.constant 0 : i32
    %scan3A_14 = arith.constant 0 : i32
    %scan3A_15 = arith.constant 9 : i32
    %scan3A_16 = arith.addi %scan3A_14, %scan3A_15 : i32
    %scan3A_17 = arith.constant 1 : i32
    scf.for %scan3A_83 = %scan3A_14 to %scan3A_16 step %scan3A_17  : i32 {
      %mul3A_84 = arith.constant 632 : i32
      %mul3A_85 = arith.muli %arg1, %mul3A_84 : i32
      %mul3A_86 = arith.constant 64 : i32
      %mul3A_87 = arith.muli %scan3A_83, %mul3A_86 : i32
      %add3A_88 = arith.addi %mul3A_85, %mul3A_87 : i32
      %multiple_of3A = tpu.assume_multiple %add3A_88, 8 : i32
      %dma_start3A = arith.constant 0 : i32
      %dma_start3A_89 = arith.constant 0 : i32
      %dma_start3A_90 = arith.constant 0 : i32
      %dma_start3A_91 = arith.constant 0 : i32
      %dma_start3A_92 = tpu.memref_slice %arg9[%dma_start3A, %dma_start3A_90, %dma_start3A_91] : memref<3x64x128xf32, #tpu.memory_space<vmem>> -> memref<1x64x128xf32, #tpu.memory_space<vmem>>
      %dma_start3A_93 = tpu.memref_squeeze %dma_start3A_92 : memref<1x64x128xf32, #tpu.memory_space<vmem>> -> memref<64x128xf32, #tpu.memory_space<vmem>>
      %dma_start3A_94 = arith.constant 0 : i32
      %dma_start3A_95 = tpu.memref_slice %arg6[%multiple_of3A, %dma_start3A_94] : memref<10112x128xf32, #tpu.memory_space<vmem_shared>> -> memref<64x128xf32, #tpu.memory_space<vmem_shared>>
      %dma_start3A_96 = tpu.memref_slice %arg12[%dma_start3A_89] : memref<3x!tpu.dma_semaphore, #tpu.memory_space<semaphore_mem>> -> memref<1x!tpu.dma_semaphore, #tpu.memory_space<semaphore_mem>>
      %dma_start3A_97 = tpu.memref_squeeze %dma_start3A_96 : memref<1x!tpu.dma_semaphore, #tpu.memory_space<semaphore_mem>> -> memref<!tpu.dma_semaphore, #tpu.memory_space<semaphore_mem>>
      %dma_start3A_98 = arith.constant 0 : i32
      %dma_start3A_99 = tpu.memref_slice %arg6[%multiple_of3A, %dma_start3A_98] : memref<10112x128xf32, #tpu.memory_space<vmem_shared>> -> memref<64x128xf32, #tpu.memory_space<vmem_shared>>
      %dma_start3A_100 = arith.constant 0 : i32
      %dma_start3A_101 = arith.constant 0 : i32
      %dma_start3A_102 = tpu.memref_slice %arg9[%dma_start3A, %dma_start3A_100, %dma_start3A_101] : memref<3x64x128xf32, #tpu.memory_space<vmem>> -> memref<1x64x128xf32, #tpu.memory_space<vmem>>
      %dma_start3A_103 = tpu.memref_squeeze %dma_start3A_102 : memref<1x64x128xf32, #tpu.memory_space<vmem>> -> memref<64x128xf32, #tpu.memory_space<vmem>>
      tpu.enqueue_dma source(%dma_start3A_103 : memref<64x128xf32, #tpu.memory_space<vmem>>) target(%dma_start3A_99 : memref<64x128xf32, #tpu.memory_space<vmem_shared>>) target_semaphore(%dma_start3A_97 : memref<!tpu.dma_semaphore, #tpu.memory_space<semaphore_mem>>)
    }
    %scan3A_18 = arith.constant 9 : i32
    %scan3A_19 = arith.constant 0 : i32
    %scan3A_20 = arith.constant 0 : i32
    %scan3A_21 = arith.constant 7 : i32
    %scan3A_22 = arith.addi %scan3A_20, %scan3A_21 : i32
    %scan3A_23 = arith.constant 1 : i32
    scf.for %scan3A_83 = %scan3A_20 to %scan3A_22 step %scan3A_23  : i32 {
      %mul3A_84 = arith.constant 632 : i32
      %mul3A_85 = arith.muli %arg1, %mul3A_84 : i32
      %add3A_86 = arith.constant 576 : i32
      %add3A_87 = arith.addi %mul3A_85, %add3A_86 : i32
      %mul3A_88 = arith.constant 8 : i32
      %mul3A_89 = arith.muli %scan3A_83, %mul3A_88 : i32
      %add3A_90 = arith.addi %add3A_87, %mul3A_89 : i32
      %multiple_of3A = tpu.assume_multiple %add3A_90, 8 : i32
      %dma_start3A = arith.constant 0 : i32
      %dma_start3A_91 = arith.constant 0 : i32
      %dma_start3A_92 = tpu.memref_slice %arg6[%multiple_of3A, %dma_start3A_91] : memref<10112x128xf32, #tpu.memory_space<vmem_shared>> -> memref<8x128xf32, #tpu.memory_space<vmem_shared>>
      %dma_start3A_93 = tpu.memref_slice %arg12[%dma_start3A] : memref<3x!tpu.dma_semaphore, #tpu.memory_space<semaphore_mem>> -> memref<1x!tpu.dma_semaphore, #tpu.memory_space<semaphore_mem>>
      %dma_start3A_94 = tpu.memref_squeeze %dma_start3A_93 : memref<1x!tpu.dma_semaphore, #tpu.memory_space<semaphore_mem>> -> memref<!tpu.dma_semaphore, #tpu.memory_space<semaphore_mem>>
      %dma_start3A_95 = arith.constant 0 : i32
      %dma_start3A_96 = tpu.memref_slice %arg6[%multiple_of3A, %dma_start3A_95] : memref<10112x128xf32, #tpu.memory_space<vmem_shared>> -> memref<8x128xf32, #tpu.memory_space<vmem_shared>>
      tpu.enqueue_dma source(%arg10 : memref<8x128xf32, #tpu.memory_space<vmem>>) target(%dma_start3A_96 : memref<8x128xf32, #tpu.memory_space<vmem_shared>>) target_semaphore(%dma_start3A_94 : memref<!tpu.dma_semaphore, #tpu.memory_space<semaphore_mem>>)
    }
    %scan3A_24 = arith.constant 7 : i32
    %scan3A_25 = arith.constant 0 : i32
    %scan3A_26 = arith.constant 0 : i32
    %scan3A_27 = arith.constant 9 : i32
    %scan3A_28 = arith.addi %scan3A_26, %scan3A_27 : i32
    %scan3A_29 = arith.constant 1 : i32
    scf.for %scan3A_83 = %scan3A_26 to %scan3A_28 step %scan3A_29  : i32 {
      %mul3A_84 = arith.constant 632 : i32
      %mul3A_85 = arith.muli %arg1, %mul3A_84 : i32
      %multiple_of3A = tpu.assume_multiple %mul3A_85, 8 : i32
      %dma_wait3A_86 = arith.constant 0 : i32
      %dma_wait3A_87 = arith.constant 0 : i32
      %dma_wait3A_88 = arith.constant 0 : i32
      %dma_wait3A_89 = arith.constant 0 : i32
      %dma_wait3A_90 = tpu.memref_slice %arg9[%dma_wait3A_86, %dma_wait3A_88, %dma_wait3A_89] : memref<3x64x128xf32, #tpu.memory_space<vmem>> -> memref<1x64x128xf32, #tpu.memory_space<vmem>>
      %dma_wait3A_91 = tpu.memref_squeeze %dma_wait3A_90 : memref<1x64x128xf32, #tpu.memory_space<vmem>> -> memref<64x128xf32, #tpu.memory_space<vmem>>
      %dma_wait3A_92 = arith.constant 0 : i32
      %dma_wait3A_93 = tpu.memref_slice %arg6[%multiple_of3A, %dma_wait3A_92] : memref<10112x128xf32, #tpu.memory_space<vmem_shared>> -> memref<64x128xf32, #tpu.memory_space<vmem_shared>>
      %dma_wait3A_94 = tpu.memref_slice %arg12[%dma_wait3A_87] : memref<3x!tpu.dma_semaphore, #tpu.memory_space<semaphore_mem>> -> memref<1x!tpu.dma_semaphore, #tpu.memory_space<semaphore_mem>>
      %dma_wait3A_95 = tpu.memref_squeeze %dma_wait3A_94 : memref<1x!tpu.dma_semaphore, #tpu.memory_space<semaphore_mem>> -> memref<!tpu.dma_semaphore, #tpu.memory_space<semaphore_mem>>
      %dma_wait3A_96 = arith.constant 0 : i32
      %dma_wait3A_97 = tpu.memref_slice %arg6[%multiple_of3A, %dma_wait3A_96] : memref<10112x128xf32, #tpu.memory_space<vmem_shared>> -> memref<64x128xf32, #tpu.memory_space<vmem_shared>>
      %dma_wait3A_98 = arith.constant 0 : i32
      %dma_wait3A_99 = arith.constant 0 : i32
      %dma_wait3A_100 = tpu.memref_slice %arg9[%dma_wait3A_86, %dma_wait3A_98, %dma_wait3A_99] : memref<3x64x128xf32, #tpu.memory_space<vmem>> -> memref<1x64x128xf32, #tpu.memory_space<vmem>>
      %dma_wait3A_101 = tpu.memref_squeeze %dma_wait3A_100 : memref<1x64x128xf32, #tpu.memory_space<vmem>> -> memref<64x128xf32, #tpu.memory_space<vmem>>
      tpu.wait_dma2 semaphore(%dma_wait3A_95 : memref<!tpu.dma_semaphore, #tpu.memory_space<semaphore_mem>>) src(%dma_wait3A_101 : memref<64x128xf32, #tpu.memory_space<vmem>>) dst(%dma_wait3A_97 : memref<64x128xf32, #tpu.memory_space<vmem_shared>>)
    }
    %scan3A_30 = arith.constant 9 : i32
    %scan3A_31 = arith.constant 0 : i32
    %scan3A_32 = arith.constant 0 : i32
    %scan3A_33 = arith.constant 7 : i32
    %scan3A_34 = arith.addi %scan3A_32, %scan3A_33 : i32
    %scan3A_35 = arith.constant 1 : i32
    scf.for %scan3A_83 = %scan3A_32 to %scan3A_34 step %scan3A_35  : i32 {
      %mul3A_84 = arith.constant 632 : i32
      %mul3A_85 = arith.muli %arg1, %mul3A_84 : i32
      %multiple_of3A = tpu.assume_multiple %mul3A_85, 8 : i32
      %dma_wait3A_86 = arith.constant 0 : i32
      %dma_wait3A_87 = arith.constant 0 : i32
      %dma_wait3A_88 = tpu.memref_slice %arg6[%multiple_of3A, %dma_wait3A_87] : memref<10112x128xf32, #tpu.memory_space<vmem_shared>> -> memref<8x128xf32, #tpu.memory_space<vmem_shared>>
      %dma_wait3A_89 = tpu.memref_slice %arg12[%dma_wait3A_86] : memref<3x!tpu.dma_semaphore, #tpu.memory_space<semaphore_mem>> -> memref<1x!tpu.dma_semaphore, #tpu.memory_space<semaphore_mem>>
      %dma_wait3A_90 = tpu.memref_squeeze %dma_wait3A_89 : memref<1x!tpu.dma_semaphore, #tpu.memory_space<semaphore_mem>> -> memref<!tpu.dma_semaphore, #tpu.memory_space<semaphore_mem>>
      %dma_wait3A_91 = arith.constant 0 : i32
      %dma_wait3A_92 = tpu.memref_slice %arg6[%multiple_of3A, %dma_wait3A_91] : memref<10112x128xf32, #tpu.memory_space<vmem_shared>> -> memref<8x128xf32, #tpu.memory_space<vmem_shared>>
      tpu.wait_dma2 semaphore(%dma_wait3A_90 : memref<!tpu.dma_semaphore, #tpu.memory_space<semaphore_mem>>) src(%arg10 : memref<8x128xf32, #tpu.memory_space<vmem>>) dst(%dma_wait3A_92 : memref<8x128xf32, #tpu.memory_space<vmem_shared>>)
    }
    %scan3A_36 = arith.constant 7 : i32
    %scan3A_37 = arith.constant 0 : i32
    %scan3A_38 = arith.constant 0 : i32
    %scan3A_39 = arith.constant 2 : i32
    %scan3A_40 = arith.addi %scan3A_38, %scan3A_39 : i32
    %scan3A_41 = arith.constant 1 : i32
    scf.for %scan3A_83 = %scan3A_38 to %scan3A_40 step %scan3A_41  : i32 {
      %dma_start3A = arith.constant 0 : i32
      %dma_start3A_84 = arith.constant 0 : i32
      %dma_start3A_85 = tpu.memref_slice %arg9[%scan3A_83, %dma_start3A, %dma_start3A_84] : memref<3x64x128xf32, #tpu.memory_space<vmem>> -> memref<1x64x128xf32, #tpu.memory_space<vmem>>
      %dma_start3A_86 = tpu.memref_squeeze %dma_start3A_85 : memref<1x64x128xf32, #tpu.memory_space<vmem>> -> memref<64x128xf32, #tpu.memory_space<vmem>>
      %dma_start3A_87 = arith.constant 0 : i32
      %dma_start3A_88 = tpu.memref_slice %arg7[%scan3A_83, %dma_start3A_87] : memref<157x64xi32, #tpu.memory_space<vmem>> -> memref<1x64xi32, #tpu.memory_space<vmem>>
      %dma_start3A_89 = tpu.memref_squeeze %dma_start3A_88 : memref<1x64xi32, #tpu.memory_space<vmem>> -> memref<64xi32, #tpu.memory_space<vmem>>
      %dma_start3A_90 = arith.constant 0 : i32
      %dma_start3A_91 = arith.constant 0 : i32
      %dma_start3A_92 = tpu.memref_slice %arg2[%dma_start3A_90, %dma_start3A_91] : memref<10000x128xf32, #tpu.memory_space<hbm>> -> memref<10000x128xf32, #tpu.memory_space<hbm>>
      %dma_start3A_93 = tpu.memref_slice %arg11[%scan3A_83] : memref<3x!tpu.dma_semaphore, #tpu.memory_space<semaphore_mem>> -> memref<1x!tpu.dma_semaphore, #tpu.memory_space<semaphore_mem>>
      %dma_start3A_94 = tpu.memref_squeeze %dma_start3A_93 : memref<1x!tpu.dma_semaphore, #tpu.memory_space<semaphore_mem>> -> memref<!tpu.dma_semaphore, #tpu.memory_space<semaphore_mem>>
      tpu.enqueue_indirect_dma source(%dma_start3A_92 : memref<10000x128xf32, #tpu.memory_space<hbm>>) target(%dma_start3A_86 : memref<64x128xf32, #tpu.memory_space<vmem>>) offsets(%dma_start3A_89 : memref<64xi32, #tpu.memory_space<vmem>>) semaphore(%dma_start3A_94 : memref<!tpu.dma_semaphore, #tpu.memory_space<semaphore_mem>>)
    }
    %scan3A_42 = arith.constant 2 : i32
    %barrier3A = arith.constant 0 : index
    tpu.barrier barrier_id(%barrier3A)
    %scan3A_43 = arith.constant 0 : i32
    %scan3A_44 = arith.constant 0 : i32
    %scan3A_45 = arith.constant 157 : i32
    %scan3A_46 = arith.addi %scan3A_44, %scan3A_45 : i32
    %scan3A_47 = arith.constant 1 : i32
    scf.for %scan3A_83 = %scan3A_44 to %scan3A_46 step %scan3A_47  : i32 {
      %rem3A_84 = arith.constant 3 : i32
      %rem3A_85 = arith.remsi %scan3A_83, %rem3A_84 : i32
      %add3A_86 = arith.constant 2 : i32
      %add3A_87 = arith.addi %scan3A_83, %add3A_86 : i32
      %rem3A_88 = arith.constant 3 : i32
      %rem3A_89 = arith.remsi %add3A_87, %rem3A_88 : i32
      %dma_wait3A_90 = arith.constant 0 : i32
      %dma_wait3A_91 = arith.constant 0 : i32
      %dma_wait3A_92 = tpu.memref_slice %arg9[%rem3A_85, %dma_wait3A_90, %dma_wait3A_91] : memref<3x64x128xf32, #tpu.memory_space<vmem>> -> memref<1x64x128xf32, #tpu.memory_space<vmem>>
      %dma_wait3A_93 = tpu.memref_squeeze %dma_wait3A_92 : memref<1x64x128xf32, #tpu.memory_space<vmem>> -> memref<64x128xf32, #tpu.memory_space<vmem>>
      %dma_wait3A_94 = arith.constant 0 : i32
      %dma_wait3A_95 = tpu.memref_slice %arg7[%scan3A_83, %dma_wait3A_94] : memref<157x64xi32, #tpu.memory_space<vmem>> -> memref<1x64xi32, #tpu.memory_space<vmem>>
      %dma_wait3A_96 = tpu.memref_squeeze %dma_wait3A_95 : memref<1x64xi32, #tpu.memory_space<vmem>> -> memref<64xi32, #tpu.memory_space<vmem>>
      %dma_wait3A_97 = arith.constant 0 : i32
      %dma_wait3A_98 = arith.constant 0 : i32
      %dma_wait3A_99 = tpu.memref_slice %arg2[%dma_wait3A_97, %dma_wait3A_98] : memref<10000x128xf32, #tpu.memory_space<hbm>> -> memref<10000x128xf32, #tpu.memory_space<hbm>>
      %dma_wait3A_100 = tpu.memref_slice %arg11[%rem3A_85] : memref<3x!tpu.dma_semaphore, #tpu.memory_space<semaphore_mem>> -> memref<1x!tpu.dma_semaphore, #tpu.memory_space<semaphore_mem>>
      %dma_wait3A_101 = tpu.memref_squeeze %dma_wait3A_100 : memref<1x!tpu.dma_semaphore, #tpu.memory_space<semaphore_mem>> -> memref<!tpu.dma_semaphore, #tpu.memory_space<semaphore_mem>>
      tpu.wait_indirect_dma semaphore(%dma_wait3A_101 : memref<!tpu.dma_semaphore, #tpu.memory_space<semaphore_mem>>) src(%dma_wait3A_99 : memref<10000x128xf32, #tpu.memory_space<hbm>>) dst(%dma_wait3A_93 : memref<64x128xf32, #tpu.memory_space<vmem>>)
      %dma_start3A = arith.constant 0 : i32
      %dma_start3A_102 = arith.constant 0 : i32
      %dma_start3A_103 = tpu.memref_slice %arg9[%rem3A_85, %dma_start3A, %dma_start3A_102] : memref<3x64x128xf32, #tpu.memory_space<vmem>> -> memref<1x64x128xf32, #tpu.memory_space<vmem>>
      %dma_start3A_104 = tpu.memref_squeeze %dma_start3A_103 : memref<1x64x128xf32, #tpu.memory_space<vmem>> -> memref<64x128xf32, #tpu.memory_space<vmem>>
      %dma_start3A_105 = arith.constant 0 : i32
      %dma_start3A_106 = tpu.memref_slice %arg8[%scan3A_83, %dma_start3A_105] : memref<157x64xi32, #tpu.memory_space<vmem>> -> memref<1x64xi32, #tpu.memory_space<vmem>>
      %dma_start3A_107 = tpu.memref_squeeze %dma_start3A_106 : memref<1x64xi32, #tpu.memory_space<vmem>> -> memref<64xi32, #tpu.memory_space<vmem>>
      %dma_start3A_108 = arith.constant 0 : i32
      %dma_start3A_109 = arith.constant 0 : i32
      %dma_start3A_110 = tpu.memref_slice %arg6[%dma_start3A_108, %dma_start3A_109] : memref<10112x128xf32, #tpu.memory_space<vmem_shared>> -> memref<10112x128xf32, #tpu.memory_space<vmem_shared>>
      %dma_start3A_111 = tpu.memref_slice %arg12[%rem3A_85] : memref<3x!tpu.dma_semaphore, #tpu.memory_space<semaphore_mem>> -> memref<1x!tpu.dma_semaphore, #tpu.memory_space<semaphore_mem>>
      %dma_start3A_112 = tpu.memref_squeeze %dma_start3A_111 : memref<1x!tpu.dma_semaphore, #tpu.memory_space<semaphore_mem>> -> memref<!tpu.dma_semaphore, #tpu.memory_space<semaphore_mem>>
      tpu.enqueue_indirect_dma source(%dma_start3A_104 : memref<64x128xf32, #tpu.memory_space<vmem>>) target(%dma_start3A_110 : memref<10112x128xf32, #tpu.memory_space<vmem_shared>>) offsets(%dma_start3A_107 : memref<64xi32, #tpu.memory_space<vmem>>) semaphore(%dma_start3A_112 : memref<!tpu.dma_semaphore, #tpu.memory_space<semaphore_mem>>) {add = true}
      %ge3A = arith.constant 1 : i32
      %ge3A_113 = arith.cmpi sge, %scan3A_83, %ge3A : i32
      %convert_element_type3A_114 = arith.extui %ge3A_113 : i1 to i32
      %cond3A_115 = arith.constant 0 : i32
      %cond3A_116 = arith.cmpi ne, %convert_element_type3A_114, %cond3A_115 : i32
      scf.if %cond3A_116 {
        %sub3A = arith.constant 1 : i32
        %sub3A_123 = arith.subi %scan3A_83, %sub3A : i32
        %dma_wait3A_124 = arith.constant 0 : i32
        %dma_wait3A_125 = arith.constant 0 : i32
        %dma_wait3A_126 = tpu.memref_slice %arg9[%rem3A_89, %dma_wait3A_124, %dma_wait3A_125] : memref<3x64x128xf32, #tpu.memory_space<vmem>> -> memref<1x64x128xf32, #tpu.memory_space<vmem>>
        %dma_wait3A_127 = tpu.memref_squeeze %dma_wait3A_126 : memref<1x64x128xf32, #tpu.memory_space<vmem>> -> memref<64x128xf32, #tpu.memory_space<vmem>>
        %dma_wait3A_128 = arith.constant 0 : i32
        %dma_wait3A_129 = tpu.memref_slice %arg8[%sub3A_123, %dma_wait3A_128] : memref<157x64xi32, #tpu.memory_space<vmem>> -> memref<1x64xi32, #tpu.memory_space<vmem>>
        %dma_wait3A_130 = tpu.memref_squeeze %dma_wait3A_129 : memref<1x64xi32, #tpu.memory_space<vmem>> -> memref<64xi32, #tpu.memory_space<vmem>>
        %dma_wait3A_131 = arith.constant 0 : i32
        %dma_wait3A_132 = arith.constant 0 : i32
        %dma_wait3A_133 = tpu.memref_slice %arg6[%dma_wait3A_131, %dma_wait3A_132] : memref<10112x128xf32, #tpu.memory_space<vmem_shared>> -> memref<10112x128xf32, #tpu.memory_space<vmem_shared>>
        %dma_wait3A_134 = tpu.memref_slice %arg12[%rem3A_89] : memref<3x!tpu.dma_semaphore, #tpu.memory_space<semaphore_mem>> -> memref<1x!tpu.dma_semaphore, #tpu.memory_space<semaphore_mem>>
        %dma_wait3A_135 = tpu.memref_squeeze %dma_wait3A_134 : memref<1x!tpu.dma_semaphore, #tpu.memory_space<semaphore_mem>> -> memref<!tpu.dma_semaphore, #tpu.memory_space<semaphore_mem>>
        tpu.wait_indirect_dma semaphore(%dma_wait3A_135 : memref<!tpu.dma_semaphore, #tpu.memory_space<semaphore_mem>>) src(%dma_wait3A_127 : memref<64x128xf32, #tpu.memory_space<vmem>>) dst(%dma_wait3A_133 : memref<10112x128xf32, #tpu.memory_space<vmem_shared>>)
      } else {
      }
      %add3A_117 = arith.constant 2 : i32
      %add3A_118 = arith.addi %scan3A_83, %add3A_117 : i32
      %lt3A = arith.constant 157 : i32
      %lt3A_119 = arith.cmpi slt, %add3A_118, %lt3A : i32
      %convert_element_type3A_120 = arith.extui %lt3A_119 : i1 to i32
      %cond3A_121 = arith.constant 0 : i32
      %cond3A_122 = arith.cmpi ne, %convert_element_type3A_120, %cond3A_121 : i32
      scf.if %cond3A_122 {
        %add3A_123 = arith.constant 2 : i32
        %add3A_124 = arith.addi %scan3A_83, %add3A_123 : i32
        %dma_start3A_125 = arith.constant 0 : i32
        %dma_start3A_126 = arith.constant 0 : i32
        %dma_start3A_127 = tpu.memref_slice %arg9[%rem3A_89, %dma_start3A_125, %dma_start3A_126] : memref<3x64x128xf32, #tpu.memory_space<vmem>> -> memref<1x64x128xf32, #tpu.memory_space<vmem>>
        %dma_start3A_128 = tpu.memref_squeeze %dma_start3A_127 : memref<1x64x128xf32, #tpu.memory_space<vmem>> -> memref<64x128xf32, #tpu.memory_space<vmem>>
        %dma_start3A_129 = arith.constant 0 : i32
        %dma_start3A_130 = tpu.memref_slice %arg7[%add3A_124, %dma_start3A_129] : memref<157x64xi32, #tpu.memory_space<vmem>> -> memref<1x64xi32, #tpu.memory_space<vmem>>
        %dma_start3A_131 = tpu.memref_squeeze %dma_start3A_130 : memref<1x64xi32, #tpu.memory_space<vmem>> -> memref<64xi32, #tpu.memory_space<vmem>>
        %dma_start3A_132 = arith.constant 0 : i32
        %dma_start3A_133 = arith.constant 0 : i32
        %dma_start3A_134 = tpu.memref_slice %arg2[%dma_start3A_132, %dma_start3A_133] : memref<10000x128xf32, #tpu.memory_space<hbm>> -> memref<10000x128xf32, #tpu.memory_space<hbm>>
        %dma_start3A_135 = tpu.memref_slice %arg11[%rem3A_89] : memref<3x!tpu.dma_semaphore, #tpu.memory_space<semaphore_mem>> -> memref<1x!tpu.dma_semaphore, #tpu.memory_space<semaphore_mem>>
        %dma_start3A_136 = tpu.memref_squeeze %dma_start3A_135 : memref<1x!tpu.dma_semaphore, #tpu.memory_space<semaphore_mem>> -> memref<!tpu.dma_semaphore, #tpu.memory_space<semaphore_mem>>
        tpu.enqueue_indirect_dma source(%dma_start3A_134 : memref<10000x128xf32, #tpu.memory_space<hbm>>) target(%dma_start3A_128 : memref<64x128xf32, #tpu.memory_space<vmem>>) offsets(%dma_start3A_131 : memref<64xi32, #tpu.memory_space<vmem>>) semaphore(%dma_start3A_136 : memref<!tpu.dma_semaphore, #tpu.memory_space<semaphore_mem>>)
      } else {
      }
    }
    %scan3A_48 = arith.constant 157 : i32
    %rem3A = arith.constant 156 : i32
    %rem3A_49 = arith.constant 3 : i32
    %rem3A_50 = arith.remsi %rem3A, %rem3A_49 : i32
    %dma_wait3A = arith.constant 156 : i32
    %dma_wait3A_51 = arith.constant 0 : i32
    %dma_wait3A_52 = arith.constant 0 : i32
    %dma_wait3A_53 = tpu.memref_slice %arg9[%rem3A_50, %dma_wait3A_51, %dma_wait3A_52] : memref<3x64x128xf32, #tpu.memory_space<vmem>> -> memref<1x64x128xf32, #tpu.memory_space<vmem>>
    %dma_wait3A_54 = tpu.memref_squeeze %dma_wait3A_53 : memref<1x64x128xf32, #tpu.memory_space<vmem>> -> memref<64x128xf32, #tpu.memory_space<vmem>>
    %dma_wait3A_55 = arith.constant 0 : i32
    %dma_wait3A_56 = tpu.memref_slice %arg8[%dma_wait3A, %dma_wait3A_55] : memref<157x64xi32, #tpu.memory_space<vmem>> -> memref<1x64xi32, #tpu.memory_space<vmem>>
    %dma_wait3A_57 = tpu.memref_squeeze %dma_wait3A_56 : memref<1x64xi32, #tpu.memory_space<vmem>> -> memref<64xi32, #tpu.memory_space<vmem>>
    %dma_wait3A_58 = arith.constant 0 : i32
    %dma_wait3A_59 = arith.constant 0 : i32
    %dma_wait3A_60 = tpu.memref_slice %arg6[%dma_wait3A_58, %dma_wait3A_59] : memref<10112x128xf32, #tpu.memory_space<vmem_shared>> -> memref<10112x128xf32, #tpu.memory_space<vmem_shared>>
    %dma_wait3A_61 = tpu.memref_slice %arg12[%rem3A_50] : memref<3x!tpu.dma_semaphore, #tpu.memory_space<semaphore_mem>> -> memref<1x!tpu.dma_semaphore, #tpu.memory_space<semaphore_mem>>
    %dma_wait3A_62 = tpu.memref_squeeze %dma_wait3A_61 : memref<1x!tpu.dma_semaphore, #tpu.memory_space<semaphore_mem>> -> memref<!tpu.dma_semaphore, #tpu.memory_space<semaphore_mem>>
    tpu.wait_indirect_dma semaphore(%dma_wait3A_62 : memref<!tpu.dma_semaphore, #tpu.memory_space<semaphore_mem>>) src(%dma_wait3A_54 : memref<64x128xf32, #tpu.memory_space<vmem>>) dst(%dma_wait3A_60 : memref<10112x128xf32, #tpu.memory_space<vmem_shared>>)
    %barrier3A_63 = arith.constant 0 : index
    tpu.barrier barrier_id(%barrier3A_63)
    %scan3A_64 = arith.constant 0 : i32
    %scan3A_65 = arith.constant 0 : i32
    %scan3A_66 = arith.constant 5 : i32
    %scan3A_67 = arith.addi %scan3A_65, %scan3A_66 : i32
    %scan3A_68 = arith.constant 1 : i32
    scf.for %scan3A_83 = %scan3A_65 to %scan3A_67 step %scan3A_68  : i32 {
      %mul3A_84 = arith.constant 16 : i32
      %mul3A_85 = arith.muli %scan3A_83, %mul3A_84 : i32
      %add3A_86 = arith.addi %mul3A_85, %arg1 : i32
      %lt3A = arith.constant 78 : i32
      %lt3A_87 = arith.cmpi slt, %add3A_86, %lt3A : i32
      %convert_element_type3A_88 = arith.extui %lt3A_87 : i1 to i32
      %cond3A_89 = arith.constant 0 : i32
      %cond3A_90 = arith.cmpi ne, %convert_element_type3A_88, %cond3A_89 : i32
      scf.if %cond3A_90 {
        %mul3A_91 = arith.constant 128 : i32
        %mul3A_92 = arith.muli %add3A_86, %mul3A_91 : i32
        %multiple_of3A = tpu.assume_multiple %mul3A_92, 8 : i32
        %mul3A_93 = arith.constant 10000 : i32
        %mul3A_94 = arith.muli %arg0, %mul3A_93 : i32
        %add3A_95 = arith.addi %mul3A_94, %multiple_of3A : i32
        %dma_start3A = arith.constant 1 : i32
        %dma_start3A_96 = tpu.memref_slice %arg12[%dma_start3A] : memref<3x!tpu.dma_semaphore, #tpu.memory_space<semaphore_mem>> -> memref<1x!tpu.dma_semaphore, #tpu.memory_space<semaphore_mem>>
        %dma_start3A_97 = tpu.memref_squeeze %dma_start3A_96 : memref<1x!tpu.dma_semaphore, #tpu.memory_space<semaphore_mem>> -> memref<!tpu.dma_semaphore, #tpu.memory_space<semaphore_mem>>
        %dma_start3A_98 = arith.constant 0 : i32
        %dma_start3A_99 = tpu.memref_slice %arg5[%add3A_95, %dma_start3A_98] : memref<20000x128xf32, #tpu.memory_space<hbm>> -> memref<128x128xf32, #tpu.memory_space<hbm>>
        %dma_start3A_100 = arith.constant 0 : i32
        %dma_start3A_101 = tpu.memref_slice %arg6[%multiple_of3A, %dma_start3A_100] : memref<10112x128xf32, #tpu.memory_space<vmem_shared>> -> memref<128x128xf32, #tpu.memory_space<vmem_shared>>
        tpu.enqueue_dma source(%dma_start3A_101 : memref<128x128xf32, #tpu.memory_space<vmem_shared>>) target(%dma_start3A_99 : memref<128x128xf32, #tpu.memory_space<hbm>>) target_semaphore(%dma_start3A_97 : memref<!tpu.dma_semaphore, #tpu.memory_space<semaphore_mem>>)
      } else {
      }
    }
    %scan3A_69 = arith.constant 5 : i32
    %eq3A = arith.constant 15 : i32
    %eq3A_70 = arith.cmpi eq, %arg1, %eq3A : i32
    %convert_element_type3A = arith.extui %eq3A_70 : i1 to i32
    %cond3A = arith.constant 0 : i32
    %cond3A_71 = arith.cmpi ne, %convert_element_type3A, %cond3A : i32
    scf.if %cond3A_71 {
      %multiple_of3A = arith.constant 9984 : i32
      %multiple_of3A_83 = tpu.assume_multiple %multiple_of3A, 8 : i32
      %mul3A_84 = arith.constant 10000 : i32
      %mul3A_85 = arith.muli %arg0, %mul3A_84 : i32
      %add3A_86 = arith.addi %mul3A_85, %multiple_of3A_83 : i32
      %dma_start3A = arith.constant 1 : i32
      %dma_start3A_87 = tpu.memref_slice %arg12[%dma_start3A] : memref<3x!tpu.dma_semaphore, #tpu.memory_space<semaphore_mem>> -> memref<1x!tpu.dma_semaphore, #tpu.memory_space<semaphore_mem>>
      %dma_start3A_88 = tpu.memref_squeeze %dma_start3A_87 : memref<1x!tpu.dma_semaphore, #tpu.memory_space<semaphore_mem>> -> memref<!tpu.dma_semaphore, #tpu.memory_space<semaphore_mem>>
      %dma_start3A_89 = arith.constant 0 : i32
      %dma_start3A_90 = tpu.memref_slice %arg5[%add3A_86, %dma_start3A_89] : memref<20000x128xf32, #tpu.memory_space<hbm>> -> memref<16x128xf32, #tpu.memory_space<hbm>>
      %dma_start3A_91 = arith.constant 0 : i32
      %dma_start3A_92 = tpu.memref_slice %arg6[%multiple_of3A_83, %dma_start3A_91] : memref<10112x128xf32, #tpu.memory_space<vmem_shared>> -> memref<16x128xf32, #tpu.memory_space<vmem_shared>>
      tpu.enqueue_dma source(%dma_start3A_92 : memref<16x128xf32, #tpu.memory_space<vmem_shared>>) target(%dma_start3A_90 : memref<16x128xf32, #tpu.memory_space<hbm>>) target_semaphore(%dma_start3A_88 : memref<!tpu.dma_semaphore, #tpu.memory_space<semaphore_mem>>)
    } else {
    }
    %scan3A_72 = arith.constant 0 : i32
    %scan3A_73 = arith.constant 0 : i32
    %scan3A_74 = arith.constant 5 : i32
    %scan3A_75 = arith.addi %scan3A_73, %scan3A_74 : i32
    %scan3A_76 = arith.constant 1 : i32
    scf.for %scan3A_83 = %scan3A_73 to %scan3A_75 step %scan3A_76  : i32 {
      %mul3A_84 = arith.constant 16 : i32
      %mul3A_85 = arith.muli %scan3A_83, %mul3A_84 : i32
      %add3A_86 = arith.addi %mul3A_85, %arg1 : i32
      %lt3A = arith.constant 78 : i32
      %lt3A_87 = arith.cmpi slt, %add3A_86, %lt3A : i32
      %convert_element_type3A_88 = arith.extui %lt3A_87 : i1 to i32
      %cond3A_89 = arith.constant 0 : i32
      %cond3A_90 = arith.cmpi ne, %convert_element_type3A_88, %cond3A_89 : i32
      scf.if %cond3A_90 {
        %mul3A_91 = arith.constant 128 : i32
        %mul3A_92 = arith.muli %add3A_86, %mul3A_91 : i32
        %multiple_of3A = tpu.assume_multiple %mul3A_92, 8 : i32
        %mul3A_93 = arith.constant 10000 : i32
        %mul3A_94 = arith.muli %arg0, %mul3A_93 : i32
        %add3A_95 = arith.addi %mul3A_94, %multiple_of3A : i32
        %dma_wait3A_96 = arith.constant 1 : i32
        %dma_wait3A_97 = tpu.memref_slice %arg12[%dma_wait3A_96] : memref<3x!tpu.dma_semaphore, #tpu.memory_space<semaphore_mem>> -> memref<1x!tpu.dma_semaphore, #tpu.memory_space<semaphore_mem>>
        %dma_wait3A_98 = tpu.memref_squeeze %dma_wait3A_97 : memref<1x!tpu.dma_semaphore, #tpu.memory_space<semaphore_mem>> -> memref<!tpu.dma_semaphore, #tpu.memory_space<semaphore_mem>>
        %dma_wait3A_99 = arith.constant 0 : i32
        %dma_wait3A_100 = tpu.memref_slice %arg5[%add3A_95, %dma_wait3A_99] : memref<20000x128xf32, #tpu.memory_space<hbm>> -> memref<128x128xf32, #tpu.memory_space<hbm>>
        %dma_wait3A_101 = arith.constant 0 : i32
        %dma_wait3A_102 = tpu.memref_slice %arg6[%multiple_of3A, %dma_wait3A_101] : memref<10112x128xf32, #tpu.memory_space<vmem_shared>> -> memref<128x128xf32, #tpu.memory_space<vmem_shared>>
        tpu.wait_dma2 semaphore(%dma_wait3A_98 : memref<!tpu.dma_semaphore, #tpu.memory_space<semaphore_mem>>) src(%dma_wait3A_102 : memref<128x128xf32, #tpu.memory_space<vmem_shared>>) dst(%dma_wait3A_100 : memref<128x128xf32, #tpu.memory_space<hbm>>)
      } else {
      }
    }
    %scan3A_77 = arith.constant 5 : i32
    %eq3A_78 = arith.constant 15 : i32
    %eq3A_79 = arith.cmpi eq, %arg1, %eq3A_78 : i32
    %convert_element_type3A_80 = arith.extui %eq3A_79 : i1 to i32
    %cond3A_81 = arith.constant 0 : i32
    %cond3A_82 = arith.cmpi ne, %convert_element_type3A_80, %cond3A_81 : i32
    scf.if %cond3A_82 {
      %multiple_of3A = arith.constant 9984 : i32
      %multiple_of3A_83 = tpu.assume_multiple %multiple_of3A, 8 : i32
      %mul3A_84 = arith.constant 10000 : i32
      %mul3A_85 = arith.muli %arg0, %mul3A_84 : i32
      %add3A_86 = arith.addi %mul3A_85, %multiple_of3A_83 : i32
      %dma_wait3A_87 = arith.constant 1 : i32
      %dma_wait3A_88 = tpu.memref_slice %arg12[%dma_wait3A_87] : memref<3x!tpu.dma_semaphore, #tpu.memory_space<semaphore_mem>> -> memref<1x!tpu.dma_semaphore, #tpu.memory_space<semaphore_mem>>
      %dma_wait3A_89 = tpu.memref_squeeze %dma_wait3A_88 : memref<1x!tpu.dma_semaphore, #tpu.memory_space<semaphore_mem>> -> memref<!tpu.dma_semaphore, #tpu.memory_space<semaphore_mem>>
      %dma_wait3A_90 = arith.constant 0 : i32
      %dma_wait3A_91 = tpu.memref_slice %arg5[%add3A_86, %dma_wait3A_90] : memref<20000x128xf32, #tpu.memory_space<hbm>> -> memref<16x128xf32, #tpu.memory_space<hbm>>
      %dma_wait3A_92 = arith.constant 0 : i32
      %dma_wait3A_93 = tpu.memref_slice %arg6[%multiple_of3A_83, %dma_wait3A_92] : memref<10112x128xf32, #tpu.memory_space<vmem_shared>> -> memref<16x128xf32, #tpu.memory_space<vmem_shared>>
      tpu.wait_dma2 semaphore(%dma_wait3A_89 : memref<!tpu.dma_semaphore, #tpu.memory_space<semaphore_mem>>) src(%dma_wait3A_93 : memref<16x128xf32, #tpu.memory_space<vmem_shared>>) dst(%dma_wait3A_91 : memref<16x128xf32, #tpu.memory_space<hbm>>)
    } else {
    }
    return
  }
}

#map = affine_map<(d0, d1) -> (0, 0)>
#map1 = affine_map<(d0, d1) -> (0, 0, 0)>
module attributes {stable_mosaic.version = 14 : i64} {
  func.func @segsum_kernel(%arg0: i32, %arg1: i32, %arg2: memref<10000x128xf32, #tpu.memory_space<hbm>>, %arg3: memref<32x157x64xi32, #tpu.memory_space<hbm>>, %arg4: memref<32x157x64xi32, #tpu.memory_space<hbm>>, %arg5: memref<20000x128xf32, #tpu.memory_space<hbm>>, %arg6: memref<10112x128xf32, #tpu.memory_space<vmem_shared>>, %arg7: memref<157x64xi32, #tpu.memory_space<vmem>>, %arg8: memref<157x64xi32, #tpu.memory_space<vmem>>, %arg9: memref<3x64x128xf32, #tpu.memory_space<vmem>>, %arg10: memref<8x128xf32, #tpu.memory_space<vmem>>, %arg11: memref<3x!tpu.dma_semaphore, #tpu.memory_space<semaphore_mem>>, %arg12: memref<3x!tpu.dma_semaphore, #tpu.memory_space<semaphore_mem>>) attributes {dimension_semantics = [#tpu.dimension_semantics<core_parallel>, #tpu.dimension_semantics<subcore_parallel>], iteration_bounds = array<i64: 2, 16>, scalar_prefetch = 0 : i64, scratch_operands = 7 : i64, tpu.core_type = #tpu.core_type<sc_vector_subcore>, window_params = [{transform_indices = #map}, {transform_indices = #map1}, {transform_indices = #map1}, {transform_indices = #map}]} {
    %mul3A = arith.constant 16 : i32
    %mul3A_0 = arith.muli %arg0, %mul3A : i32
    %add3A = arith.addi %mul3A_0, %arg1 : i32
    "tpu.region"() ({
      %run_scoped3A = tpu.sem_alloc : memref<!tpu.dma_semaphore, #tpu.memory_space<semaphore_mem>>
      %dma_start3A = arith.constant 0 : i32
      %dma_start3A_83 = arith.constant 0 : i32
      %dma_start3A_84 = tpu.memref_slice %arg3[%add3A, %dma_start3A, %dma_start3A_83] : memref<32x157x64xi32, #tpu.memory_space<hbm>> -> memref<1x157x64xi32, #tpu.memory_space<hbm>>
      %dma_start3A_85 = tpu.memref_squeeze %dma_start3A_84 : memref<1x157x64xi32, #tpu.memory_space<hbm>> -> memref<157x64xi32, #tpu.memory_space<hbm>>
      %dma_start3A_86 = arith.constant 0 : i32
      %dma_start3A_87 = arith.constant 0 : i32
      %dma_start3A_88 = tpu.memref_slice %arg3[%add3A, %dma_start3A_86, %dma_start3A_87] : memref<32x157x64xi32, #tpu.memory_space<hbm>> -> memref<1x157x64xi32, #tpu.memory_space<hbm>>
      %dma_start3A_89 = tpu.memref_squeeze %dma_start3A_88 : memref<1x157x64xi32, #tpu.memory_space<hbm>> -> memref<157x64xi32, #tpu.memory_space<hbm>>
      tpu.enqueue_dma source(%dma_start3A_89 : memref<157x64xi32, #tpu.memory_space<hbm>>) target(%arg7 : memref<157x64xi32, #tpu.memory_space<vmem>>) target_semaphore(%run_scoped3A : memref<!tpu.dma_semaphore, #tpu.memory_space<semaphore_mem>>)
      %dma_wait3A_90 = arith.constant 0 : i32
      %dma_wait3A_91 = arith.constant 0 : i32
      %dma_wait3A_92 = tpu.memref_slice %arg3[%add3A, %dma_wait3A_90, %dma_wait3A_91] : memref<32x157x64xi32, #tpu.memory_space<hbm>> -> memref<1x157x64xi32, #tpu.memory_space<hbm>>
      %dma_wait3A_93 = tpu.memref_squeeze %dma_wait3A_92 : memref<1x157x64xi32, #tpu.memory_space<hbm>> -> memref<157x64xi32, #tpu.memory_space<hbm>>
      %dma_wait3A_94 = arith.constant 0 : i32
      %dma_wait3A_95 = arith.constant 0 : i32
      %dma_wait3A_96 = tpu.memref_slice %arg3[%add3A, %dma_wait3A_94, %dma_wait3A_95] : memref<32x157x64xi32, #tpu.memory_space<hbm>> -> memref<1x157x64xi32, #tpu.memory_space<hbm>>
      %dma_wait3A_97 = tpu.memref_squeeze %dma_wait3A_96 : memref<1x157x64xi32, #tpu.memory_space<hbm>> -> memref<157x64xi32, #tpu.memory_space<hbm>>
      tpu.wait_dma2 semaphore(%run_scoped3A : memref<!tpu.dma_semaphore, #tpu.memory_space<semaphore_mem>>) src(%dma_wait3A_97 : memref<157x64xi32, #tpu.memory_space<hbm>>) dst(%arg7 : memref<157x64xi32, #tpu.memory_space<vmem>>)
      tpu.yield
    }) : () -> ()
    "tpu.region"() ({
      %run_scoped3A = tpu.sem_alloc : memref<!tpu.dma_semaphore, #tpu.memory_space<semaphore_mem>>
      %dma_start3A = arith.constant 0 : i32
      %dma_start3A_83 = arith.constant 0 : i32
      %dma_start3A_84 = tpu.memref_slice %arg4[%add3A, %dma_start3A, %dma_start3A_83] : memref<32x157x64xi32, #tpu.memory_space<hbm>> -> memref<1x157x64xi32, #tpu.memory_space<hbm>>
      %dma_start3A_85 = tpu.memref_squeeze %dma_start3A_84 : memref<1x157x64xi32, #tpu.memory_space<hbm>> -> memref<157x64xi32, #tpu.memory_space<hbm>>
      %dma_start3A_86 = arith.constant 0 : i32
      %dma_start3A_87 = arith.constant 0 : i32
      %dma_start3A_88 = tpu.memref_slice %arg4[%add3A, %dma_start3A_86, %dma_start3A_87] : memref<32x157x64xi32, #tpu.memory_space<hbm>> -> memref<1x157x64xi32, #tpu.memory_space<hbm>>
      %dma_start3A_89 = tpu.memref_squeeze %dma_start3A_88 : memref<1x157x64xi32, #tpu.memory_space<hbm>> -> memref<157x64xi32, #tpu.memory_space<hbm>>
      tpu.enqueue_dma source(%dma_start3A_89 : memref<157x64xi32, #tpu.memory_space<hbm>>) target(%arg8 : memref<157x64xi32, #tpu.memory_space<vmem>>) target_semaphore(%run_scoped3A : memref<!tpu.dma_semaphore, #tpu.memory_space<semaphore_mem>>)
      %dma_wait3A_90 = arith.constant 0 : i32
      %dma_wait3A_91 = arith.constant 0 : i32
      %dma_wait3A_92 = tpu.memref_slice %arg4[%add3A, %dma_wait3A_90, %dma_wait3A_91] : memref<32x157x64xi32, #tpu.memory_space<hbm>> -> memref<1x157x64xi32, #tpu.memory_space<hbm>>
      %dma_wait3A_93 = tpu.memref_squeeze %dma_wait3A_92 : memref<1x157x64xi32, #tpu.memory_space<hbm>> -> memref<157x64xi32, #tpu.memory_space<hbm>>
      %dma_wait3A_94 = arith.constant 0 : i32
      %dma_wait3A_95 = arith.constant 0 : i32
      %dma_wait3A_96 = tpu.memref_slice %arg4[%add3A, %dma_wait3A_94, %dma_wait3A_95] : memref<32x157x64xi32, #tpu.memory_space<hbm>> -> memref<1x157x64xi32, #tpu.memory_space<hbm>>
      %dma_wait3A_97 = tpu.memref_squeeze %dma_wait3A_96 : memref<1x157x64xi32, #tpu.memory_space<hbm>> -> memref<157x64xi32, #tpu.memory_space<hbm>>
      tpu.wait_dma2 semaphore(%run_scoped3A : memref<!tpu.dma_semaphore, #tpu.memory_space<semaphore_mem>>) src(%dma_wait3A_97 : memref<157x64xi32, #tpu.memory_space<hbm>>) dst(%arg8 : memref<157x64xi32, #tpu.memory_space<vmem>>)
      tpu.yield
    }) : () -> ()
    %broadcast_in_dim3A = arith.constant 0.000000e+00 : f32
    %broadcast_in_dim3A_1 = vector.broadcast %broadcast_in_dim3A : f32 to vector<16xf32>
    %scan3A = arith.constant 0 : i32
    %scan3A_2 = arith.constant 0 : i32
    %scan3A_3 = arith.constant 64 : i32
    %scan3A_4 = arith.addi %scan3A_2, %scan3A_3 : i32
    %scan3A_5 = arith.constant 1 : i32
    scf.for %scan3A_83 = %scan3A_2 to %scan3A_4 step %scan3A_5  : i32 {
      %jit3A = arith.constant 8 : i32
      %div3A = arith.divsi %scan3A_83, %jit3A : i32
      %sign3A = arith.constant 0 : i32
      %sign3A_84 = arith.cmpi sgt, %scan3A_83, %sign3A : i32
      %sign3A_85 = arith.extui %sign3A_84 : i1 to i32
      %sign3A_86 = arith.constant 0 : i32
      %sign3A_87 = arith.cmpi slt, %scan3A_83, %sign3A_86 : i32
      %sign3A_88 = arith.extui %sign3A_87 : i1 to i32
      %sign3A_89 = arith.subi %sign3A_85, %sign3A_88 : i32
      %sign3A_90 = arith.constant 0 : i32
      %sign3A_91 = arith.cmpi sgt, %jit3A, %sign3A_90 : i32
      %sign3A_92 = arith.extui %sign3A_91 : i1 to i32
      %sign3A_93 = arith.constant 0 : i32
      %sign3A_94 = arith.cmpi slt, %jit3A, %sign3A_93 : i32
      %sign3A_95 = arith.extui %sign3A_94 : i1 to i32
      %sign3A_96 = arith.subi %sign3A_92, %sign3A_95 : i32
      %ne3A = arith.cmpi ne, %sign3A_89, %sign3A_96 : i32
      %rem3A_97 = arith.remsi %scan3A_83, %jit3A : i32
      %ne3A_98 = arith.constant 0 : i32
      %ne3A_99 = arith.cmpi ne, %rem3A_97, %ne3A_98 : i32
      %and3A = arith.andi %ne3A, %ne3A_99 : i1
      %sub3A = arith.constant 1 : i32
      %sub3A_100 = arith.subi %div3A, %sub3A : i32
      %select_n3A = arith.select %and3A, %sub3A_100, %div3A : i32
      %jit3A_101 = arith.constant 8 : i32
      %eq3A_102 = arith.constant 0 : i32
      %eq3A_103 = arith.cmpi eq, %jit3A_101, %eq3A_102 : i32
      %jit3A_104 = arith.constant 1 : i32
      %select_n3A_105 = arith.select %eq3A_103, %jit3A_104, %jit3A_101 : i32
      %rem3A_106 = arith.remsi %scan3A_83, %select_n3A_105 : i32
      %ne3A_107 = arith.constant 0 : i32
      %ne3A_108 = arith.cmpi ne, %rem3A_106, %ne3A_107 : i32
      %lt3A = arith.constant 0 : i32
      %lt3A_109 = arith.cmpi slt, %rem3A_106, %lt3A : i32
      %lt3A_110 = arith.constant 0 : i32
      %lt3A_111 = arith.cmpi slt, %select_n3A_105, %lt3A_110 : i32
      %ne3A_112 = arith.xori %lt3A_109, %lt3A_111 : i1
      %and3A_113 = arith.andi %ne3A_112, %ne3A_108 : i1
      %add3A_114 = arith.addi %rem3A_106, %select_n3A_105 : i32
      %select_n3A_115 = arith.select %and3A_113, %add3A_114, %rem3A_106 : i32
      %mul3A_116 = arith.constant 16 : i32
      %mul3A_117 = arith.muli %select_n3A_115, %mul3A_116 : i32
      %swap3A = arith.index_cast %select_n3A : i32 to index
      %swap3A_118 = arith.index_cast %mul3A_117 : i32 to index
      %swap3A_119 = tpu.vector_load %arg10[%swap3A, %swap3A_118] {strides = array<i32>} : memref<8x128xf32, #tpu.memory_space<vmem>>, vector<1x16xf32>,
      %swap3A_120 = vector.shape_cast %swap3A_119 : vector<1x16xf32> to vector<16xf32>
      %swap3A_121 = vector.shape_cast %broadcast_in_dim3A_1 : vector<16xf32> to vector<1x16xf32>
      tpu.vector_store %arg10[%swap3A, %swap3A_118], %swap3A_121 {strides = array<i32>} : memref<8x128xf32, #tpu.memory_space<vmem>>, vector<1x16xf32>,
    }
    %scan3A_6 = arith.constant 64 : i32
    %scan3A_7 = arith.constant 0 : i32
    %scan3A_8 = arith.constant 0 : i32
    %scan3A_9 = arith.constant 512 : i32
    %scan3A_10 = arith.addi %scan3A_8, %scan3A_9 : i32
    %scan3A_11 = arith.constant 1 : i32
    scf.for %scan3A_83 = %scan3A_8 to %scan3A_10 step %scan3A_11  : i32 {
      %jit3A = arith.constant 8 : i32
      %div3A = arith.divsi %scan3A_83, %jit3A : i32
      %sign3A = arith.constant 0 : i32
      %sign3A_84 = arith.cmpi sgt, %scan3A_83, %sign3A : i32
      %sign3A_85 = arith.extui %sign3A_84 : i1 to i32
      %sign3A_86 = arith.constant 0 : i32
      %sign3A_87 = arith.cmpi slt, %scan3A_83, %sign3A_86 : i32
      %sign3A_88 = arith.extui %sign3A_87 : i1 to i32
      %sign3A_89 = arith.subi %sign3A_85, %sign3A_88 : i32
      %sign3A_90 = arith.constant 0 : i32
      %sign3A_91 = arith.cmpi sgt, %jit3A, %sign3A_90 : i32
      %sign3A_92 = arith.extui %sign3A_91 : i1 to i32
      %sign3A_93 = arith.constant 0 : i32
      %sign3A_94 = arith.cmpi slt, %jit3A, %sign3A_93 : i32
      %sign3A_95 = arith.extui %sign3A_94 : i1 to i32
      %sign3A_96 = arith.subi %sign3A_92, %sign3A_95 : i32
      %ne3A = arith.cmpi ne, %sign3A_89, %sign3A_96 : i32
      %rem3A_97 = arith.remsi %scan3A_83, %jit3A : i32
      %ne3A_98 = arith.constant 0 : i32
      %ne3A_99 = arith.cmpi ne, %rem3A_97, %ne3A_98 : i32
      %and3A = arith.andi %ne3A, %ne3A_99 : i1
      %sub3A = arith.constant 1 : i32
      %sub3A_100 = arith.subi %div3A, %sub3A : i32
      %select_n3A = arith.select %and3A, %sub3A_100, %div3A : i32
      %jit3A_101 = arith.constant 8 : i32
      %eq3A_102 = arith.constant 0 : i32
      %eq3A_103 = arith.cmpi eq, %jit3A_101, %eq3A_102 : i32
      %jit3A_104 = arith.constant 1 : i32
      %select_n3A_105 = arith.select %eq3A_103, %jit3A_104, %jit3A_101 : i32
      %rem3A_106 = arith.remsi %scan3A_83, %select_n3A_105 : i32
      %ne3A_107 = arith.constant 0 : i32
      %ne3A_108 = arith.cmpi ne, %rem3A_106, %ne3A_107 : i32
      %lt3A = arith.constant 0 : i32
      %lt3A_109 = arith.cmpi slt, %rem3A_106, %lt3A : i32
      %lt3A_110 = arith.constant 0 : i32
      %lt3A_111 = arith.cmpi slt, %select_n3A_105, %lt3A_110 : i32
      %ne3A_112 = arith.xori %lt3A_109, %lt3A_111 : i1
      %and3A_113 = arith.andi %ne3A_112, %ne3A_108 : i1
      %add3A_114 = arith.addi %rem3A_106, %select_n3A_105 : i32
      %select_n3A_115 = arith.select %and3A_113, %add3A_114, %rem3A_106 : i32
      %mul3A_116 = arith.constant 16 : i32
      %mul3A_117 = arith.muli %select_n3A_115, %mul3A_116 : i32
      %swap3A = arith.constant 0 : i32
      %swap3A_118 = arith.index_cast %swap3A : i32 to index
      %swap3A_119 = arith.index_cast %select_n3A : i32 to index
      %swap3A_120 = arith.index_cast %mul3A_117 : i32 to index
      %swap3A_121 = tpu.vector_load %arg9[%swap3A_118, %swap3A_119, %swap3A_120] {strides = array<i32>} : memref<3x64x128xf32, #tpu.memory_space<vmem>>, vector<1x1x16xf32>,
      %swap3A_122 = vector.shape_cast %swap3A_121 : vector<1x1x16xf32> to vector<16xf32>
      %swap3A_123 = vector.shape_cast %broadcast_in_dim3A_1 : vector<16xf32> to vector<1x1x16xf32>
      tpu.vector_store %arg9[%swap3A_118, %swap3A_119, %swap3A_120], %swap3A_123 {strides = array<i32>} : memref<3x64x128xf32, #tpu.memory_space<vmem>>, vector<1x1x16xf32>,
    }
    %scan3A_12 = arith.constant 512 : i32
    %scan3A_13 = arith.constant 0 : i32
    %scan3A_14 = arith.constant 0 : i32
    %scan3A_15 = arith.constant 9 : i32
    %scan3A_16 = arith.addi %scan3A_14, %scan3A_15 : i32
    %scan3A_17 = arith.constant 1 : i32
    scf.for %scan3A_83 = %scan3A_14 to %scan3A_16 step %scan3A_17  : i32 {
      %mul3A_84 = arith.constant 632 : i32
      %mul3A_85 = arith.muli %arg1, %mul3A_84 : i32
      %mul3A_86 = arith.constant 64 : i32
      %mul3A_87 = arith.muli %scan3A_83, %mul3A_86 : i32
      %add3A_88 = arith.addi %mul3A_85, %mul3A_87 : i32
      %multiple_of3A = tpu.assume_multiple %add3A_88, 8 : i32
      %dma_start3A = arith.constant 0 : i32
      %dma_start3A_89 = arith.constant 0 : i32
      %dma_start3A_90 = arith.constant 0 : i32
      %dma_start3A_91 = arith.constant 0 : i32
      %dma_start3A_92 = tpu.memref_slice %arg9[%dma_start3A, %dma_start3A_90, %dma_start3A_91] : memref<3x64x128xf32, #tpu.memory_space<vmem>> -> memref<1x64x128xf32, #tpu.memory_space<vmem>>
      %dma_start3A_93 = tpu.memref_squeeze %dma_start3A_92 : memref<1x64x128xf32, #tpu.memory_space<vmem>> -> memref<64x128xf32, #tpu.memory_space<vmem>>
      %dma_start3A_94 = arith.constant 0 : i32
      %dma_start3A_95 = tpu.memref_slice %arg6[%multiple_of3A, %dma_start3A_94] : memref<10112x128xf32, #tpu.memory_space<vmem_shared>> -> memref<64x128xf32, #tpu.memory_space<vmem_shared>>
      %dma_start3A_96 = tpu.memref_slice %arg12[%dma_start3A_89] : memref<3x!tpu.dma_semaphore, #tpu.memory_space<semaphore_mem>> -> memref<1x!tpu.dma_semaphore, #tpu.memory_space<semaphore_mem>>
      %dma_start3A_97 = tpu.memref_squeeze %dma_start3A_96 : memref<1x!tpu.dma_semaphore, #tpu.memory_space<semaphore_mem>> -> memref<!tpu.dma_semaphore, #tpu.memory_space<semaphore_mem>>
      %dma_start3A_98 = arith.constant 0 : i32
      %dma_start3A_99 = tpu.memref_slice %arg6[%multiple_of3A, %dma_start3A_98] : memref<10112x128xf32, #tpu.memory_space<vmem_shared>> -> memref<64x128xf32, #tpu.memory_space<vmem_shared>>
      %dma_start3A_100 = arith.constant 0 : i32
      %dma_start3A_101 = arith.constant 0 : i32
      %dma_start3A_102 = tpu.memref_slice %arg9[%dma_start3A, %dma_start3A_100, %dma_start3A_101] : memref<3x64x128xf32, #tpu.memory_space<vmem>> -> memref<1x64x128xf32, #tpu.memory_space<vmem>>
      %dma_start3A_103 = tpu.memref_squeeze %dma_start3A_102 : memref<1x64x128xf32, #tpu.memory_space<vmem>> -> memref<64x128xf32, #tpu.memory_space<vmem>>
      tpu.enqueue_dma source(%dma_start3A_103 : memref<64x128xf32, #tpu.memory_space<vmem>>) target(%dma_start3A_99 : memref<64x128xf32, #tpu.memory_space<vmem_shared>>) target_semaphore(%dma_start3A_97 : memref<!tpu.dma_semaphore, #tpu.memory_space<semaphore_mem>>)
    }
    %scan3A_18 = arith.constant 9 : i32
    %scan3A_19 = arith.constant 0 : i32
    %scan3A_20 = arith.constant 0 : i32
    %scan3A_21 = arith.constant 7 : i32
    %scan3A_22 = arith.addi %scan3A_20, %scan3A_21 : i32
    %scan3A_23 = arith.constant 1 : i32
    scf.for %scan3A_83 = %scan3A_20 to %scan3A_22 step %scan3A_23  : i32 {
      %mul3A_84 = arith.constant 632 : i32
      %mul3A_85 = arith.muli %arg1, %mul3A_84 : i32
      %add3A_86 = arith.constant 576 : i32
      %add3A_87 = arith.addi %mul3A_85, %add3A_86 : i32
      %mul3A_88 = arith.constant 8 : i32
      %mul3A_89 = arith.muli %scan3A_83, %mul3A_88 : i32
      %add3A_90 = arith.addi %add3A_87, %mul3A_89 : i32
      %multiple_of3A = tpu.assume_multiple %add3A_90, 8 : i32
      %dma_start3A = arith.constant 0 : i32
      %dma_start3A_91 = arith.constant 0 : i32
      %dma_start3A_92 = tpu.memref_slice %arg6[%multiple_of3A, %dma_start3A_91] : memref<10112x128xf32, #tpu.memory_space<vmem_shared>> -> memref<8x128xf32, #tpu.memory_space<vmem_shared>>
      %dma_start3A_93 = tpu.memref_slice %arg12[%dma_start3A] : memref<3x!tpu.dma_semaphore, #tpu.memory_space<semaphore_mem>> -> memref<1x!tpu.dma_semaphore, #tpu.memory_space<semaphore_mem>>
      %dma_start3A_94 = tpu.memref_squeeze %dma_start3A_93 : memref<1x!tpu.dma_semaphore, #tpu.memory_space<semaphore_mem>> -> memref<!tpu.dma_semaphore, #tpu.memory_space<semaphore_mem>>
      %dma_start3A_95 = arith.constant 0 : i32
      %dma_start3A_96 = tpu.memref_slice %arg6[%multiple_of3A, %dma_start3A_95] : memref<10112x128xf32, #tpu.memory_space<vmem_shared>> -> memref<8x128xf32, #tpu.memory_space<vmem_shared>>
      tpu.enqueue_dma source(%arg10 : memref<8x128xf32, #tpu.memory_space<vmem>>) target(%dma_start3A_96 : memref<8x128xf32, #tpu.memory_space<vmem_shared>>) target_semaphore(%dma_start3A_94 : memref<!tpu.dma_semaphore, #tpu.memory_space<semaphore_mem>>)
    }
    %scan3A_24 = arith.constant 7 : i32
    %scan3A_25 = arith.constant 0 : i32
    %scan3A_26 = arith.constant 0 : i32
    %scan3A_27 = arith.constant 9 : i32
    %scan3A_28 = arith.addi %scan3A_26, %scan3A_27 : i32
    %scan3A_29 = arith.constant 1 : i32
    scf.for %scan3A_83 = %scan3A_26 to %scan3A_28 step %scan3A_29  : i32 {
      %mul3A_84 = arith.constant 632 : i32
      %mul3A_85 = arith.muli %arg1, %mul3A_84 : i32
      %multiple_of3A = tpu.assume_multiple %mul3A_85, 8 : i32
      %dma_wait3A_86 = arith.constant 0 : i32
      %dma_wait3A_87 = arith.constant 0 : i32
      %dma_wait3A_88 = arith.constant 0 : i32
      %dma_wait3A_89 = arith.constant 0 : i32
      %dma_wait3A_90 = tpu.memref_slice %arg9[%dma_wait3A_86, %dma_wait3A_88, %dma_wait3A_89] : memref<3x64x128xf32, #tpu.memory_space<vmem>> -> memref<1x64x128xf32, #tpu.memory_space<vmem>>
      %dma_wait3A_91 = tpu.memref_squeeze %dma_wait3A_90 : memref<1x64x128xf32, #tpu.memory_space<vmem>> -> memref<64x128xf32, #tpu.memory_space<vmem>>
      %dma_wait3A_92 = arith.constant 0 : i32
      %dma_wait3A_93 = tpu.memref_slice %arg6[%multiple_of3A, %dma_wait3A_92] : memref<10112x128xf32, #tpu.memory_space<vmem_shared>> -> memref<64x128xf32, #tpu.memory_space<vmem_shared>>
      %dma_wait3A_94 = tpu.memref_slice %arg12[%dma_wait3A_87] : memref<3x!tpu.dma_semaphore, #tpu.memory_space<semaphore_mem>> -> memref<1x!tpu.dma_semaphore, #tpu.memory_space<semaphore_mem>>
      %dma_wait3A_95 = tpu.memref_squeeze %dma_wait3A_94 : memref<1x!tpu.dma_semaphore, #tpu.memory_space<semaphore_mem>> -> memref<!tpu.dma_semaphore, #tpu.memory_space<semaphore_mem>>
      %dma_wait3A_96 = arith.constant 0 : i32
      %dma_wait3A_97 = tpu.memref_slice %arg6[%multiple_of3A, %dma_wait3A_96] : memref<10112x128xf32, #tpu.memory_space<vmem_shared>> -> memref<64x128xf32, #tpu.memory_space<vmem_shared>>
      %dma_wait3A_98 = arith.constant 0 : i32
      %dma_wait3A_99 = arith.constant 0 : i32
      %dma_wait3A_100 = tpu.memref_slice %arg9[%dma_wait3A_86, %dma_wait3A_98, %dma_wait3A_99] : memref<3x64x128xf32, #tpu.memory_space<vmem>> -> memref<1x64x128xf32, #tpu.memory_space<vmem>>
      %dma_wait3A_101 = tpu.memref_squeeze %dma_wait3A_100 : memref<1x64x128xf32, #tpu.memory_space<vmem>> -> memref<64x128xf32, #tpu.memory_space<vmem>>
      tpu.wait_dma2 semaphore(%dma_wait3A_95 : memref<!tpu.dma_semaphore, #tpu.memory_space<semaphore_mem>>) src(%dma_wait3A_101 : memref<64x128xf32, #tpu.memory_space<vmem>>) dst(%dma_wait3A_97 : memref<64x128xf32, #tpu.memory_space<vmem_shared>>)
    }
    %scan3A_30 = arith.constant 9 : i32
    %scan3A_31 = arith.constant 0 : i32
    %scan3A_32 = arith.constant 0 : i32
    %scan3A_33 = arith.constant 7 : i32
    %scan3A_34 = arith.addi %scan3A_32, %scan3A_33 : i32
    %scan3A_35 = arith.constant 1 : i32
    scf.for %scan3A_83 = %scan3A_32 to %scan3A_34 step %scan3A_35  : i32 {
      %mul3A_84 = arith.constant 632 : i32
      %mul3A_85 = arith.muli %arg1, %mul3A_84 : i32
      %multiple_of3A = tpu.assume_multiple %mul3A_85, 8 : i32
      %dma_wait3A_86 = arith.constant 0 : i32
      %dma_wait3A_87 = arith.constant 0 : i32
      %dma_wait3A_88 = tpu.memref_slice %arg6[%multiple_of3A, %dma_wait3A_87] : memref<10112x128xf32, #tpu.memory_space<vmem_shared>> -> memref<8x128xf32, #tpu.memory_space<vmem_shared>>
      %dma_wait3A_89 = tpu.memref_slice %arg12[%dma_wait3A_86] : memref<3x!tpu.dma_semaphore, #tpu.memory_space<semaphore_mem>> -> memref<1x!tpu.dma_semaphore, #tpu.memory_space<semaphore_mem>>
      %dma_wait3A_90 = tpu.memref_squeeze %dma_wait3A_89 : memref<1x!tpu.dma_semaphore, #tpu.memory_space<semaphore_mem>> -> memref<!tpu.dma_semaphore, #tpu.memory_space<semaphore_mem>>
      %dma_wait3A_91 = arith.constant 0 : i32
      %dma_wait3A_92 = tpu.memref_slice %arg6[%multiple_of3A, %dma_wait3A_91] : memref<10112x128xf32, #tpu.memory_space<vmem_shared>> -> memref<8x128xf32, #tpu.memory_space<vmem_shared>>
      tpu.wait_dma2 semaphore(%dma_wait3A_90 : memref<!tpu.dma_semaphore, #tpu.memory_space<semaphore_mem>>) src(%arg10 : memref<8x128xf32, #tpu.memory_space<vmem>>) dst(%dma_wait3A_92 : memref<8x128xf32, #tpu.memory_space<vmem_shared>>)
    }
    %scan3A_36 = arith.constant 7 : i32
    %scan3A_37 = arith.constant 0 : i32
    %scan3A_38 = arith.constant 0 : i32
    %scan3A_39 = arith.constant 2 : i32
    %scan3A_40 = arith.addi %scan3A_38, %scan3A_39 : i32
    %scan3A_41 = arith.constant 1 : i32
    scf.for %scan3A_83 = %scan3A_38 to %scan3A_40 step %scan3A_41  : i32 {
      %dma_start3A = arith.constant 0 : i32
      %dma_start3A_84 = arith.constant 0 : i32
      %dma_start3A_85 = tpu.memref_slice %arg9[%scan3A_83, %dma_start3A, %dma_start3A_84] : memref<3x64x128xf32, #tpu.memory_space<vmem>> -> memref<1x64x128xf32, #tpu.memory_space<vmem>>
      %dma_start3A_86 = tpu.memref_squeeze %dma_start3A_85 : memref<1x64x128xf32, #tpu.memory_space<vmem>> -> memref<64x128xf32, #tpu.memory_space<vmem>>
      %dma_start3A_87 = arith.constant 0 : i32
      %dma_start3A_88 = tpu.memref_slice %arg7[%scan3A_83, %dma_start3A_87] : memref<157x64xi32, #tpu.memory_space<vmem>> -> memref<1x64xi32, #tpu.memory_space<vmem>>
      %dma_start3A_89 = tpu.memref_squeeze %dma_start3A_88 : memref<1x64xi32, #tpu.memory_space<vmem>> -> memref<64xi32, #tpu.memory_space<vmem>>
      %dma_start3A_90 = arith.constant 0 : i32
      %dma_start3A_91 = arith.constant 0 : i32
      %dma_start3A_92 = tpu.memref_slice %arg2[%dma_start3A_90, %dma_start3A_91] : memref<10000x128xf32, #tpu.memory_space<hbm>> -> memref<10000x128xf32, #tpu.memory_space<hbm>>
      %dma_start3A_93 = tpu.memref_slice %arg11[%scan3A_83] : memref<3x!tpu.dma_semaphore, #tpu.memory_space<semaphore_mem>> -> memref<1x!tpu.dma_semaphore, #tpu.memory_space<semaphore_mem>>
      %dma_start3A_94 = tpu.memref_squeeze %dma_start3A_93 : memref<1x!tpu.dma_semaphore, #tpu.memory_space<semaphore_mem>> -> memref<!tpu.dma_semaphore, #tpu.memory_space<semaphore_mem>>
      tpu.enqueue_indirect_dma source(%dma_start3A_92 : memref<10000x128xf32, #tpu.memory_space<hbm>>) target(%dma_start3A_86 : memref<64x128xf32, #tpu.memory_space<vmem>>) offsets(%dma_start3A_89 : memref<64xi32, #tpu.memory_space<vmem>>) semaphore(%dma_start3A_94 : memref<!tpu.dma_semaphore, #tpu.memory_space<semaphore_mem>>)
    }
    %scan3A_42 = arith.constant 2 : i32
    %barrier3A = arith.constant 0 : index
    tpu.barrier barrier_id(%barrier3A)
    %scan3A_43 = arith.constant 0 : i32
    %scan3A_44 = arith.constant 0 : i32
    %scan3A_45 = arith.constant 157 : i32
    %scan3A_46 = arith.addi %scan3A_44, %scan3A_45 : i32
    %scan3A_47 = arith.constant 1 : i32
    scf.for %scan3A_83 = %scan3A_44 to %scan3A_46 step %scan3A_47  : i32 {
      %rem3A_84 = arith.constant 3 : i32
      %rem3A_85 = arith.remsi %scan3A_83, %rem3A_84 : i32
      %add3A_86 = arith.constant 2 : i32
      %add3A_87 = arith.addi %scan3A_83, %add3A_86 : i32
      %rem3A_88 = arith.constant 3 : i32
      %rem3A_89 = arith.remsi %add3A_87, %rem3A_88 : i32
      %dma_wait3A_90 = arith.constant 0 : i32
      %dma_wait3A_91 = arith.constant 0 : i32
      %dma_wait3A_92 = tpu.memref_slice %arg9[%rem3A_85, %dma_wait3A_90, %dma_wait3A_91] : memref<3x64x128xf32, #tpu.memory_space<vmem>> -> memref<1x64x128xf32, #tpu.memory_space<vmem>>
      %dma_wait3A_93 = tpu.memref_squeeze %dma_wait3A_92 : memref<1x64x128xf32, #tpu.memory_space<vmem>> -> memref<64x128xf32, #tpu.memory_space<vmem>>
      %dma_wait3A_94 = arith.constant 0 : i32
      %dma_wait3A_95 = tpu.memref_slice %arg7[%scan3A_83, %dma_wait3A_94] : memref<157x64xi32, #tpu.memory_space<vmem>> -> memref<1x64xi32, #tpu.memory_space<vmem>>
      %dma_wait3A_96 = tpu.memref_squeeze %dma_wait3A_95 : memref<1x64xi32, #tpu.memory_space<vmem>> -> memref<64xi32, #tpu.memory_space<vmem>>
      %dma_wait3A_97 = arith.constant 0 : i32
      %dma_wait3A_98 = arith.constant 0 : i32
      %dma_wait3A_99 = tpu.memref_slice %arg2[%dma_wait3A_97, %dma_wait3A_98] : memref<10000x128xf32, #tpu.memory_space<hbm>> -> memref<10000x128xf32, #tpu.memory_space<hbm>>
      %dma_wait3A_100 = tpu.memref_slice %arg11[%rem3A_85] : memref<3x!tpu.dma_semaphore, #tpu.memory_space<semaphore_mem>> -> memref<1x!tpu.dma_semaphore, #tpu.memory_space<semaphore_mem>>
      %dma_wait3A_101 = tpu.memref_squeeze %dma_wait3A_100 : memref<1x!tpu.dma_semaphore, #tpu.memory_space<semaphore_mem>> -> memref<!tpu.dma_semaphore, #tpu.memory_space<semaphore_mem>>
      tpu.wait_indirect_dma semaphore(%dma_wait3A_101 : memref<!tpu.dma_semaphore, #tpu.memory_space<semaphore_mem>>) src(%dma_wait3A_99 : memref<10000x128xf32, #tpu.memory_space<hbm>>) dst(%dma_wait3A_93 : memref<64x128xf32, #tpu.memory_space<vmem>>)
      %dma_start3A = arith.constant 0 : i32
      %dma_start3A_102 = arith.constant 0 : i32
      %dma_start3A_103 = tpu.memref_slice %arg9[%rem3A_85, %dma_start3A, %dma_start3A_102] : memref<3x64x128xf32, #tpu.memory_space<vmem>> -> memref<1x64x128xf32, #tpu.memory_space<vmem>>
      %dma_start3A_104 = tpu.memref_squeeze %dma_start3A_103 : memref<1x64x128xf32, #tpu.memory_space<vmem>> -> memref<64x128xf32, #tpu.memory_space<vmem>>
      %dma_start3A_105 = arith.constant 0 : i32
      %dma_start3A_106 = tpu.memref_slice %arg8[%scan3A_83, %dma_start3A_105] : memref<157x64xi32, #tpu.memory_space<vmem>> -> memref<1x64xi32, #tpu.memory_space<vmem>>
      %dma_start3A_107 = tpu.memref_squeeze %dma_start3A_106 : memref<1x64xi32, #tpu.memory_space<vmem>> -> memref<64xi32, #tpu.memory_space<vmem>>
      %dma_start3A_108 = arith.constant 0 : i32
      %dma_start3A_109 = arith.constant 0 : i32
      %dma_start3A_110 = tpu.memref_slice %arg6[%dma_start3A_108, %dma_start3A_109] : memref<10112x128xf32, #tpu.memory_space<vmem_shared>> -> memref<10112x128xf32, #tpu.memory_space<vmem_shared>>
      %dma_start3A_111 = tpu.memref_slice %arg12[%rem3A_85] : memref<3x!tpu.dma_semaphore, #tpu.memory_space<semaphore_mem>> -> memref<1x!tpu.dma_semaphore, #tpu.memory_space<semaphore_mem>>
      %dma_start3A_112 = tpu.memref_squeeze %dma_start3A_111 : memref<1x!tpu.dma_semaphore, #tpu.memory_space<semaphore_mem>> -> memref<!tpu.dma_semaphore, #tpu.memory_space<semaphore_mem>>
      tpu.enqueue_indirect_dma source(%dma_start3A_104 : memref<64x128xf32, #tpu.memory_space<vmem>>) target(%dma_start3A_110 : memref<10112x128xf32, #tpu.memory_space<vmem_shared>>) offsets(%dma_start3A_107 : memref<64xi32, #tpu.memory_space<vmem>>) semaphore(%dma_start3A_112 : memref<!tpu.dma_semaphore, #tpu.memory_space<semaphore_mem>>) {add = true}
      %ge3A = arith.constant 1 : i32
      %ge3A_113 = arith.cmpi sge, %scan3A_83, %ge3A : i32
      %convert_element_type3A_114 = arith.extui %ge3A_113 : i1 to i32
      %cond3A_115 = arith.constant 0 : i32
      %cond3A_116 = arith.cmpi ne, %convert_element_type3A_114, %cond3A_115 : i32
      scf.if %cond3A_116 {
        %sub3A = arith.constant 1 : i32
        %sub3A_123 = arith.subi %scan3A_83, %sub3A : i32
        %dma_wait3A_124 = arith.constant 0 : i32
        %dma_wait3A_125 = arith.constant 0 : i32
        %dma_wait3A_126 = tpu.memref_slice %arg9[%rem3A_89, %dma_wait3A_124, %dma_wait3A_125] : memref<3x64x128xf32, #tpu.memory_space<vmem>> -> memref<1x64x128xf32, #tpu.memory_space<vmem>>
        %dma_wait3A_127 = tpu.memref_squeeze %dma_wait3A_126 : memref<1x64x128xf32, #tpu.memory_space<vmem>> -> memref<64x128xf32, #tpu.memory_space<vmem>>
        %dma_wait3A_128 = arith.constant 0 : i32
        %dma_wait3A_129 = tpu.memref_slice %arg8[%sub3A_123, %dma_wait3A_128] : memref<157x64xi32, #tpu.memory_space<vmem>> -> memref<1x64xi32, #tpu.memory_space<vmem>>
        %dma_wait3A_130 = tpu.memref_squeeze %dma_wait3A_129 : memref<1x64xi32, #tpu.memory_space<vmem>> -> memref<64xi32, #tpu.memory_space<vmem>>
        %dma_wait3A_131 = arith.constant 0 : i32
        %dma_wait3A_132 = arith.constant 0 : i32
        %dma_wait3A_133 = tpu.memref_slice %arg6[%dma_wait3A_131, %dma_wait3A_132] : memref<10112x128xf32, #tpu.memory_space<vmem_shared>> -> memref<10112x128xf32, #tpu.memory_space<vmem_shared>>
        %dma_wait3A_134 = tpu.memref_slice %arg12[%rem3A_89] : memref<3x!tpu.dma_semaphore, #tpu.memory_space<semaphore_mem>> -> memref<1x!tpu.dma_semaphore, #tpu.memory_space<semaphore_mem>>
        %dma_wait3A_135 = tpu.memref_squeeze %dma_wait3A_134 : memref<1x!tpu.dma_semaphore, #tpu.memory_space<semaphore_mem>> -> memref<!tpu.dma_semaphore, #tpu.memory_space<semaphore_mem>>
        tpu.wait_indirect_dma semaphore(%dma_wait3A_135 : memref<!tpu.dma_semaphore, #tpu.memory_space<semaphore_mem>>) src(%dma_wait3A_127 : memref<64x128xf32, #tpu.memory_space<vmem>>) dst(%dma_wait3A_133 : memref<10112x128xf32, #tpu.memory_space<vmem_shared>>)
      } else {
      }
      %add3A_117 = arith.constant 2 : i32
      %add3A_118 = arith.addi %scan3A_83, %add3A_117 : i32
      %lt3A = arith.constant 157 : i32
      %lt3A_119 = arith.cmpi slt, %add3A_118, %lt3A : i32
      %convert_element_type3A_120 = arith.extui %lt3A_119 : i1 to i32
      %cond3A_121 = arith.constant 0 : i32
      %cond3A_122 = arith.cmpi ne, %convert_element_type3A_120, %cond3A_121 : i32
      scf.if %cond3A_122 {
        %add3A_123 = arith.constant 2 : i32
        %add3A_124 = arith.addi %scan3A_83, %add3A_123 : i32
        %dma_start3A_125 = arith.constant 0 : i32
        %dma_start3A_126 = arith.constant 0 : i32
        %dma_start3A_127 = tpu.memref_slice %arg9[%rem3A_89, %dma_start3A_125, %dma_start3A_126] : memref<3x64x128xf32, #tpu.memory_space<vmem>> -> memref<1x64x128xf32, #tpu.memory_space<vmem>>
        %dma_start3A_128 = tpu.memref_squeeze %dma_start3A_127 : memref<1x64x128xf32, #tpu.memory_space<vmem>> -> memref<64x128xf32, #tpu.memory_space<vmem>>
        %dma_start3A_129 = arith.constant 0 : i32
        %dma_start3A_130 = tpu.memref_slice %arg7[%add3A_124, %dma_start3A_129] : memref<157x64xi32, #tpu.memory_space<vmem>> -> memref<1x64xi32, #tpu.memory_space<vmem>>
        %dma_start3A_131 = tpu.memref_squeeze %dma_start3A_130 : memref<1x64xi32, #tpu.memory_space<vmem>> -> memref<64xi32, #tpu.memory_space<vmem>>
        %dma_start3A_132 = arith.constant 0 : i32
        %dma_start3A_133 = arith.constant 0 : i32
        %dma_start3A_134 = tpu.memref_slice %arg2[%dma_start3A_132, %dma_start3A_133] : memref<10000x128xf32, #tpu.memory_space<hbm>> -> memref<10000x128xf32, #tpu.memory_space<hbm>>
        %dma_start3A_135 = tpu.memref_slice %arg11[%rem3A_89] : memref<3x!tpu.dma_semaphore, #tpu.memory_space<semaphore_mem>> -> memref<1x!tpu.dma_semaphore, #tpu.memory_space<semaphore_mem>>
        %dma_start3A_136 = tpu.memref_squeeze %dma_start3A_135 : memref<1x!tpu.dma_semaphore, #tpu.memory_space<semaphore_mem>> -> memref<!tpu.dma_semaphore, #tpu.memory_space<semaphore_mem>>
        tpu.enqueue_indirect_dma source(%dma_start3A_134 : memref<10000x128xf32, #tpu.memory_space<hbm>>) target(%dma_start3A_128 : memref<64x128xf32, #tpu.memory_space<vmem>>) offsets(%dma_start3A_131 : memref<64xi32, #tpu.memory_space<vmem>>) semaphore(%dma_start3A_136 : memref<!tpu.dma_semaphore, #tpu.memory_space<semaphore_mem>>)
      } else {
      }
    }
    %scan3A_48 = arith.constant 157 : i32
    %rem3A = arith.constant 156 : i32
    %rem3A_49 = arith.constant 3 : i32
    %rem3A_50 = arith.remsi %rem3A, %rem3A_49 : i32
    %dma_wait3A = arith.constant 156 : i32
    %dma_wait3A_51 = arith.constant 0 : i32
    %dma_wait3A_52 = arith.constant 0 : i32
    %dma_wait3A_53 = tpu.memref_slice %arg9[%rem3A_50, %dma_wait3A_51, %dma_wait3A_52] : memref<3x64x128xf32, #tpu.memory_space<vmem>> -> memref<1x64x128xf32, #tpu.memory_space<vmem>>
    %dma_wait3A_54 = tpu.memref_squeeze %dma_wait3A_53 : memref<1x64x128xf32, #tpu.memory_space<vmem>> -> memref<64x128xf32, #tpu.memory_space<vmem>>
    %dma_wait3A_55 = arith.constant 0 : i32
    %dma_wait3A_56 = tpu.memref_slice %arg8[%dma_wait3A, %dma_wait3A_55] : memref<157x64xi32, #tpu.memory_space<vmem>> -> memref<1x64xi32, #tpu.memory_space<vmem>>
    %dma_wait3A_57 = tpu.memref_squeeze %dma_wait3A_56 : memref<1x64xi32, #tpu.memory_space<vmem>> -> memref<64xi32, #tpu.memory_space<vmem>>
    %dma_wait3A_58 = arith.constant 0 : i32
    %dma_wait3A_59 = arith.constant 0 : i32
    %dma_wait3A_60 = tpu.memref_slice %arg6[%dma_wait3A_58, %dma_wait3A_59] : memref<10112x128xf32, #tpu.memory_space<vmem_shared>> -> memref<10112x128xf32, #tpu.memory_space<vmem_shared>>
    %dma_wait3A_61 = tpu.memref_slice %arg12[%rem3A_50] : memref<3x!tpu.dma_semaphore, #tpu.memory_space<semaphore_mem>> -> memref<1x!tpu.dma_semaphore, #tpu.memory_space<semaphore_mem>>
    %dma_wait3A_62 = tpu.memref_squeeze %dma_wait3A_61 : memref<1x!tpu.dma_semaphore, #tpu.memory_space<semaphore_mem>> -> memref<!tpu.dma_semaphore, #tpu.memory_space<semaphore_mem>>
    tpu.wait_indirect_dma semaphore(%dma_wait3A_62 : memref<!tpu.dma_semaphore, #tpu.memory_space<semaphore_mem>>) src(%dma_wait3A_54 : memref<64x128xf32, #tpu.memory_space<vmem>>) dst(%dma_wait3A_60 : memref<10112x128xf32, #tpu.memory_space<vmem_shared>>)
    %barrier3A_63 = arith.constant 0 : index
    tpu.barrier barrier_id(%barrier3A_63)
    %scan3A_64 = arith.constant 0 : i32
    %scan3A_65 = arith.constant 0 : i32
    %scan3A_66 = arith.constant 5 : i32
    %scan3A_67 = arith.addi %scan3A_65, %scan3A_66 : i32
    %scan3A_68 = arith.constant 1 : i32
    scf.for %scan3A_83 = %scan3A_65 to %scan3A_67 step %scan3A_68  : i32 {
      %mul3A_84 = arith.constant 16 : i32
      %mul3A_85 = arith.muli %scan3A_83, %mul3A_84 : i32
      %add3A_86 = arith.addi %mul3A_85, %arg1 : i32
      %lt3A = arith.constant 78 : i32
      %lt3A_87 = arith.cmpi slt, %add3A_86, %lt3A : i32
      %convert_element_type3A_88 = arith.extui %lt3A_87 : i1 to i32
      %cond3A_89 = arith.constant 0 : i32
      %cond3A_90 = arith.cmpi ne, %convert_element_type3A_88, %cond3A_89 : i32
      scf.if %cond3A_90 {
        %mul3A_91 = arith.constant 128 : i32
        %mul3A_92 = arith.muli %add3A_86, %mul3A_91 : i32
        %multiple_of3A = tpu.assume_multiple %mul3A_92, 8 : i32
        %mul3A_93 = arith.constant 10000 : i32
        %mul3A_94 = arith.muli %arg0, %mul3A_93 : i32
        %add3A_95 = arith.addi %mul3A_94, %multiple_of3A : i32
        %dma_start3A = arith.constant 1 : i32
        %dma_start3A_96 = tpu.memref_slice %arg12[%dma_start3A] : memref<3x!tpu.dma_semaphore, #tpu.memory_space<semaphore_mem>> -> memref<1x!tpu.dma_semaphore, #tpu.memory_space<semaphore_mem>>
        %dma_start3A_97 = tpu.memref_squeeze %dma_start3A_96 : memref<1x!tpu.dma_semaphore, #tpu.memory_space<semaphore_mem>> -> memref<!tpu.dma_semaphore, #tpu.memory_space<semaphore_mem>>
        %dma_start3A_98 = arith.constant 0 : i32
        %dma_start3A_99 = tpu.memref_slice %arg5[%add3A_95, %dma_start3A_98] : memref<20000x128xf32, #tpu.memory_space<hbm>> -> memref<128x128xf32, #tpu.memory_space<hbm>>
        %dma_start3A_100 = arith.constant 0 : i32
        %dma_start3A_101 = tpu.memref_slice %arg6[%multiple_of3A, %dma_start3A_100] : memref<10112x128xf32, #tpu.memory_space<vmem_shared>> -> memref<128x128xf32, #tpu.memory_space<vmem_shared>>
        tpu.enqueue_dma source(%dma_start3A_101 : memref<128x128xf32, #tpu.memory_space<vmem_shared>>) target(%dma_start3A_99 : memref<128x128xf32, #tpu.memory_space<hbm>>) target_semaphore(%dma_start3A_97 : memref<!tpu.dma_semaphore, #tpu.memory_space<semaphore_mem>>)
      } else {
      }
    }
    %scan3A_69 = arith.constant 5 : i32
    %eq3A = arith.constant 15 : i32
    %eq3A_70 = arith.cmpi eq, %arg1, %eq3A : i32
    %convert_element_type3A = arith.extui %eq3A_70 : i1 to i32
    %cond3A = arith.constant 0 : i32
    %cond3A_71 = arith.cmpi ne, %convert_element_type3A, %cond3A : i32
    scf.if %cond3A_71 {
      %multiple_of3A = arith.constant 9984 : i32
      %multiple_of3A_83 = tpu.assume_multiple %multiple_of3A, 8 : i32
      %mul3A_84 = arith.constant 10000 : i32
      %mul3A_85 = arith.muli %arg0, %mul3A_84 : i32
      %add3A_86 = arith.addi %mul3A_85, %multiple_of3A_83 : i32
      %dma_start3A = arith.constant 1 : i32
      %dma_start3A_87 = tpu.memref_slice %arg12[%dma_start3A] : memref<3x!tpu.dma_semaphore, #tpu.memory_space<semaphore_mem>> -> memref<1x!tpu.dma_semaphore, #tpu.memory_space<semaphore_mem>>
      %dma_start3A_88 = tpu.memref_squeeze %dma_start3A_87 : memref<1x!tpu.dma_semaphore, #tpu.memory_space<semaphore_mem>> -> memref<!tpu.dma_semaphore, #tpu.memory_space<semaphore_mem>>
      %dma_start3A_89 = arith.constant 0 : i32
      %dma_start3A_90 = tpu.memref_slice %arg5[%add3A_86, %dma_start3A_89] : memref<20000x128xf32, #tpu.memory_space<hbm>> -> memref<16x128xf32, #tpu.memory_space<hbm>>
      %dma_start3A_91 = arith.constant 0 : i32
      %dma_start3A_92 = tpu.memref_slice %arg6[%multiple_of3A_83, %dma_start3A_91] : memref<10112x128xf32, #tpu.memory_space<vmem_shared>> -> memref<16x128xf32, #tpu.memory_space<vmem_shared>>
      tpu.enqueue_dma source(%dma_start3A_92 : memref<16x128xf32, #tpu.memory_space<vmem_shared>>) target(%dma_start3A_90 : memref<16x128xf32, #tpu.memory_space<hbm>>) target_semaphore(%dma_start3A_88 : memref<!tpu.dma_semaphore, #tpu.memory_space<semaphore_mem>>)
    } else {
    }
    %scan3A_72 = arith.constant 0 : i32
    %scan3A_73 = arith.constant 0 : i32
    %scan3A_74 = arith.constant 5 : i32
    %scan3A_75 = arith.addi %scan3A_73, %scan3A_74 : i32
    %scan3A_76 = arith.constant 1 : i32
    scf.for %scan3A_83 = %scan3A_73 to %scan3A_75 step %scan3A_76  : i32 {
      %mul3A_84 = arith.constant 16 : i32
      %mul3A_85 = arith.muli %scan3A_83, %mul3A_84 : i32
      %add3A_86 = arith.addi %mul3A_85, %arg1 : i32
      %lt3A = arith.constant 78 : i32
      %lt3A_87 = arith.cmpi slt, %add3A_86, %lt3A : i32
      %convert_element_type3A_88 = arith.extui %lt3A_87 : i1 to i32
      %cond3A_89 = arith.constant 0 : i32
      %cond3A_90 = arith.cmpi ne, %convert_element_type3A_88, %cond3A_89 : i32
      scf.if %cond3A_90 {
        %mul3A_91 = arith.constant 128 : i32
        %mul3A_92 = arith.muli %add3A_86, %mul3A_91 : i32
        %multiple_of3A = tpu.assume_multiple %mul3A_92, 8 : i32
        %mul3A_93 = arith.constant 10000 : i32
        %mul3A_94 = arith.muli %arg0, %mul3A_93 : i32
        %add3A_95 = arith.addi %mul3A_94, %multiple_of3A : i32
        %dma_wait3A_96 = arith.constant 1 : i32
        %dma_wait3A_97 = tpu.memref_slice %arg12[%dma_wait3A_96] : memref<3x!tpu.dma_semaphore, #tpu.memory_space<semaphore_mem>> -> memref<1x!tpu.dma_semaphore, #tpu.memory_space<semaphore_mem>>
        %dma_wait3A_98 = tpu.memref_squeeze %dma_wait3A_97 : memref<1x!tpu.dma_semaphore, #tpu.memory_space<semaphore_mem>> -> memref<!tpu.dma_semaphore, #tpu.memory_space<semaphore_mem>>
        %dma_wait3A_99 = arith.constant 0 : i32
        %dma_wait3A_100 = tpu.memref_slice %arg5[%add3A_95, %dma_wait3A_99] : memref<20000x128xf32, #tpu.memory_space<hbm>> -> memref<128x128xf32, #tpu.memory_space<hbm>>
        %dma_wait3A_101 = arith.constant 0 : i32
        %dma_wait3A_102 = tpu.memref_slice %arg6[%multiple_of3A, %dma_wait3A_101] : memref<10112x128xf32, #tpu.memory_space<vmem_shared>> -> memref<128x128xf32, #tpu.memory_space<vmem_shared>>
        tpu.wait_dma2 semaphore(%dma_wait3A_98 : memref<!tpu.dma_semaphore, #tpu.memory_space<semaphore_mem>>) src(%dma_wait3A_102 : memref<128x128xf32, #tpu.memory_space<vmem_shared>>) dst(%dma_wait3A_100 : memref<128x128xf32, #tpu.memory_space<hbm>>)
      } else {
      }
    }
    %scan3A_77 = arith.constant 5 : i32
    %eq3A_78 = arith.constant 15 : i32
    %eq3A_79 = arith.cmpi eq, %arg1, %eq3A_78 : i32
    %convert_element_type3A_80 = arith.extui %eq3A_79 : i1 to i32
    %cond3A_81 = arith.constant 0 : i32
    %cond3A_82 = arith.cmpi ne, %convert_element_type3A_80, %cond3A_81 : i32
    scf.if %cond3A_82 {
      %multiple_of3A = arith.constant 9984 : i32
      %multiple_of3A_83 = tpu.assume_multiple %multiple_of3A, 8 : i32
      %mul3A_84 = arith.constant 10000 : i32
      %mul3A_85 = arith.muli %arg0, %mul3A_84 : i32
      %add3A_86 = arith.addi %mul3A_85, %multiple_of3A_83 : i32
      %dma_wait3A_87 = arith.constant 1 : i32
      %dma_wait3A_88 = tpu.memref_slice %arg12[%dma_wait3A_87] : memref<3x!tpu.dma_semaphore, #tpu.memory_space<semaphore_mem>> -> memref<1x!tpu.dma_semaphore, #tpu.memory_space<semaphore_mem>>
      %dma_wait3A_89 = tpu.memref_squeeze %dma_wait3A_88 : memref<1x!tpu.dma_semaphore, #tpu.memory_space<semaphore_mem>> -> memref<!tpu.dma_semaphore, #tpu.memory_space<semaphore_mem>>
      %dma_wait3A_90 = arith.constant 0 : i32
      %dma_wait3A_91 = tpu.memref_slice %arg5[%add3A_86, %dma_wait3A_90] : memref<20000x128xf32, #tpu.memory_space<hbm>> -> memref<16x128xf32, #tpu.memory_space<hbm>>
      %dma_wait3A_92 = arith.constant 0 : i32
      %dma_wait3A_93 = tpu.memref_slice %arg6[%multiple_of3A_83, %dma_wait3A_92] : memref<10112x128xf32, #tpu.memory_space<vmem_shared>> -> memref<16x128xf32, #tpu.memory_space<vmem_shared>>
      tpu.wait_dma2 semaphore(%dma_wait3A_89 : memref<!tpu.dma_semaphore, #tpu.memory_space<semaphore_mem>>) src(%dma_wait3A_93 : memref<16x128xf32, #tpu.memory_space<vmem_shared>>) dst(%dma_wait3A_91 : memref<16x128xf32, #tpu.memory_space<hbm>>)
    } else {
    }
    return
  }
}

module attributes {stable_mosaic.version = 14 : i64} {
  func.func @_prep_body(%arg0: i32, %arg1: memref<2x2000x1xf32, #tpu.memory_space<vmem>>, %arg2: memref<2000x128xf32, #tpu.memory_space<vmem>>, %arg3: memref<2000x128xf32, #tpu.memory_space<vmem>>, %arg4: memref<2000x1xf32, #tpu.memory_space<vmem>>) attributes {dimension_semantics = [#tpu.dimension_semantics<arbitrary>], iteration_bounds = array<i64: 5>, scalar_prefetch = 0 : i64, scratch_operands = 0 : i64, tpu.core_type = #tpu.core_type<tc>, window_params = [{transform_indices = @transform_0, window_bounds = array<i64: 2, 2000, 1>}, {transform_indices = @transform_1, window_bounds = array<i64: 2000, 128>}, {transform_indices = @transform_2, window_bounds = array<i64: 2000, 128>}, {transform_indices = @transform_3, window_bounds = array<i64: 2000, 1>}]} {
    %get3A = arith.constant 0 : index
    %get3A_0 = arith.constant 0 : index
    %get3A_1 = arith.constant 0 : index
    %get3A_2 = vector.load %arg1[%get3A, %get3A_0, %get3A_1] : memref<2x2000x1xf32, #tpu.memory_space<vmem>>, vector<1x2000x1xf32>
    %get3A_3 = vector.shape_cast %get3A_2 : vector<1x2000x1xf32> to vector<2000x1xf32>
    %get3A_4 = arith.constant 1 : index
    %get3A_5 = arith.constant 0 : index
    %get3A_6 = arith.constant 0 : index
    %get3A_7 = vector.load %arg1[%get3A_4, %get3A_5, %get3A_6] : memref<2x2000x1xf32, #tpu.memory_space<vmem>>, vector<1x2000x1xf32>
    %get3A_8 = vector.shape_cast %get3A_7 : vector<1x2000x1xf32> to vector<2000x1xf32>
    %add3A = arith.addf %get3A_3, %get3A_8 : vector<2000x1xf32>
    %max3A = arith.constant 1.000000e+00 : f32
    %max3A_9 = vector.broadcast %max3A : f32 to vector<2000x1xf32>
    %max3A_10 = arith.maximumf %add3A, %max3A_9 : vector<2000x1xf32>
    %rsqrt3A = math.rsqrt %max3A_10 : vector<2000x1xf32>
    %swap3A = arith.constant 0 : index
    %swap3A_11 = arith.constant 0 : index
    %swap3A_12 = vector.load %arg4[%swap3A, %swap3A_11] : memref<2000x1xf32, #tpu.memory_space<vmem>>, vector<2000x1xf32>
    tpu.vector_store %arg4[%swap3A, %swap3A_11], %rsqrt3A {strides = array<i32>} : memref<2000x1xf32, #tpu.memory_space<vmem>>, vector<2000x1xf32>,
    %get3A_13 = arith.constant 0 : index
    %get3A_14 = arith.constant 0 : index
    %get3A_15 = vector.load %arg2[%get3A_13, %get3A_14] : memref<2000x128xf32, #tpu.memory_space<vmem>>, vector<2000x128xf32>
    %mul3A = vector.broadcast %rsqrt3A : vector<2000x1xf32> to vector<2000x128xf32>
    %mul3A_16 = arith.mulf %get3A_15, %mul3A : vector<2000x128xf32>
    %swap3A_17 = arith.constant 0 : index
    %swap3A_18 = arith.constant 0 : index
    %swap3A_19 = vector.load %arg3[%swap3A_17, %swap3A_18] : memref<2000x128xf32, #tpu.memory_space<vmem>>, vector<2000x128xf32>
    tpu.vector_store %arg3[%swap3A_17, %swap3A_18], %mul3A_16 {strides = array<i32>} : memref<2000x128xf32, #tpu.memory_space<vmem>>, vector<2000x128xf32>,
    return
  }
  func.func @transform_0(%arg0: i32) -> (i32, i32, i32) {
    %c0_i32 = arith.constant 0 : i32
    %c0_i32_0 = arith.constant 0 : i32
    %c0_i32_1 = arith.constant 0 : i32
    return %c0_i32, %arg0, %c0_i32_0 : i32, i32, i32
  }
  func.func @transform_1(%arg0: i32) -> (i32, i32) {
    %c0_i32 = arith.constant 0 : i32
    %c0_i32_0 = arith.constant 0 : i32
    return %arg0, %c0_i32 : i32, i32
  }
  func.func @transform_2(%arg0: i32) -> (i32, i32) {
    %c0_i32 = arith.constant 0 : i32
    %c0_i32_0 = arith.constant 0 : i32
    return %arg0, %c0_i32 : i32, i32
  }
  func.func @transform_3(%arg0: i32) -> (i32, i32) {
    %c0_i32 = arith.constant 0 : i32
    %c0_i32_0 = arith.constant 0 : i32
    return %arg0, %c0_i32 : i32, i32
  }
}

module attributes {stable_mosaic.version = 14 : i64} {
  func.func @_mid_body(%arg0: i32, %arg1: memref<2x2000x128xf32, #tpu.memory_space<vmem>>, %arg2: memref<2000x1xf32, #tpu.memory_space<vmem>>, %arg3: memref<2000x128xf32, #tpu.memory_space<vmem>>, %arg4: memref<2000x128xf32, #tpu.memory_space<vmem>>) attributes {dimension_semantics = [#tpu.dimension_semantics<arbitrary>], iteration_bounds = array<i64: 5>, scalar_prefetch = 0 : i64, scratch_operands = 0 : i64, tpu.core_type = #tpu.core_type<tc>, window_params = [{transform_indices = @transform_0, window_bounds = array<i64: 2, 2000, 128>}, {transform_indices = @transform_1, window_bounds = array<i64: 2000, 1>}, {transform_indices = @transform_2, window_bounds = array<i64: 2000, 128>}, {transform_indices = @transform_3, window_bounds = array<i64: 2000, 128>}]} {
    %get3A = arith.constant 0 : index
    %get3A_0 = arith.constant 0 : index
    %get3A_1 = arith.constant 0 : index
    %get3A_2 = vector.load %arg1[%get3A, %get3A_0, %get3A_1] : memref<2x2000x128xf32, #tpu.memory_space<vmem>>, vector<1x2000x128xf32>
    %get3A_3 = vector.shape_cast %get3A_2 : vector<1x2000x128xf32> to vector<2000x128xf32>
    %get3A_4 = arith.constant 1 : index
    %get3A_5 = arith.constant 0 : index
    %get3A_6 = arith.constant 0 : index
    %get3A_7 = vector.load %arg1[%get3A_4, %get3A_5, %get3A_6] : memref<2x2000x128xf32, #tpu.memory_space<vmem>>, vector<1x2000x128xf32>
    %get3A_8 = vector.shape_cast %get3A_7 : vector<1x2000x128xf32> to vector<2000x128xf32>
    %add3A = arith.addf %get3A_3, %get3A_8 : vector<2000x128xf32>
    %get3A_9 = arith.constant 0 : index
    %get3A_10 = arith.constant 0 : index
    %get3A_11 = vector.load %arg2[%get3A_9, %get3A_10] : memref<2000x1xf32, #tpu.memory_space<vmem>>, vector<2000x1xf32>
    %mul3A = vector.broadcast %get3A_11 : vector<2000x1xf32> to vector<2000x128xf32>
    %mul3A_12 = arith.mulf %mul3A, %add3A : vector<2000x128xf32>
    %neg3A = arith.constant 0.000000e+00 : f32
    %neg3A_13 = vector.broadcast %neg3A : f32 to vector<2000x128xf32>
    %neg3A_14 = arith.subf %neg3A_13, %mul3A_12 : vector<2000x128xf32>
    %swap3A = arith.constant 0 : index
    %swap3A_15 = arith.constant 0 : index
    %swap3A_16 = vector.load %arg3[%swap3A, %swap3A_15] : memref<2000x128xf32, #tpu.memory_space<vmem>>, vector<2000x128xf32>
    tpu.vector_store %arg3[%swap3A, %swap3A_15], %neg3A_14 {strides = array<i32>} : memref<2000x128xf32, #tpu.memory_space<vmem>>, vector<2000x128xf32>,
    %mul3A_17 = vector.broadcast %get3A_11 : vector<2000x1xf32> to vector<2000x128xf32>
    %mul3A_18 = arith.mulf %mul3A_17, %neg3A_14 : vector<2000x128xf32>
    %swap3A_19 = arith.constant 0 : index
    %swap3A_20 = arith.constant 0 : index
    %swap3A_21 = vector.load %arg4[%swap3A_19, %swap3A_20] : memref<2000x128xf32, #tpu.memory_space<vmem>>, vector<2000x128xf32>
    tpu.vector_store %arg4[%swap3A_19, %swap3A_20], %mul3A_18 {strides = array<i32>} : memref<2000x128xf32, #tpu.memory_space<vmem>>, vector<2000x128xf32>,
    return
  }
  func.func @transform_0(%arg0: i32) -> (i32, i32, i32) {
    %c0_i32 = arith.constant 0 : i32
    %c0_i32_0 = arith.constant 0 : i32
    %c0_i32_1 = arith.constant 0 : i32
    return %c0_i32, %arg0, %c0_i32_0 : i32, i32, i32
  }
  func.func @transform_1(%arg0: i32) -> (i32, i32) {
    %c0_i32 = arith.constant 0 : i32
    %c0_i32_0 = arith.constant 0 : i32
    return %arg0, %c0_i32 : i32, i32
  }
  func.func @transform_2(%arg0: i32) -> (i32, i32) {
    %c0_i32 = arith.constant 0 : i32
    %c0_i32_0 = arith.constant 0 : i32
    return %arg0, %c0_i32 : i32, i32
  }
  func.func @transform_3(%arg0: i32) -> (i32, i32) {
    %c0_i32 = arith.constant 0 : i32
    %c0_i32_0 = arith.constant 0 : i32
    return %arg0, %c0_i32 : i32, i32
  }
}

module attributes {stable_mosaic.version = 14 : i64} {
  func.func @_out_body(%arg0: i32, %arg1: memref<2000x128xf32, #tpu.memory_space<vmem>>, %arg2: memref<2000x128xf32, #tpu.memory_space<vmem>>, %arg3: memref<2x2000x128xf32, #tpu.memory_space<vmem>>, %arg4: memref<2000x1xf32, #tpu.memory_space<vmem>>, %arg5: memref<3x2000x1xf32, #tpu.memory_space<vmem>>, %arg6: memref<3x128x128xf32, #tpu.memory_space<vmem>>, %arg7: memref<1x128xf32, #tpu.memory_space<vmem>>, %arg8: memref<2000x128xf32, #tpu.memory_space<vmem>>) attributes {dimension_semantics = [#tpu.dimension_semantics<arbitrary>], iteration_bounds = array<i64: 5>, scalar_prefetch = 0 : i64, scratch_operands = 0 : i64, tpu.core_type = #tpu.core_type<tc>, window_params = [{transform_indices = @transform_0, window_bounds = array<i64: 2000, 128>}, {transform_indices = @transform_1, window_bounds = array<i64: 2000, 128>}, {transform_indices = @transform_2, window_bounds = array<i64: 2, 2000, 128>}, {transform_indices = @transform_3, window_bounds = array<i64: 2000, 1>}, {transform_indices = @transform_4, window_bounds = array<i64: 3, 2000, 1>}, {pipeline_mode = #tpu.pipeline_mode<synchronous>, transform_indices = @transform_5, window_bounds = array<i64: 3, 128, 128>}, {pipeline_mode = #tpu.pipeline_mode<synchronous>, transform_indices = @transform_6, window_bounds = array<i64: 1, 128>}, {transform_indices = @transform_7, window_bounds = array<i64: 2000, 128>}]} {
    %get3A = arith.constant 0 : index
    %get3A_0 = arith.constant 0 : index
    %get3A_1 = arith.constant 0 : index
    %get3A_2 = vector.load %arg3[%get3A, %get3A_0, %get3A_1] : memref<2x2000x128xf32, #tpu.memory_space<vmem>>, vector<1x2000x128xf32>
    %get3A_3 = vector.shape_cast %get3A_2 : vector<1x2000x128xf32> to vector<2000x128xf32>
    %get3A_4 = arith.constant 1 : index
    %get3A_5 = arith.constant 0 : index
    %get3A_6 = arith.constant 0 : index
    %get3A_7 = vector.load %arg3[%get3A_4, %get3A_5, %get3A_6] : memref<2x2000x128xf32, #tpu.memory_space<vmem>>, vector<1x2000x128xf32>
    %get3A_8 = vector.shape_cast %get3A_7 : vector<1x2000x128xf32> to vector<2000x128xf32>
    %add3A = arith.addf %get3A_3, %get3A_8 : vector<2000x128xf32>
    %get3A_9 = arith.constant 0 : index
    %get3A_10 = arith.constant 0 : index
    %get3A_11 = vector.load %arg4[%get3A_9, %get3A_10] : memref<2000x1xf32, #tpu.memory_space<vmem>>, vector<2000x1xf32>
    %mul3A = vector.broadcast %get3A_11 : vector<2000x1xf32> to vector<2000x128xf32>
    %mul3A_12 = arith.mulf %mul3A, %add3A : vector<2000x128xf32>
    %mul3A_13 = arith.constant -2.000000e+00 : f32
    %mul3A_14 = vector.broadcast %mul3A_13 : f32 to vector<2000x128xf32>
    %mul3A_15 = arith.mulf %mul3A_14, %mul3A_12 : vector<2000x128xf32>
    %get3A_16 = arith.constant 0 : index
    %get3A_17 = arith.constant 0 : index
    %get3A_18 = vector.load %arg1[%get3A_16, %get3A_17] : memref<2000x128xf32, #tpu.memory_space<vmem>>, vector<2000x128xf32>
    %sub3A = arith.subf %mul3A_15, %get3A_18 : vector<2000x128xf32>
    %get3A_19 = arith.constant 0 : index
    %get3A_20 = arith.constant 0 : index
    %get3A_21 = arith.constant 0 : index
    %get3A_22 = vector.load %arg5[%get3A_19, %get3A_20, %get3A_21] : memref<3x2000x1xf32, #tpu.memory_space<vmem>>, vector<1x2000x1xf32>
    %get3A_23 = vector.shape_cast %get3A_22 : vector<1x2000x1xf32> to vector<2000x1xf32>
    %get3A_24 = arith.constant 0 : index
    %get3A_25 = arith.constant 0 : index
    %get3A_26 = vector.load %arg1[%get3A_24, %get3A_25] : memref<2000x128xf32, #tpu.memory_space<vmem>>, vector<2000x128xf32>
    %mul3A_27 = vector.broadcast %get3A_23 : vector<2000x1xf32> to vector<2000x128xf32>
    %mul3A_28 = arith.mulf %mul3A_27, %get3A_26 : vector<2000x128xf32>
    %get3A_29 = arith.constant 0 : index
    %get3A_30 = arith.constant 0 : index
    %get3A_31 = arith.constant 0 : index
    %get3A_32 = vector.load %arg6[%get3A_29, %get3A_30, %get3A_31] : memref<3x128x128xf32, #tpu.memory_space<vmem>>, vector<1x128x128xf32>
    %get3A_33 = vector.shape_cast %get3A_32 : vector<1x128x128xf32> to vector<128x128xf32>
    %dot_general3A = arith.constant dense<0.000000e+00> : vector<2000x128xf32>
    %dot_general3A_34 = tpu.matmul %mul3A_28, %get3A_33, %dot_general3A {dimension_numbers = #tpu.dot_dimension_numbers<[1], [0], [0], [1], [0, 0, 1, 1], [], []>, transpose_lhs_hint = false} : vector<2000x128xf32>, vector<128x128xf32>, vector<2000x128xf32> -> vector<2000x128xf32>
    %get3A_35 = arith.constant 1 : index
    %get3A_36 = arith.constant 0 : index
    %get3A_37 = arith.constant 0 : index
    %get3A_38 = vector.load %arg5[%get3A_35, %get3A_36, %get3A_37] : memref<3x2000x1xf32, #tpu.memory_space<vmem>>, vector<1x2000x1xf32>
    %get3A_39 = vector.shape_cast %get3A_38 : vector<1x2000x1xf32> to vector<2000x1xf32>
    %get3A_40 = arith.constant 0 : index
    %get3A_41 = arith.constant 0 : index
    %get3A_42 = vector.load %arg2[%get3A_40, %get3A_41] : memref<2000x128xf32, #tpu.memory_space<vmem>>, vector<2000x128xf32>
    %mul3A_43 = vector.broadcast %get3A_39 : vector<2000x1xf32> to vector<2000x128xf32>
    %mul3A_44 = arith.mulf %mul3A_43, %get3A_42 : vector<2000x128xf32>
    %get3A_45 = arith.constant 1 : index
    %get3A_46 = arith.constant 0 : index
    %get3A_47 = arith.constant 0 : index
    %get3A_48 = vector.load %arg6[%get3A_45, %get3A_46, %get3A_47] : memref<3x128x128xf32, #tpu.memory_space<vmem>>, vector<1x128x128xf32>
    %get3A_49 = vector.shape_cast %get3A_48 : vector<1x128x128xf32> to vector<128x128xf32>
    %dot_general3A_50 = arith.constant dense<0.000000e+00> : vector<2000x128xf32>
    %dot_general3A_51 = tpu.matmul %mul3A_44, %get3A_49, %dot_general3A_50 {dimension_numbers = #tpu.dot_dimension_numbers<[1], [0], [0], [1], [0, 0, 1, 1], [], []>, transpose_lhs_hint = false} : vector<2000x128xf32>, vector<128x128xf32>, vector<2000x128xf32> -> vector<2000x128xf32>
    %add3A_52 = arith.addf %dot_general3A_34, %dot_general3A_51 : vector<2000x128xf32>
    %get3A_53 = arith.constant 2 : index
    %get3A_54 = arith.constant 0 : index
    %get3A_55 = arith.constant 0 : index
    %get3A_56 = vector.load %arg5[%get3A_53, %get3A_54, %get3A_55] : memref<3x2000x1xf32, #tpu.memory_space<vmem>>, vector<1x2000x1xf32>
    %get3A_57 = vector.shape_cast %get3A_56 : vector<1x2000x1xf32> to vector<2000x1xf32>
    %mul3A_58 = vector.broadcast %get3A_57 : vector<2000x1xf32> to vector<2000x128xf32>
    %mul3A_59 = arith.mulf %mul3A_58, %sub3A : vector<2000x128xf32>
    %get3A_60 = arith.constant 2 : index
    %get3A_61 = arith.constant 0 : index
    %get3A_62 = arith.constant 0 : index
    %get3A_63 = vector.load %arg6[%get3A_60, %get3A_61, %get3A_62] : memref<3x128x128xf32, #tpu.memory_space<vmem>>, vector<1x128x128xf32>
    %get3A_64 = vector.shape_cast %get3A_63 : vector<1x128x128xf32> to vector<128x128xf32>
    %dot_general3A_65 = arith.constant dense<0.000000e+00> : vector<2000x128xf32>
    %dot_general3A_66 = tpu.matmul %mul3A_59, %get3A_64, %dot_general3A_65 {dimension_numbers = #tpu.dot_dimension_numbers<[1], [0], [0], [1], [0, 0, 1, 1], [], []>, transpose_lhs_hint = false} : vector<2000x128xf32>, vector<128x128xf32>, vector<2000x128xf32> -> vector<2000x128xf32>
    %add3A_67 = arith.addf %add3A_52, %dot_general3A_66 : vector<2000x128xf32>
    %get3A_68 = arith.constant 0 : index
    %get3A_69 = arith.constant 0 : index
    %get3A_70 = vector.load %arg7[%get3A_68, %get3A_69] : memref<1x128xf32, #tpu.memory_space<vmem>>, vector<1x128xf32>
    %add3A_71 = vector.broadcast %get3A_70 : vector<1x128xf32> to vector<2000x128xf32>
    %add3A_72 = arith.addf %add3A_67, %add3A_71 : vector<2000x128xf32>
    %swap3A = arith.constant 0 : index
    %swap3A_73 = arith.constant 0 : index
    %swap3A_74 = vector.load %arg8[%swap3A, %swap3A_73] : memref<2000x128xf32, #tpu.memory_space<vmem>>, vector<2000x128xf32>
    tpu.vector_store %arg8[%swap3A, %swap3A_73], %add3A_72 {strides = array<i32>} : memref<2000x128xf32, #tpu.memory_space<vmem>>, vector<2000x128xf32>,
    return
  }
  func.func @transform_0(%arg0: i32) -> (i32, i32) {
    %c0_i32 = arith.constant 0 : i32
    %c0_i32_0 = arith.constant 0 : i32
    return %arg0, %c0_i32 : i32, i32
  }
  func.func @transform_1(%arg0: i32) -> (i32, i32) {
    %c0_i32 = arith.constant 0 : i32
    %c0_i32_0 = arith.constant 0 : i32
    return %arg0, %c0_i32 : i32, i32
  }
  func.func @transform_2(%arg0: i32) -> (i32, i32, i32) {
    %c0_i32 = arith.constant 0 : i32
    %c0_i32_0 = arith.constant 0 : i32
    %c0_i32_1 = arith.constant 0 : i32
    return %c0_i32, %arg0, %c0_i32_0 : i32, i32, i32
  }
  func.func @transform_3(%arg0: i32) -> (i32, i32) {
    %c0_i32 = arith.constant 0 : i32
    %c0_i32_0 = arith.constant 0 : i32
    return %arg0, %c0_i32 : i32, i32
  }
  func.func @transform_4(%arg0: i32) -> (i32, i32, i32) {
    %c0_i32 = arith.constant 0 : i32
    %c0_i32_0 = arith.constant 0 : i32
    %c0_i32_1 = arith.constant 0 : i32
    return %c0_i32, %arg0, %c0_i32_0 : i32, i32, i32
  }
  func.func @transform_5(%arg0: i32) -> (i32, i32, i32) {
    %c0_i32 = arith.constant 0 : i32
    %c0_i32_0 = arith.constant 0 : i32
    %c0_i32_1 = arith.constant 0 : i32
    %c0_i32_2 = arith.constant 0 : i32
    return %c0_i32, %c0_i32_0, %c0_i32_1 : i32, i32, i32
  }
  func.func @transform_6(%arg0: i32) -> (i32, i32) {
    %c0_i32 = arith.constant 0 : i32
    %c0_i32_0 = arith.constant 0 : i32
    %c0_i32_1 = arith.constant 0 : i32
    return %c0_i32, %c0_i32_0 : i32, i32
  }
  func.func @transform_7(%arg0: i32) -> (i32, i32) {
    %c0_i32 = arith.constant 0 : i32
    %c0_i32_0 = arith.constant 0 : i32
    return %arg0, %c0_i32 : i32, i32
  }
}

</mosaic_0001>

<sc_bundles>
// kernel: kernel.11.cloned.1.call-start
scs
__scs_entry_jumppad:
0x0: {  	(pc) =	sbr.rel $0x88, $3  }
0x1: {  	(tag) =	ssettag $0x0;
	lr =	simm.s32 $0x1  }
0x2: {  	[smem:$0x3F9C] =	sst lr;
	_ =	strace $0xD0000000  }
0x3: {  	_ = 	snop  }
0x4: {  	_ = 	snop  }
0x5: {  	_ = 	snop  }
0x6: {  	_ = 	snop  }
0x7: {  	_ = 	snop  }
__scs_overlays_trampoline_lowered:
0x8: {  	[smem:$0x3FAB] =	sst s0  }
0x9: {  	[smem:$0x3FAC] =	sst s1  }
0xa: {  	[smem:$0x3FAD] =	sst s2  }
0xb: {  	[smem:$0x3FAE] =	sst s3  }
0xc: {  	[smem:$0x3FAF] =	sst s4  }
0xd: {  	[smem:$0x3FB0] =	sst s5  }
0xe: {  	[smem:$0x3FB1] =	sst s6  }
0xf: {  	[smem:$0x3FB2] =	sst s7  }
0x10: {  	[smem:$0x3FB3] =	sst s8  }
0x11: {  	[smem:$0x3FB4] =	sst s9;
	s0 =	simm.s32 @!p0 $0x0  }
0x12: {  	s1 =	sld [smem:$0x3F9A];
	s0 =	simm.s32 @p0 $0x1  }
0x13: {  	[smem:$0x3FB5] =	sst s0;
	s0 =	simm.s32 @!p1 $0x0  }
0x14: {  	s2 =	sld [smem:$0x3F99];
	s0 =	simm.s32 @p1 $0x1  }
0x15: {  	[smem:$0x3FB6] =	sst s0;
	s0 =	simm.s32 @!p2 $0x0  }
0x16: {  	s3 =	sld [smem:$0x3FDB];
	s0 =	simm.s32 @p2 $0x1  }
0x17: {  	s4 =	simm.s32 $0x1BF5;
	[smem:$0x3FB8] =	sst s0  }
0x18: {  	s0 =	sld [smem:$0x3F9B];
	_ =	swait.ge [sflag:s4], $0x0  }
0x19: {  	s7 =	sld [smem:$0x3F9C]  }
0x1a: {  	s8 =	sadd.s32 $0xFFFFE003, lr  }
0x1b: {  	s9 =	sadd.s32 $0xFFFFFEF7, lr;
	s5 =	simm.s32 $0xFFFFFFFF;
	p2 =	slt.u32 s8, $0xFFFFF086  }
0x1c: {  	p1 =	slt.u32 s9, $0xF7A;
	s5 =	simm.s32 @!p2 $0x0  }
0x1d: {  	s5 =	simm.s32 @p1 $0x1;
	p0 =	seq.s32 s7, s2  }
0x1e: {  	s7 =	smul.u32 @!p0 $0xF7A, s2;
	p2 =	seq.s32 @!p0 s5, $0x0  }
0x1f: {  	s9 =	smul.u32 $0xF7A, s1;
	s8 =	simm.s32 @!p0 $0x1BF5;
	p2 =	por !p2, p0  }
0x20: {  	[sflag:s8] =	ssyncset.s32 @!p0 $0xFFFFF086;
	s6 =	sadd.s32 @!p0 s3, s7;
	s7 =	simm.s32 @!p0 $0x108  }
0x21: {  	s3 =	sadd.s32 s3, s9;
	s6 =	sadd.s32 @!p0 $0x88, s6;
	s7 =	simm.s32 @p2 $0x1082  }
0x22: {  	[simem:s7], [sflag:s8] =	dma.local @!p0 [hbm:s6], $0xF7A  }
0x23: {  	s9 =	sor.u32 $0xD0000000, s2;
	s6 =	simm.s32 $0x108;
	_ =	swait.ge @!p0 [sflag:s8], $0x0  }
0x24: {  	s3 =	sadd.s32 $0x88, s3;
	s6 =	simm.s32 @!p1 $0x1082;
	[sflag:s4] =	ssyncset.s32 $0xFFFFF086  }
0x25: {  	[simem:s6], [sflag:s4] =	dma.local [hbm:s3], $0xF7A  }
0x26: {  	[smem:$0x3F9C] =	sst s1;
	(tag) =	ssettag s2;
	_ =	strace s9  }
0x27: {  	s1 =	sld [smem:$0x3FAC]  }
0x28: {  	s2 =	sld [smem:$0x3FAD]  }
0x29: {  	s4 =	sld [smem:$0x3FAF]  }
0x2a: {  	p0 =	seq.s32 s5, $0x0;
	s5 =	sld [smem:$0x3FB0]  }
0x2b: {  	s6 =	sld [smem:$0x3FB1]  }
0x2c: {  	s7 =	sld [smem:$0x3FB2]  }
0x2d: {  	s3 =	simm.s32 $0x108;
	s8 =	sld [smem:$0x3FB3]  }
0x2e: {  	s3 =	simm.s32 @!p0 $0x1082;
	s9 =	sld [smem:$0x3FB4]  }
0x2f: {  	lr =	sadd.s32 s0, s3;
	s0 =	sld [smem:$0x3FAB]  }
0x30: {  	s3 =	sld [smem:$0x3FAE]  }
0x31: {  	[smem:$0x3FB7] =	sst s10  }
0x32: {  	s10 =	sld [smem:$0x3FB5];
	_ =	sdelay $0x3  }
0x33: {  	p0 =	seq.s32 s10, $0x1;
	s10 =	sld [smem:$0x3FB7];
	_ =	sdelay $0x3  }
0x34: {  	[smem:$0x3FB7] =	sst s10  }
0x35: {  	s10 =	sld [smem:$0x3FB6];
	_ =	sdelay $0x3  }
0x36: {  	p1 =	seq.s32 s10, $0x1;
	s10 =	sld [smem:$0x3FB7];
	_ =	sdelay $0x3  }
0x37: {  	[smem:$0x3FB7] =	sst s10  }
0x38: {  	s10 =	sld [smem:$0x3FB8]  }
0x39: {  	_ = 	snop;
	(pc) =	sbr.ind lr, $3  }
0x3a: {  	_ = 	snop  }
0x3b: {  	_ = 	snop  }
0x3c: {  	p2 =	seq.s32 s10, $0x1;
	s10 =	sld [smem:$0x3FB7]  }
0x3d: {  	_ =	shalt  }
0x3e: {  	_ =	shalt  }
0x3f: {  	_ =	shalt  }
0x40: {  	_ =	shalt  }
0x41: {  	_ =	shalt  }
0x42: {  	_ =	shalt  }
0x43: {  	_ =	shalt  }
0x44: {  	_ =	shalt  }
0x45: {  	_ =	shalt  }
0x46: {  	_ =	shalt  }
0x47: {  	_ =	shalt  }
0x48: {  	_ =	shalt  }
0x49: {  	_ =	shalt  }
0x4a: {  	_ =	shalt  }
0x4b: {  	_ =	shalt  }
0x4c: {  	_ =	shalt  }
0x4d: {  	_ =	shalt  }
0x4e: {  	_ =	shalt  }
0x4f: {  	_ =	shalt  }
0x50: {  	_ =	shalt  }
0x51: {  	_ =	shalt  }
0x52: {  	_ =	shalt  }
0x53: {  	_ =	shalt  }
0x54: {  	_ =	shalt  }
0x55: {  	_ =	shalt  }
0x56: {  	_ =	shalt  }
0x57: {  	_ =	shalt  }
0x58: {  	_ =	shalt  }
0x59: {  	_ =	shalt  }
0x5a: {  	_ =	shalt  }
0x5b: {  	_ =	shalt  }
0x5c: {  	_ =	shalt  }
0x5d: {  	_ =	shalt  }
0x5e: {  	_ =	shalt  }
0x5f: {  	_ =	shalt  }
0x60: {  	_ =	shalt  }
0x61: {  	_ =	shalt  }
0x62: {  	_ =	shalt  }
0x63: {  	_ =	shalt  }
0x64: {  	_ =	shalt  }
0x65: {  	_ =	shalt  }
0x66: {  	_ =	shalt  }
0x67: {  	_ =	shalt  }
0x68: {  	_ =	shalt  }
0x69: {  	_ =	shalt  }
0x6a: {  	_ =	shalt  }
0x6b: {  	_ =	shalt  }
0x6c: {  	_ =	shalt  }
0x6d: {  	_ =	shalt  }
0x6e: {  	_ =	shalt  }
0x6f: {  	_ =	shalt  }
0x70: {  	_ =	shalt  }
0x71: {  	_ =	shalt  }
0x72: {  	_ =	shalt  }
0x73: {  	_ =	shalt  }
0x74: {  	_ =	shalt  }
0x75: {  	_ =	shalt  }
0x76: {  	_ =	shalt  }
0x77: {  	_ =	shalt  }
0x78: {  	_ =	shalt  }
0x79: {  	_ =	shalt  }
0x7a: {  	_ =	shalt  }
0x7b: {  	_ =	shalt  }
0x7c: {  	_ =	shalt  }
0x7d: {  	_ =	shalt  }
0x7e: {  	_ =	shalt  }
0x7f: {  	_ =	shalt  }
0x80: {  	_ =	shalt  }
0x81: {  	_ =	shalt  }
0x82: {  	_ =	shalt  }
0x83: {  	_ =	shalt  }
0x84: {  	_ =	shalt  }
0x85: {  	_ =	shalt  }
0x86: {  	_ =	shalt  }
0x87: {  	_ =	shalt  }
.Lfunc_end0:
.L_simem_size_0:
called_computation.1_lowered:
.L_overlay_start_0:
0x88: {  	s2 =	sld [smem:$0x3FD9]  }
0x89: {  	s3 =	sld [smem:$0x3FFE];
	_ =	sdelay $0x1  }
0x8a: {  	s1 =	srdreg.scid  }
0x8b: {  	s0 =	sand.u32 $0x1, s1  }
0x8c: {  	s17 =	sshll.u32 s0, $0xA;
	s2 =	sadd.s32 s3, s2  }
0x8d: {  	s2 =	sadd.s32 s2, s17  }
0x8e: {  	[smem:$0x3FC3] =	sst s2  }
0x8f: {  	_ = 	snop  }
0x90: {  	s2 =	sld [smem:$0x3FD0];
	(tm) =	ssettm $0x1  }
0x91: {  	s18 =	sld [smem:$0x3FFB];
	_ =	sdelay $0x3  }
0x92: {  	_ =	strace s18  }
0x93: {  	s3 =	sld [smem:$0x3FFC];
	_ =	sdelay $0x3  }
0x94: {  	_ =	strace s3  }
0x95: {  	s3 =	sld [smem:$0x3FFD];
	_ =	sdelay $0x3  }
0x96: {  	_ =	strace s3  }
0x97: {  	_ =	strace $0x8FFFFFFF  }
0x98: {  	s19 =	sld [smem:$0x3FDB];
	_ =	sdelay $0x1  }
0x99: {  	s4 =	simm.s32 $_scs_section_size  }
0x9a: {  	s5 =	simm.s32 $_size__tile_overlayer_lowered;
	s6 =	simm.s32 $_tile_overlayer_lowered  }
0x9b: {  	s22 =	simm.s32 $0x1BFF;
	s21 =	sshll.u32 s6, $0x1;
	s3 =	sadd.s32 s4, s19  }
0x9c: {  	s7 =	simm.s32 $0x0;
	s20 =	sshll.u32 s5, $0x1;
	s5 =	sadd.s32 s21, s3  }
0x9d: {  	[timem:s7], [sflag:s22] =	dma.local [hbm:s5], s20  }
0x9e: {  	_ =	swait.ge [sflag:s22], s20  }
0x9f: {  	s4 =	ssub.s32 $0x0, s20;
	[sflag:s22] =	ssyncset.done $0x0  }
0xa0: {  	[sflag:s22] =	ssyncadd.s32 s4;
	_ =	sdelay $0x1  }
0xa1: {  	s23 =	simm.s32 $0x1B8B  }
0xa2: {  	_ =	swait.ge [sflag:s23], $0x1  }
0xa3: {  	[sflag:s23] =	ssyncset.done $0x0  }
0xa4: {  	s25 =	simm.s32 $0x1B8E;
	s24 =	sld [smem:$0x3FFE];
	[sflag:s23] =	ssyncadd.s32 $0xFFFFFFFF  }
0xa5: {  	s26 =	simm.s32 $execute0_lowered;
	[smem:$0x3FD2] =	sst s25  }
0xa6: {  	s5 =	sshll.u32 s26, $0x1;
	_ =	strace $0x80000049;
	[dreg:$0x1] =	wrdreg $0xFFFFFFFF  }
0xa7: {  	s28 =	simm.s32 $_size_execute0_lowered;
	s3 =	sadd.s32 s3, s5;
	[dreg:$0x0] =	wrdreg $0x0  }
0xa8: {  	s5 =	sshll.u32 s28, $0x1;
	[dreg:$0x2] =	wrdreg s3  }
0xa9: {  	[dreg:$0x3] =	wrdreg s5  }
0xaa: {  	[dreg:$0x4] =	wrdreg $0xC0  }
0xab: {  	_ =	task [dreg:s7], $0x5FFFF  }
0xac: {  	[dreg:$0x1] =	wrdreg $0xFFFFFFFF  }
0xad: {  	[dreg:$0x0] =	wrdreg $0x60  }
0xae: {  	[dreg:$0x2] =	wrdreg s2  }
0xaf: {  	[dreg:$0x3] =	wrdreg s24  }
0xb0: {  	[dreg:$0x4] =	wrdreg $0x0  }
0xb1: {  	[dreg:$0x5] =	wrdreg $0x9  }
0xb2: {  	_ =	task.clear_ibuf [dreg:s7], $0x6FFFF;
	_ =	strace $0x90000049  }
0xb3: {  	s29 =	simm.s32 $0x9;
	_ =	strace $0x8000004B  }
0xb4: {  	_ =	swait.ge [sflag:s29], $0x1  }
0xb5: {  	[sflag:s29] =	ssyncadd.s32 $0xFFFFFFFF  }
0xb6: {  	_ =	strace $0x9000004B  }
0xb7: {  	_ =	sfence  }
0xb8: {  	s30 =	sld [smem:$0x0];
	_ =	sdelay $0x2  }
0xb9: {  	s31 =	sshll.u32 s1, $0xD;
	s1 =	sshrl.u32 s1, $0x2  }
0xba: {  	s3 =	sand.u32 $0x4000, s31;
	s1 =	sadd.s32 s1, s30  }
0xbb: {  	s0 =	sor.u32 s3, s0;
	s1 =	sshll.u32 s1, $0x11  }
0xbc: {  	s0 =	sor.u32 s1, s0  }
0xbd: {  	s0 =	sadd.s32 $0x8F2B, s0  }
0xbe: {  	[sflag:s0] =	ssyncadd.remote.s32 $0x1  }
0xbf: {  	_ =	sfence.sel $0xFFFF  }
0xc0: {  	[dreg:$0x0] =	wrdreg $0xFFFFFFFF;
	(pc) =	sbr.abs _section_cstart, $3  }
0xc1: {  	[dreg:$0x1] =	wrdreg $0xFFFFFFFF  }
0xc2: {  	_ =	task.clear_ibuf [dreg:s7], $0x2FFFF;
	_ =	strace $0x9FFFFFFF  }
0xc3: {  	(tm) =	ssettm $0x7FFFFFFF  }
tec
execute0_lowered:
.L_overlay_start_1:
0x0: {  	(tag) =	ssettag $0x1  }
0x1: {  	s0 =	rddreg [dreg:$0x0]  }
0x2: {  	s2 =	rddreg [dreg:$0x1]  }
0x3: {  	s1 =	srdreg.scid;
	s3 =	rddreg [dreg:$0x2]  }
0x4: {  	s11 =	stileid.u32;
	s5 =	simm.s32 $0x0;
	s1 =	sand.u32 $0x1, s1  }
0x5: {  	[smem:$0x7FF] =	sst s5;
	s6 =	smul.u32 $0x4F000, s11;
	s13 =	sor.u32 $0x10, s11  }
0x6: {  	s15 =	sshll.u32 s11, $0xB;
	s18 =	sor.u32 $0x20, s11;
	s20 =	sor.u32 $0x30, s11  }
0x7: {  	s22 =	sshll.u32 s11, $0xE;
	p1 =	sgt.u32 s11, $0xD;
	s4 =	sshll.u32 s1, $0x4  }
0x8: {  	_ =	strace $0x8000004A;
	s24 =	ssub.s32 $0x2, s1;
	s8 =	smul.u32 $0x138800, s1  }
0x9: {  	s1 =	smul.u32 $0x27100, s1;
	s16 =	sshll.u32 s13, $0xB;
	s19 =	sshll.u32 s18, $0xB  }
0xa: {  	s21 =	sshll.u32 s20, $0xB;
	s23 =	sshll.u32 s20, $0xE;
	p3 =	sne.s32 @p1 s11, $0xF  }
0xb: {  	s4 =	sor.u32 s11, s4;
	s7 =	sshrl.u32 s24, $0x1;
	s6 =	sshrl.u32 s6, $0x2  }
0xc: {  	p3 =	por p3, !p1;
	s4 =	smul.u32 $0x4E8, s4;
	s5 =	ssub.s32 s24, s7  }
0xd: {  	s8 =	sshrl.u32 s8, $0x3;
	s7 =	sadd.s32 s6, s3;
	s6 =	smax.u32 s5, $0x1  }
0xe: {  	s9 =	sadd.s32 $0x4000, s7;
	s10 =	sadd.s32 $0x6000, s7;
	[dreg:$0x7] =	wrdreg s6  }
0xf: {  	s12 =	sadd.s32 $0x8000, s7;
	s14 =	sadd.s32 $0xA000, s7;
	[dreg:$0x9] =	wrdreg s9  }
0x10: {  	s28 =	sadd.s32 $0xE000, s7;
	s29 =	sadd.s32 $0x10000, s7;
	[dreg:$0xa] =	wrdreg s10  }
0x11: {  	s30 =	sadd.s32 $0x12000, s7;
	s31 =	sadd.s32 $0x12400, s7;
	[dreg:$0xb] =	wrdreg s12  }
0x12: {  	s4 =	sadd.s32 s4, s2;
	s2 =	sadd.s32 $0x15A00, s2;
	[dreg:$0xc] =	wrdreg s14  }
0x13: {  	s9 =	sor.u32 $0x40, s11;
	s12 =	simm.s32 $0x4;
	s14 =	simm.s32 $0x5  }
0x14: {  	s25 =	sadd.s32 $0x1E00, s4;
	s4 =	sadd.s32 $0xBC00, s4;
	s26 =	sadd.s32 s2, s8  }
0x15: {  	s1 =	sadd.s32 s2, s1;
	s2 =	sadd.s32 $0x138000, s3;
	s8 =	sadd.s32 $0x2000, s7  }
0x16: {  	s10 =	sshll.u32 s9, $0xB;
	p0 =	sgt.u32 s9, $0x4D;
	[dreg:$0x4] =	wrdreg s25  }
0x17: {  	s24 =	sshll.u32 s9, $0xE;
	s9 =	simm.s32 $0x7;
	[dreg:$0x5] =	wrdreg s4  }
0x18: {  	s4 =	sadd.s32 $0x27000, s26;
	[dreg:$0x8] =	wrdreg s8;
	s5 =	sadd.s32 s15, s1  }
0x19: {  	s17 =	sadd.s32 s16, s1;
	s6 =	sadd.s32 s19, s1;
	[dreg:$0x6] =	wrdreg s4  }
0x1a: {  	s8 =	sadd.s32 s24, s3;
	p2 =	sne.s32 @p0 s11, $0xF;
	[dreg:$0xd] =	wrdreg s5  }
0x1b: {  	s11 =	simm.s32 $0x1EA80;
	s15 =	simm.s32 $0x0;
	[dreg:$0xe] =	wrdreg s17  }
0x1c: {  	[dreg:$0xf] =	wrdreg s6;
	s6 =	sadd.s32 s21, s1;
	s1 =	sadd.s32 s10, s1  }
0x1d: {  	s4 =	sshll.u32 s13, $0xE;
	s5 =	sshll.u32 s18, $0xE;
	p2 =	por p2, !p0  }
0x1e: {  	s10 =	simm.s32 $0x18A80;
	s13 =	simm.s32 $0x40;
	[dreg:$0x10] =	wrdreg s6  }
0x1f: {  	[dreg:$0x11] =	wrdreg s1;
	s1 =	sadd.s32 s22, s3;
	s4 =	sadd.s32 s4, s3  }
0x20: {  	s5 =	sadd.s32 s5, s3;
	s6 =	sadd.s32 s23, s3;
	s24 =	sshrl.u32 @!p2 s2, $0x3  }
0x21: {  	s2 =	sadd.s32 $0x12C00, s7;
	s1 =	sshrl.u32 s1, $0x3;
	s25 =	sshrl.u32 s4, $0x3  }
0x22: {  	s26 =	sshrl.u32 s5, $0x3;
	s23 =	sshrl.u32 s6, $0x3;
	[dreg:$0x12] =	wrdreg s1  }
0x23: {  	s4 =	sadd.s32 $0x13000, s7;
	s5 =	sadd.s32 $0x13400, s7;
	[dreg:$0x13] =	wrdreg s25  }
0x24: {  	s6 =	sadd.s32 $0x13800, s7;
	[dreg:$0x14] =	wrdreg s26;
	s25 =	sshrl.u32 @!p0 s8, $0x3  }
0x25: {  	v0 =	vimm.f32 $0.0e+00;
	s26 =	sadd.s32 $0xC000, s7;
	s1 =	sadd.s32 $0x12800, s7;
	s8 =	simm.s32 $0x13C00  }
.LBB2_1:
0x26: {  	s16 =	simm.s32 $0x0;
	s17 =	rddreg [dreg:$0x4]  }
0x27: {  	[tilespmem:s8], [sflag:$0x7] =	stream.linear.gather [hbm4b:s17+s16], $0x2740, $0x38;
	[tilespmem:$0x1EE80] =	vst v63  }
0x28: {  	_ =	swait.ge [sflag:s9], $0x2740  }
0x29: {  	[sflag:s9] =	ssyncset.done $0x0  }
0x2a: {  	s18 =	simm.s32 $0x16340;
	s22 =	rddreg [dreg:$0x5];
	[sflag:s9] =	ssyncadd.s32 $0xFFFFD8C0  }
0x2b: {  	[tilespmem:s18], [sflag:$0x7] =	stream.linear.gather [hbm4b:s22+s16], $0x2740, $0x38;
	[tilespmem:$0x1EE80] =	vst v63  }
0x2c: {  	_ =	swait.ge [sflag:s9], $0x2740  }
0x2d: {  	[sflag:s9] =	ssyncset.done $0x0  }
0x2e: {  	s17 =	simm.s32 $0x0;
	s16 =	simm.s32 $0x0;
	[sflag:s9] =	ssyncadd.s32 $0xFFFFD8C0  }
.LBB2_2:
0x2f: {  	p4 =	sne.s32 s17, $0xFC0  }
.Ltmp0:
0x30: {  	_ = 	snop;
	(pc) =	sbr.rel @p4 .LBB2_2-.Ltmp0, $4  }
0x31: {  	s18 =	sand.u32 $0xE00, s17  }
0x32: {  	s19 =	sand.u32 $0x70, s16;
	s18 =	sshrl.u32 s18, $0x2  }
0x33: {  	s18 =	sor.u32 s19, s18  }
0x34: {  	s16 =	sadd.s32 $0x10, s16;
	s17 =	sadd.s32 $0x40, s17;
	[tilespmem:s18+$0x1EA80] =	vst v0  }
0x35: {  	s16 =	simm.s32 $0x0  }
0x36: {  	s17 =	sand.u32 $0x7E00, s16  }
0x37: {  	s18 =	sand.u32 $0x70, s16;
	s19 =	sshrl.u32 s17, $0x2  }
0x38: {  	s17 =	simm.s32 $0x40;
	s18 =	sor.u32 s18, s19  }
.LBB2_4:
0x39: {  	p4 =	sne.s32 s17, $0x7FC0  }
0x3a: {  	[tilespmem:s18+$0x18A80] =	vst v0;
	s16 =	sadd.s32 $0x10, s16;
	s18 =	smov.u32 s17;
	s17 =	sadd.s32 $0x40, s17  }
.Ltmp1:
0x3b: {  	(pc) =	sbr.rel @p4 .LBB2_4-.Ltmp1, $4  }
0x3c: {  	_ = 	snop  }
0x3d: {  	s18 =	sand.u32 $0x7E00, s18  }
0x3e: {  	s19 =	sand.u32 $0x70, s16;
	s18 =	sshrl.u32 s18, $0x2  }
0x3f: {  	s18 =	sor.u32 s19, s18  }
0x40: {  	[tilespmem:s18+$0x18A80] =	vst v0  }
0x41: {  	[spmem:s7] =	stream.linear.scatter [tilespmem:s10], [sflag:$0x4], $0x2000, $0x38;
	[tilespmem:$0x1EE80] =	vst v63  }
0x42: {  	s16 =	rddreg [dreg:$0x8]  }
0x43: {  	[spmem:s16] =	stream.linear.scatter [tilespmem:s10], [sflag:$0x4], $0x2000, $0x38;
	[tilespmem:$0x1EE80] =	vst v63  }
0x44: {  	s18 =	rddreg [dreg:$0x9]  }
0x45: {  	[spmem:s18] =	stream.linear.scatter [tilespmem:s10], [sflag:$0x4], $0x2000, $0x38;
	[tilespmem:$0x1EE80] =	vst v63  }
0x46: {  	s19 =	rddreg [dreg:$0xa]  }
0x47: {  	[spmem:s19] =	stream.linear.scatter [tilespmem:s10], [sflag:$0x4], $0x2000, $0x38;
	[tilespmem:$0x1EE80] =	vst v63  }
0x48: {  	s20 =	rddreg [dreg:$0xb]  }
0x49: {  	[spmem:s20] =	stream.linear.scatter [tilespmem:s10], [sflag:$0x4], $0x2000, $0x38;
	[tilespmem:$0x1EE80] =	vst v63  }
0x4a: {  	s21 =	rddreg [dreg:$0xc]  }
0x4b: {  	[spmem:s21] =	stream.linear.scatter [tilespmem:s10], [sflag:$0x4], $0x2000, $0x38;
	[tilespmem:$0x1EE80] =	vst v63  }
0x4c: {  	_ = 	snop  }
0x4d: {  	[spmem:s26] =	stream.linear.scatter [tilespmem:s10], [sflag:$0x4], $0x2000, $0x38;
	[tilespmem:$0x1EE80] =	vst v63  }
0x4e: {  	_ = 	snop  }
0x4f: {  	[spmem:s28] =	stream.linear.scatter [tilespmem:s10], [sflag:$0x4], $0x2000, $0x38;
	[tilespmem:$0x1EE80] =	vst v63  }
0x50: {  	_ = 	snop  }
0x51: {  	[spmem:s29] =	stream.linear.scatter [tilespmem:s10], [sflag:$0x4], $0x2000, $0x38;
	[tilespmem:$0x1EE80] =	vst v63  }
0x52: {  	_ = 	snop  }
0x53: {  	[spmem:s30] =	stream.linear.scatter [tilespmem:s11], [sflag:$0x4], $0x400, $0x38;
	[tilespmem:$0x1EE80] =	vst v63  }
0x54: {  	_ = 	snop  }
0x55: {  	[spmem:s31] =	stream.linear.scatter [tilespmem:s11], [sflag:$0x4], $0x400, $0x38;
	[tilespmem:$0x1EE80] =	vst v63  }
0x56: {  	_ = 	snop  }
0x57: {  	[spmem:s1] =	stream.linear.scatter [tilespmem:s11], [sflag:$0x4], $0x400, $0x38;
	[tilespmem:$0x1EE80] =	vst v63  }
0x58: {  	_ = 	snop  }
0x59: {  	[spmem:s2] =	stream.linear.scatter [tilespmem:s11], [sflag:$0x4], $0x400, $0x38;
	[tilespmem:$0x1EE80] =	vst v63  }
0x5a: {  	_ = 	snop  }
0x5b: {  	[spmem:s4] =	stream.linear.scatter [tilespmem:s11], [sflag:$0x4], $0x400, $0x38;
	[tilespmem:$0x1EE80] =	vst v63  }
0x5c: {  	_ = 	snop  }
0x5d: {  	[spmem:s5] =	stream.linear.scatter [tilespmem:s11], [sflag:$0x4], $0x400, $0x38;
	[tilespmem:$0x1EE80] =	vst v63  }
0x5e: {  	_ = 	snop  }
0x5f: {  	[spmem:s6] =	stream.linear.scatter [tilespmem:s11], [sflag:$0x4], $0x400, $0x38;
	[tilespmem:$0x1EE80] =	vst v63  }
0x60: {  	_ =	swait.ge [sflag:s12], $0x2000  }
0x61: {  	[sflag:s12] =	ssyncset.done $0x0  }
0x62: {  	[sflag:s12] =	ssyncadd.s32 $0xFFFFE000  }
0x63: {  	_ =	swait.ge [sflag:s12], $0x2000  }
0x64: {  	[sflag:s12] =	ssyncset.done $0x0  }
0x65: {  	[sflag:s12] =	ssyncadd.s32 $0xFFFFE000  }
0x66: {  	_ =	swait.ge [sflag:s12], $0x2000  }
0x67: {  	[sflag:s12] =	ssyncset.done $0x0  }
0x68: {  	[sflag:s12] =	ssyncadd.s32 $0xFFFFE000  }
0x69: {  	_ =	swait.ge [sflag:s12], $0x2000  }
0x6a: {  	[sflag:s12] =	ssyncset.done $0x0  }
0x6b: {  	[sflag:s12] =	ssyncadd.s32 $0xFFFFE000  }
0x6c: {  	_ =	swait.ge [sflag:s12], $0x2000  }
0x6d: {  	[sflag:s12] =	ssyncset.done $0x0  }
0x6e: {  	[sflag:s12] =	ssyncadd.s32 $0xFFFFE000  }
0x6f: {  	_ =	swait.ge [sflag:s12], $0x2000  }
0x70: {  	[sflag:s12] =	ssyncset.done $0x0  }
0x71: {  	[sflag:s12] =	ssyncadd.s32 $0xFFFFE000  }
0x72: {  	_ =	swait.ge [sflag:s12], $0x2000  }
0x73: {  	[sflag:s12] =	ssyncset.done $0x0  }
0x74: {  	[sflag:s12] =	ssyncadd.s32 $0xFFFFE000  }
0x75: {  	_ =	swait.ge [sflag:s12], $0x2000  }
0x76: {  	[sflag:s12] =	ssyncset.done $0x0  }
0x77: {  	[sflag:s12] =	ssyncadd.s32 $0xFFFFE000  }
0x78: {  	_ =	swait.ge [sflag:s12], $0x2000  }
0x79: {  	[sflag:s12] =	ssyncset.done $0x0  }
0x7a: {  	[sflag:s12] =	ssyncadd.s32 $0xFFFFE000  }
0x7b: {  	_ =	swait.ge [sflag:s12], $0x400  }
0x7c: {  	[sflag:s12] =	ssyncset.done $0x0  }
0x7d: {  	[sflag:s12] =	ssyncadd.s32 $0xFFFFFC00  }
0x7e: {  	_ =	swait.ge [sflag:s12], $0x400  }
0x7f: {  	[sflag:s12] =	ssyncset.done $0x0  }
0x80: {  	[sflag:s12] =	ssyncadd.s32 $0xFFFFFC00  }
0x81: {  	_ =	swait.ge [sflag:s12], $0x400  }
0x82: {  	[sflag:s12] =	ssyncset.done $0x0  }
0x83: {  	[sflag:s12] =	ssyncadd.s32 $0xFFFFFC00  }
0x84: {  	_ =	swait.ge [sflag:s12], $0x400  }
0x85: {  	[sflag:s12] =	ssyncset.done $0x0  }
0x86: {  	[sflag:s12] =	ssyncadd.s32 $0xFFFFFC00  }
0x87: {  	_ =	swait.ge [sflag:s12], $0x400  }
0x88: {  	[sflag:s12] =	ssyncset.done $0x0  }
0x89: {  	[sflag:s12] =	ssyncadd.s32 $0xFFFFFC00  }
0x8a: {  	_ =	swait.ge [sflag:s12], $0x400  }
0x8b: {  	[sflag:s12] =	ssyncset.done $0x0  }
0x8c: {  	[sflag:s12] =	ssyncadd.s32 $0xFFFFFC00  }
0x8d: {  	_ =	swait.ge [sflag:s12], $0x400  }
0x8e: {  	[sflag:s12] =	ssyncset.done $0x0  }
0x8f: {  	[sflag:s12] =	ssyncadd.s32 $0xFFFFFC00  }
0x90: {  	[tilespmem:s10], [sflag:$0x1] =	stream.indirect.gather [hbm4b:s0+s13], $0x80, s8, s13, $0xb8;
	[tilespmem:$0x1EE80] =	vst v63  }
0x91: {  	s22 =	simm.s32 $0x13C40;
	s17 =	simm.s32 $0x1AA80;
	s16 =	simm.s32 $0x0  }
0x92: {  	[tilespmem:s17], [sflag:$0x2] =	stream.indirect.gather [hbm4b:s0+s13], $0x80, s22, s13, $0xb8;
	[tilespmem:$0x1EE80] =	vst v63  }
0x93: {  	s18 =	simm.s32 $0x13C80;
	s17 =	simm.s32 $0x16340;
	[bflag:$0x0] =	sbarrier.arrive $0xFFFF  }
.LBB2_6:
0x94: {  	s19 =	smul.u32 $0xAB, s16;
	_ =	sdelay $0x1  }
0x95: {  	s19 =	sshrl.u32 s19, $0x9  }
0x96: {  	s20 =	sadd.s32 $0x2, s16;
	s19 =	sand.u32 $0x7F, s19  }
0x97: {  	s21 =	sand.u32 $0xFF, s20;
	s19 =	smul.u32 $0x3, s19  }
0x98: {  	s21 =	smul.u32 $0xAB, s21  }
0x99: {  	s19 =	ssub.s32 s16, s19  }
0x9a: {  	s21 =	sshrl.u32 s21, $0x9;
	s19 =	sand.u32 $0xFF, s19  }
0x9b: {  	s21 =	smul.u32 $0x3, s21;
	s22 =	sadd.s32 $0x1, s19  }
0x9c: {  	_ =	swait.ge [sflag:s22], $0x2000  }
0x9d: {  	s20 =	ssub.s32 s20, s21;
	s21 =	sshll.u32 s19, $0xD;
	[sflag:s22] =	ssyncset.done $0x0  }
0x9e: {  	s19 =	sor.u32 $0x4, s19;
	s21 =	sor.u32 $0x18A80, s21;
	[sflag:s22] =	ssyncadd.s32 $0xFFFFE000  }
0x9f: {  	[spmem:s3] =	stream.indirect.scatter.add.f32 [tilespmem:s21], [sflag:s19], $0x80, s17, s13, $0xb8;
	[tilespmem:$0x1EE80] =	vst v63  }
0xa0: {  	p4 =	seq.s32 s16, $0x0;
	s19 =	sand.u32 $0xFF, s20  }
0xa1: {  	s20 =	sadd.s32 @!p4 $0x4, s19  }
0xa2: {  	_ =	swait.ge @!p4 [sflag:s20], $0x2000  }
0xa3: {  	p5 =	sgt.u32 @!p4 s16, $0x9A;
	s16 =	sadd.s32 $0x1, s16;
	[sflag:s20] =	ssyncset.done @!p4 $0x0  }
0xa4: {  	p5 =	por p4, !p5;
	[sflag:s20] =	ssyncadd.s32 @!p4 $0xFFFFE000;
	p4 =	sne.s32 s16, $0x9D  }
.Ltmp2:
0xa5: {  	_ = 	snop;
	(pc) =	sbr.rel @p4 .LBB2_6-.Ltmp2, $4  }
0xa6: {  	s20 =	sshll.u32 @p5 s19, $0xD  }
0xa7: {  	s19 =	sadd.s32 @p5 $0x1, s19;
	s20 =	sadd.s32 @p5 $0x18A80, s20  }
0xa8: {  	[tilespmem:s20], [sflag:s19] =	stream.indirect.gather @p5 [hbm4b:s0+s13], $0x80, s18, s13, $0xb8;
	[tilespmem:$0x1EE80] =	vst v63  }
0xa9: {  	s17 =	sadd.s32 $0x40, s17;
	s18 =	sadd.s32 $0x40, s18  }
0xaa: {  	_ =	swait.ge [sflag:s12], $0x2000  }
0xab: {  	[sflag:s12] =	ssyncset.done $0x0  }
0xac: {  	[sflag:s12] =	ssyncadd.s32 $0xFFFFE000  }
0xad: {  	s16 =	stileid.u32;
	[bflag:$0x0] =	sbarrier.arrive $0xFFFF  }
0xae: {  	s16 =	sshll.u32 s16, $0x6;
	s17 =	rddreg [dreg:$0xd]  }
0xaf: {  	s16 =	sor.u32 $0x1C05, s16;
	s18 =	rddreg [dreg:$0x12]  }
0xb0: {  	[hbm:s17], [sflag:s16] =	dma.local [spmem:s18], $0x800  }
0xb1: {  	s17 =	rddreg [dreg:$0xe]  }
0xb2: {  	s18 =	rddreg [dreg:$0x13]  }
0xb3: {  	[hbm:s17], [sflag:s16] =	dma.local [spmem:s18], $0x800  }
0xb4: {  	s17 =	rddreg [dreg:$0xf]  }
0xb5: {  	s18 =	rddreg [dreg:$0x14]  }
0xb6: {  	[hbm:s17], [sflag:s16] =	dma.local [spmem:s18], $0x800  }
0xb7: {  	s17 =	rddreg [dreg:$0x10]  }
0xb8: {  	[hbm:s17], [sflag:s16] =	dma.local [spmem:s23], $0x800  }
0xb9: {  	s17 =	simm.s32 @!p2 $0x1FC5;
	s18 =	rddreg [dreg:$0x6]  }
0xba: {  	[hbm:s18], [sflag:s17] =	dma.local @!p2 [spmem:s24], $0x100  }
0xbb: {  	s17 =	rddreg [dreg:$0x11]  }
0xbc: {  	[hbm:s17], [sflag:s16] =	dma.local @!p0 [spmem:s25], $0x800  }
0xbd: {  	_ =	swait.ge [sflag:s14], $0x800  }
0xbe: {  	[sflag:s14] =	ssyncset.done $0x0  }
0xbf: {  	[sflag:s14] =	ssyncadd.s32 $0xFFFFF800  }
0xc0: {  	_ =	swait.ge [sflag:s14], $0x800  }
0xc1: {  	[sflag:s14] =	ssyncset.done $0x0  }
0xc2: {  	[sflag:s14] =	ssyncadd.s32 $0xFFFFF800  }
0xc3: {  	_ =	swait.ge [sflag:s14], $0x800  }
0xc4: {  	[sflag:s14] =	ssyncset.done $0x0  }
0xc5: {  	[sflag:s14] =	ssyncadd.s32 $0xFFFFF800  }
0xc6: {  	_ =	swait.ge [sflag:s14], $0x800  }
0xc7: {  	[sflag:s14] =	ssyncset.done $0x0  }
0xc8: {  	s16 =	simm.s32 @!p3 $0x5;
	[sflag:s14] =	ssyncadd.s32 $0xFFFFF800  }
0xc9: {  	_ =	swait.ge @!p3 [sflag:s16], $0x100  }
0xca: {  	[sflag:s16] =	ssyncset.done @!p3 $0x0  }
0xcb: {  	[sflag:s16] =	ssyncadd.s32 @!p3 $0xFFFFFF00;
	s16 =	simm.s32 @!p1 $0x5  }
0xcc: {  	_ =	swait.ge @!p1 [sflag:s16], $0x800  }
0xcd: {  	s15 =	sadd.s32 $0x1, s15;
	s22 =	rddreg [dreg:$0x7]  }
0xce: {  	p4 =	sne.s32 s15, s22  }
.Ltmp3:
0xcf: {  	_ = 	snop;
	(pc) =	sbr.rel @p4 .LBB2_1-.Ltmp3, $3  }
0xd0: {  	_ =	sdelay $0x1  }
0xd1: {  	[sflag:s16] =	ssyncset.done @!p1 $0x0  }
0xd2: {  	[sflag:s16] =	ssyncadd.s32 @!p1 $0xFFFFF800  }
0xd3: {  	_ =	sfence.sel $0x180000  }
0xd4: {  	[bflag:$0x0] =	sbarrier.arrive $0xFFFF  }
0xd5: {  	_ =	strace $0x9000004A  }
0xd6: {  	s0 =	stileid.u32;
	[bflag:$0x2] =	sbarrier.arrive $0xFFFF  }
0xd7: {  	p0 =	sne.s32 s0, $0x0;
	s0 =	rddreg [dreg:$0x3]  }
0xd8: {  	s0 =	sadd.s32 @!p0 $0x100000, s0  }
0xd9: {  	[sflag:s0] =	ssyncadd.tile.s32 @!p0 $0x1;
	_ =	shalt  }
.Lfunc_end2:
_tile_overlayer_lowered:
.L_overlay_start_2:
0xda: {  	(tag) =	ssettag $0x2  }
0xdb: {  	s0 =	rddreg [dreg:$0x0];
	s2 =	stileid.u32  }
0xdc: {  	s1 =	rddreg [dreg:$0x1];
	p0 =	sne.s32 s2, $0x0  }
0xdd: {  	s3 =	rddreg [dreg:$0x2];
	[bflag:$0x3] =	sbarrier.arrive $0xFFFF;
	s2 =	simm.s32 @!p0 $0x1C07  }
0xde: {  	[timem:s3], [sflag:s2] =	dma.local @!p0 [hbm:s0], s1  }
0xdf: {  	s0 =	simm.s32 @!p0 $0x7  }
0xe0: {  	_ =	swait.ge @!p0 [sflag:s0], s1  }
0xe1: {  	s1 =	ssub.s32 @!p0 $0x0, s1;
	[sflag:s0] =	ssyncset.done @!p0 $0x0  }
0xe2: {  	[sflag:s0] =	ssyncadd.s32 @!p0 s1  }
0xe3: {  	[bflag:$0x3] =	sbarrier.arrive $0xFFFF  }
0xe4: {  	_ =	shalt  }

// kernel: kernel.14.cloned.1.call-start
scs
__scs_entry_jumppad:
0x0: {  	(pc) =	sbr.rel $0x88, $3  }
0x1: {  	(tag) =	ssettag $0x0;
	lr =	simm.s32 $0x1  }
0x2: {  	[smem:$0x3F9C] =	sst lr;
	_ =	strace $0xD0000000  }
0x3: {  	_ = 	snop  }
0x4: {  	_ = 	snop  }
0x5: {  	_ = 	snop  }
0x6: {  	_ = 	snop  }
0x7: {  	_ = 	snop  }
__scs_overlays_trampoline_lowered:
0x8: {  	[smem:$0x3FAB] =	sst s0  }
0x9: {  	[smem:$0x3FAC] =	sst s1  }
0xa: {  	[smem:$0x3FAD] =	sst s2  }
0xb: {  	[smem:$0x3FAE] =	sst s3  }
0xc: {  	[smem:$0x3FAF] =	sst s4  }
0xd: {  	[smem:$0x3FB0] =	sst s5  }
0xe: {  	[smem:$0x3FB1] =	sst s6  }
0xf: {  	[smem:$0x3FB2] =	sst s7  }
0x10: {  	[smem:$0x3FB3] =	sst s8  }
0x11: {  	[smem:$0x3FB4] =	sst s9;
	s0 =	simm.s32 @!p0 $0x0  }
0x12: {  	s1 =	sld [smem:$0x3F9A];
	s0 =	simm.s32 @p0 $0x1  }
0x13: {  	[smem:$0x3FB5] =	sst s0;
	s0 =	simm.s32 @!p1 $0x0  }
0x14: {  	s2 =	sld [smem:$0x3F99];
	s0 =	simm.s32 @p1 $0x1  }
0x15: {  	[smem:$0x3FB6] =	sst s0;
	s0 =	simm.s32 @!p2 $0x0  }
0x16: {  	s3 =	sld [smem:$0x3FDB];
	s0 =	simm.s32 @p2 $0x1  }
0x17: {  	s4 =	simm.s32 $0x1BF5;
	[smem:$0x3FB8] =	sst s0  }
0x18: {  	s0 =	sld [smem:$0x3F9B];
	_ =	swait.ge [sflag:s4], $0x0  }
0x19: {  	s7 =	sld [smem:$0x3F9C]  }
0x1a: {  	s8 =	sadd.s32 $0xFFFFE003, lr  }
0x1b: {  	s9 =	sadd.s32 $0xFFFFFEF7, lr;
	s5 =	simm.s32 $0xFFFFFFFF;
	p2 =	slt.u32 s8, $0xFFFFF086  }
0x1c: {  	p1 =	slt.u32 s9, $0xF7A;
	s5 =	simm.s32 @!p2 $0x0  }
0x1d: {  	s5 =	simm.s32 @p1 $0x1;
	p0 =	seq.s32 s7, s2  }
0x1e: {  	s7 =	smul.u32 @!p0 $0xF7A, s2;
	p2 =	seq.s32 @!p0 s5, $0x0  }
0x1f: {  	s9 =	smul.u32 $0xF7A, s1;
	s8 =	simm.s32 @!p0 $0x1BF5;
	p2 =	por !p2, p0  }
0x20: {  	[sflag:s8] =	ssyncset.s32 @!p0 $0xFFFFF086;
	s6 =	sadd.s32 @!p0 s3, s7;
	s7 =	simm.s32 @!p0 $0x108  }
0x21: {  	s3 =	sadd.s32 s3, s9;
	s6 =	sadd.s32 @!p0 $0x88, s6;
	s7 =	simm.s32 @p2 $0x1082  }
0x22: {  	[simem:s7], [sflag:s8] =	dma.local @!p0 [hbm:s6], $0xF7A  }
0x23: {  	s9 =	sor.u32 $0xD0000000, s2;
	s6 =	simm.s32 $0x108;
	_ =	swait.ge @!p0 [sflag:s8], $0x0  }
0x24: {  	s3 =	sadd.s32 $0x88, s3;
	s6 =	simm.s32 @!p1 $0x1082;
	[sflag:s4] =	ssyncset.s32 $0xFFFFF086  }
0x25: {  	[simem:s6], [sflag:s4] =	dma.local [hbm:s3], $0xF7A  }
0x26: {  	[smem:$0x3F9C] =	sst s1;
	(tag) =	ssettag s2;
	_ =	strace s9  }
0x27: {  	s1 =	sld [smem:$0x3FAC]  }
0x28: {  	s2 =	sld [smem:$0x3FAD]  }
0x29: {  	s4 =	sld [smem:$0x3FAF]  }
0x2a: {  	p0 =	seq.s32 s5, $0x0;
	s5 =	sld [smem:$0x3FB0]  }
0x2b: {  	s6 =	sld [smem:$0x3FB1]  }
0x2c: {  	s7 =	sld [smem:$0x3FB2]  }
0x2d: {  	s3 =	simm.s32 $0x108;
	s8 =	sld [smem:$0x3FB3]  }
0x2e: {  	s3 =	simm.s32 @!p0 $0x1082;
	s9 =	sld [smem:$0x3FB4]  }
0x2f: {  	lr =	sadd.s32 s0, s3;
	s0 =	sld [smem:$0x3FAB]  }
0x30: {  	s3 =	sld [smem:$0x3FAE]  }
0x31: {  	[smem:$0x3FB7] =	sst s10  }
0x32: {  	s10 =	sld [smem:$0x3FB5];
	_ =	sdelay $0x3  }
0x33: {  	p0 =	seq.s32 s10, $0x1;
	s10 =	sld [smem:$0x3FB7];
	_ =	sdelay $0x3  }
0x34: {  	[smem:$0x3FB7] =	sst s10  }
0x35: {  	s10 =	sld [smem:$0x3FB6];
	_ =	sdelay $0x3  }
0x36: {  	p1 =	seq.s32 s10, $0x1;
	s10 =	sld [smem:$0x3FB7];
	_ =	sdelay $0x3  }
0x37: {  	[smem:$0x3FB7] =	sst s10  }
0x38: {  	s10 =	sld [smem:$0x3FB8]  }
0x39: {  	_ = 	snop;
	(pc) =	sbr.ind lr, $3  }
0x3a: {  	_ = 	snop  }
0x3b: {  	_ = 	snop  }
0x3c: {  	p2 =	seq.s32 s10, $0x1;
	s10 =	sld [smem:$0x3FB7]  }
0x3d: {  	_ =	shalt  }
0x3e: {  	_ =	shalt  }
0x3f: {  	_ =	shalt  }
0x40: {  	_ =	shalt  }
0x41: {  	_ =	shalt  }
0x42: {  	_ =	shalt  }
0x43: {  	_ =	shalt  }
0x44: {  	_ =	shalt  }
0x45: {  	_ =	shalt  }
0x46: {  	_ =	shalt  }
0x47: {  	_ =	shalt  }
0x48: {  	_ =	shalt  }
0x49: {  	_ =	shalt  }
0x4a: {  	_ =	shalt  }
0x4b: {  	_ =	shalt  }
0x4c: {  	_ =	shalt  }
0x4d: {  	_ =	shalt  }
0x4e: {  	_ =	shalt  }
0x4f: {  	_ =	shalt  }
0x50: {  	_ =	shalt  }
0x51: {  	_ =	shalt  }
0x52: {  	_ =	shalt  }
0x53: {  	_ =	shalt  }
0x54: {  	_ =	shalt  }
0x55: {  	_ =	shalt  }
0x56: {  	_ =	shalt  }
0x57: {  	_ =	shalt  }
0x58: {  	_ =	shalt  }
0x59: {  	_ =	shalt  }
0x5a: {  	_ =	shalt  }
0x5b: {  	_ =	shalt  }
0x5c: {  	_ =	shalt  }
0x5d: {  	_ =	shalt  }
0x5e: {  	_ =	shalt  }
0x5f: {  	_ =	shalt  }
0x60: {  	_ =	shalt  }
0x61: {  	_ =	shalt  }
0x62: {  	_ =	shalt  }
0x63: {  	_ =	shalt  }
0x64: {  	_ =	shalt  }
0x65: {  	_ =	shalt  }
0x66: {  	_ =	shalt  }
0x67: {  	_ =	shalt  }
0x68: {  	_ =	shalt  }
0x69: {  	_ =	shalt  }
0x6a: {  	_ =	shalt  }
0x6b: {  	_ =	shalt  }
0x6c: {  	_ =	shalt  }
0x6d: {  	_ =	shalt  }
0x6e: {  	_ =	shalt  }
0x6f: {  	_ =	shalt  }
0x70: {  	_ =	shalt  }
0x71: {  	_ =	shalt  }
0x72: {  	_ =	shalt  }
0x73: {  	_ =	shalt  }
0x74: {  	_ =	shalt  }
0x75: {  	_ =	shalt  }
0x76: {  	_ =	shalt  }
0x77: {  	_ =	shalt  }
0x78: {  	_ =	shalt  }
0x79: {  	_ =	shalt  }
0x7a: {  	_ =	shalt  }
0x7b: {  	_ =	shalt  }
0x7c: {  	_ =	shalt  }
0x7d: {  	_ =	shalt  }
0x7e: {  	_ =	shalt  }
0x7f: {  	_ =	shalt  }
0x80: {  	_ =	shalt  }
0x81: {  	_ =	shalt  }
0x82: {  	_ =	shalt  }
0x83: {  	_ =	shalt  }
0x84: {  	_ =	shalt  }
0x85: {  	_ =	shalt  }
0x86: {  	_ =	shalt  }
0x87: {  	_ =	shalt  }
.Lfunc_end0:
.L_simem_size_0:
called_computation.2_lowered:
.L_overlay_start_0:
0x88: {  	s2 =	sld [smem:$0x3FD9]  }
0x89: {  	s3 =	sld [smem:$0x3FFE];
	_ =	sdelay $0x1  }
0x8a: {  	s1 =	srdreg.scid  }
0x8b: {  	s0 =	sand.u32 $0x1, s1  }
0x8c: {  	s17 =	sshll.u32 s0, $0xA;
	s2 =	sadd.s32 s3, s2  }
0x8d: {  	s2 =	sadd.s32 s2, s17  }
0x8e: {  	[smem:$0x3FC3] =	sst s2  }
0x8f: {  	_ = 	snop  }
0x90: {  	s2 =	sld [smem:$0x3FD0];
	(tm) =	ssettm $0x1  }
0x91: {  	s18 =	sld [smem:$0x3FFB];
	_ =	sdelay $0x3  }
0x92: {  	_ =	strace s18  }
0x93: {  	s3 =	sld [smem:$0x3FFC];
	_ =	sdelay $0x3  }
0x94: {  	_ =	strace s3  }
0x95: {  	s3 =	sld [smem:$0x3FFD];
	_ =	sdelay $0x3  }
0x96: {  	_ =	strace s3  }
0x97: {  	_ =	strace $0x8FFFFFFF  }
0x98: {  	s19 =	sld [smem:$0x3FDB];
	_ =	sdelay $0x1  }
0x99: {  	s4 =	simm.s32 $_scs_section_size  }
0x9a: {  	s5 =	simm.s32 $_size__tile_overlayer_lowered;
	s6 =	simm.s32 $_tile_overlayer_lowered  }
0x9b: {  	s22 =	simm.s32 $0x1BFF;
	s21 =	sshll.u32 s6, $0x1;
	s3 =	sadd.s32 s4, s19  }
0x9c: {  	s7 =	simm.s32 $0x0;
	s20 =	sshll.u32 s5, $0x1;
	s5 =	sadd.s32 s21, s3  }
0x9d: {  	[timem:s7], [sflag:s22] =	dma.local [hbm:s5], s20  }
0x9e: {  	_ =	swait.ge [sflag:s22], s20  }
0x9f: {  	s4 =	ssub.s32 $0x0, s20;
	[sflag:s22] =	ssyncset.done $0x0  }
0xa0: {  	[sflag:s22] =	ssyncadd.s32 s4;
	_ =	sdelay $0x1  }
0xa1: {  	s23 =	simm.s32 $0x1B8B  }
0xa2: {  	_ =	swait.ge [sflag:s23], $0x1  }
0xa3: {  	[sflag:s23] =	ssyncset.done $0x0  }
0xa4: {  	s25 =	simm.s32 $0x1B8E;
	s24 =	sld [smem:$0x3FFE];
	[sflag:s23] =	ssyncadd.s32 $0xFFFFFFFF  }
0xa5: {  	s26 =	simm.s32 $execute0_lowered;
	[smem:$0x3FD2] =	sst s25  }
0xa6: {  	s5 =	sshll.u32 s26, $0x1;
	_ =	strace $0x8000004C;
	[dreg:$0x1] =	wrdreg $0xFFFFFFFF  }
0xa7: {  	s28 =	simm.s32 $_size_execute0_lowered;
	s3 =	sadd.s32 s3, s5;
	[dreg:$0x0] =	wrdreg $0x0  }
0xa8: {  	s5 =	sshll.u32 s28, $0x1;
	[dreg:$0x2] =	wrdreg s3  }
0xa9: {  	[dreg:$0x3] =	wrdreg s5  }
0xaa: {  	[dreg:$0x4] =	wrdreg $0xC0  }
0xab: {  	_ =	task [dreg:s7], $0x5FFFF  }
0xac: {  	[dreg:$0x1] =	wrdreg $0xFFFFFFFF  }
0xad: {  	[dreg:$0x0] =	wrdreg $0x60  }
0xae: {  	[dreg:$0x2] =	wrdreg s2  }
0xaf: {  	[dreg:$0x3] =	wrdreg s24  }
0xb0: {  	[dreg:$0x4] =	wrdreg $0x0  }
0xb1: {  	[dreg:$0x5] =	wrdreg $0x9  }
0xb2: {  	_ =	task.clear_ibuf [dreg:s7], $0x6FFFF;
	_ =	strace $0x9000004C  }
0xb3: {  	s29 =	simm.s32 $0x9;
	_ =	strace $0x8000004E  }
0xb4: {  	_ =	swait.ge [sflag:s29], $0x1  }
0xb5: {  	[sflag:s29] =	ssyncadd.s32 $0xFFFFFFFF  }
0xb6: {  	_ =	strace $0x9000004E  }
0xb7: {  	_ =	sfence  }
0xb8: {  	s30 =	sld [smem:$0x0];
	_ =	sdelay $0x2  }
0xb9: {  	s31 =	sshll.u32 s1, $0xD;
	s1 =	sshrl.u32 s1, $0x2  }
0xba: {  	s3 =	sand.u32 $0x4000, s31;
	s1 =	sadd.s32 s1, s30  }
0xbb: {  	s0 =	sor.u32 s3, s0;
	s1 =	sshll.u32 s1, $0x11  }
0xbc: {  	s0 =	sor.u32 s1, s0  }
0xbd: {  	s0 =	sadd.s32 $0x8F2B, s0  }
0xbe: {  	[sflag:s0] =	ssyncadd.remote.s32 $0x1  }
0xbf: {  	_ =	sfence.sel $0xFFFF  }
0xc0: {  	[dreg:$0x0] =	wrdreg $0xFFFFFFFF;
	(pc) =	sbr.abs _section_cstart, $3  }
0xc1: {  	[dreg:$0x1] =	wrdreg $0xFFFFFFFF  }
0xc2: {  	_ =	task.clear_ibuf [dreg:s7], $0x2FFFF;
	_ =	strace $0x9FFFFFFF  }
0xc3: {  	(tm) =	ssettm $0x7FFFFFFF  }
tec
execute0_lowered:
.L_overlay_start_1:
0x0: {  	(tag) =	ssettag $0x1  }
0x1: {  	s0 =	rddreg [dreg:$0x0]  }
0x2: {  	s2 =	rddreg [dreg:$0x1]  }
0x3: {  	s1 =	srdreg.scid;
	s3 =	rddreg [dreg:$0x2]  }
0x4: {  	s11 =	stileid.u32;
	s5 =	simm.s32 $0x0;
	s1 =	sand.u32 $0x1, s1  }
0x5: {  	[smem:$0x7FF] =	sst s5;
	s6 =	smul.u32 $0x4F000, s11;
	s13 =	sor.u32 $0x10, s11  }
0x6: {  	s15 =	sshll.u32 s11, $0xB;
	s18 =	sor.u32 $0x20, s11;
	s20 =	sor.u32 $0x30, s11  }
0x7: {  	s22 =	sshll.u32 s11, $0xE;
	p1 =	sgt.u32 s11, $0xD;
	s4 =	sshll.u32 s1, $0x4  }
0x8: {  	_ =	strace $0x8000004D;
	s24 =	ssub.s32 $0x2, s1;
	s8 =	smul.u32 $0x138800, s1  }
0x9: {  	s1 =	smul.u32 $0x27100, s1;
	s16 =	sshll.u32 s13, $0xB;
	s19 =	sshll.u32 s18, $0xB  }
0xa: {  	s21 =	sshll.u32 s20, $0xB;
	s23 =	sshll.u32 s20, $0xE;
	p3 =	sne.s32 @p1 s11, $0xF  }
0xb: {  	s4 =	sor.u32 s11, s4;
	s7 =	sshrl.u32 s24, $0x1;
	s6 =	sshrl.u32 s6, $0x2  }
0xc: {  	p3 =	por p3, !p1;
	s4 =	smul.u32 $0x4E8, s4;
	s5 =	ssub.s32 s24, s7  }
0xd: {  	s8 =	sshrl.u32 s8, $0x3;
	s7 =	sadd.s32 s6, s3;
	s6 =	smax.u32 s5, $0x1  }
0xe: {  	s9 =	sadd.s32 $0x4000, s7;
	s10 =	sadd.s32 $0x6000, s7;
	[dreg:$0x7] =	wrdreg s6  }
0xf: {  	s12 =	sadd.s32 $0x8000, s7;
	s14 =	sadd.s32 $0xA000, s7;
	[dreg:$0x9] =	wrdreg s9  }
0x10: {  	s28 =	sadd.s32 $0xE000, s7;
	s29 =	sadd.s32 $0x10000, s7;
	[dreg:$0xa] =	wrdreg s10  }
0x11: {  	s30 =	sadd.s32 $0x12000, s7;
	s31 =	sadd.s32 $0x12400, s7;
	[dreg:$0xb] =	wrdreg s12  }
0x12: {  	s4 =	sadd.s32 s4, s2;
	s2 =	sadd.s32 $0x15A00, s2;
	[dreg:$0xc] =	wrdreg s14  }
0x13: {  	s9 =	sor.u32 $0x40, s11;
	s12 =	simm.s32 $0x4;
	s14 =	simm.s32 $0x5  }
0x14: {  	s25 =	sadd.s32 $0x1E00, s4;
	s4 =	sadd.s32 $0xBC00, s4;
	s26 =	sadd.s32 s2, s8  }
0x15: {  	s1 =	sadd.s32 s2, s1;
	s2 =	sadd.s32 $0x138000, s3;
	s8 =	sadd.s32 $0x2000, s7  }
0x16: {  	s10 =	sshll.u32 s9, $0xB;
	p0 =	sgt.u32 s9, $0x4D;
	[dreg:$0x4] =	wrdreg s25  }
0x17: {  	s24 =	sshll.u32 s9, $0xE;
	s9 =	simm.s32 $0x7;
	[dreg:$0x5] =	wrdreg s4  }
0x18: {  	s4 =	sadd.s32 $0x27000, s26;
	[dreg:$0x8] =	wrdreg s8;
	s5 =	sadd.s32 s15, s1  }
0x19: {  	s17 =	sadd.s32 s16, s1;
	s6 =	sadd.s32 s19, s1;
	[dreg:$0x6] =	wrdreg s4  }
0x1a: {  	s8 =	sadd.s32 s24, s3;
	p2 =	sne.s32 @p0 s11, $0xF;
	[dreg:$0xd] =	wrdreg s5  }
0x1b: {  	s11 =	simm.s32 $0x1EA80;
	s15 =	simm.s32 $0x0;
	[dreg:$0xe] =	wrdreg s17  }
0x1c: {  	[dreg:$0xf] =	wrdreg s6;
	s6 =	sadd.s32 s21, s1;
	s1 =	sadd.s32 s10, s1  }
0x1d: {  	s4 =	sshll.u32 s13, $0xE;
	s5 =	sshll.u32 s18, $0xE;
	p2 =	por p2, !p0  }
0x1e: {  	s10 =	simm.s32 $0x18A80;
	s13 =	simm.s32 $0x40;
	[dreg:$0x10] =	wrdreg s6  }
0x1f: {  	[dreg:$0x11] =	wrdreg s1;
	s1 =	sadd.s32 s22, s3;
	s4 =	sadd.s32 s4, s3  }
0x20: {  	s5 =	sadd.s32 s5, s3;
	s6 =	sadd.s32 s23, s3;
	s24 =	sshrl.u32 @!p2 s2, $0x3  }
0x21: {  	s2 =	sadd.s32 $0x12C00, s7;
	s1 =	sshrl.u32 s1, $0x3;
	s25 =	sshrl.u32 s4, $0x3  }
0x22: {  	s26 =	sshrl.u32 s5, $0x3;
	s23 =	sshrl.u32 s6, $0x3;
	[dreg:$0x12] =	wrdreg s1  }
0x23: {  	s4 =	sadd.s32 $0x13000, s7;
	s5 =	sadd.s32 $0x13400, s7;
	[dreg:$0x13] =	wrdreg s25  }
0x24: {  	s6 =	sadd.s32 $0x13800, s7;
	[dreg:$0x14] =	wrdreg s26;
	s25 =	sshrl.u32 @!p0 s8, $0x3  }
0x25: {  	v0 =	vimm.f32 $0.0e+00;
	s26 =	sadd.s32 $0xC000, s7;
	s1 =	sadd.s32 $0x12800, s7;
	s8 =	simm.s32 $0x13C00  }
.LBB2_1:
0x26: {  	s16 =	simm.s32 $0x0;
	s17 =	rddreg [dreg:$0x4]  }
0x27: {  	[tilespmem:s8], [sflag:$0x7] =	stream.linear.gather [hbm4b:s17+s16], $0x2740, $0x38;
	[tilespmem:$0x1EE80] =	vst v63  }
0x28: {  	_ =	swait.ge [sflag:s9], $0x2740  }
0x29: {  	[sflag:s9] =	ssyncset.done $0x0  }
0x2a: {  	s18 =	simm.s32 $0x16340;
	s22 =	rddreg [dreg:$0x5];
	[sflag:s9] =	ssyncadd.s32 $0xFFFFD8C0  }
0x2b: {  	[tilespmem:s18], [sflag:$0x7] =	stream.linear.gather [hbm4b:s22+s16], $0x2740, $0x38;
	[tilespmem:$0x1EE80] =	vst v63  }
0x2c: {  	_ =	swait.ge [sflag:s9], $0x2740  }
0x2d: {  	[sflag:s9] =	ssyncset.done $0x0  }
0x2e: {  	s17 =	simm.s32 $0x0;
	s16 =	simm.s32 $0x0;
	[sflag:s9] =	ssyncadd.s32 $0xFFFFD8C0  }
.LBB2_2:
0x2f: {  	p4 =	sne.s32 s17, $0xFC0  }
.Ltmp0:
0x30: {  	_ = 	snop;
	(pc) =	sbr.rel @p4 .LBB2_2-.Ltmp0, $4  }
0x31: {  	s18 =	sand.u32 $0xE00, s17  }
0x32: {  	s19 =	sand.u32 $0x70, s16;
	s18 =	sshrl.u32 s18, $0x2  }
0x33: {  	s18 =	sor.u32 s19, s18  }
0x34: {  	s16 =	sadd.s32 $0x10, s16;
	s17 =	sadd.s32 $0x40, s17;
	[tilespmem:s18+$0x1EA80] =	vst v0  }
0x35: {  	s16 =	simm.s32 $0x0  }
0x36: {  	s17 =	sand.u32 $0x7E00, s16  }
0x37: {  	s18 =	sand.u32 $0x70, s16;
	s19 =	sshrl.u32 s17, $0x2  }
0x38: {  	s17 =	simm.s32 $0x40;
	s18 =	sor.u32 s18, s19  }
.LBB2_4:
0x39: {  	p4 =	sne.s32 s17, $0x7FC0  }
0x3a: {  	[tilespmem:s18+$0x18A80] =	vst v0;
	s16 =	sadd.s32 $0x10, s16;
	s18 =	smov.u32 s17;
	s17 =	sadd.s32 $0x40, s17  }
.Ltmp1:
0x3b: {  	(pc) =	sbr.rel @p4 .LBB2_4-.Ltmp1, $4  }
0x3c: {  	_ = 	snop  }
0x3d: {  	s18 =	sand.u32 $0x7E00, s18  }
0x3e: {  	s19 =	sand.u32 $0x70, s16;
	s18 =	sshrl.u32 s18, $0x2  }
0x3f: {  	s18 =	sor.u32 s19, s18  }
0x40: {  	[tilespmem:s18+$0x18A80] =	vst v0  }
0x41: {  	[spmem:s7] =	stream.linear.scatter [tilespmem:s10], [sflag:$0x4], $0x2000, $0x38;
	[tilespmem:$0x1EE80] =	vst v63  }
0x42: {  	s16 =	rddreg [dreg:$0x8]  }
0x43: {  	[spmem:s16] =	stream.linear.scatter [tilespmem:s10], [sflag:$0x4], $0x2000, $0x38;
	[tilespmem:$0x1EE80] =	vst v63  }
0x44: {  	s18 =	rddreg [dreg:$0x9]  }
0x45: {  	[spmem:s18] =	stream.linear.scatter [tilespmem:s10], [sflag:$0x4], $0x2000, $0x38;
	[tilespmem:$0x1EE80] =	vst v63  }
0x46: {  	s19 =	rddreg [dreg:$0xa]  }
0x47: {  	[spmem:s19] =	stream.linear.scatter [tilespmem:s10], [sflag:$0x4], $0x2000, $0x38;
	[tilespmem:$0x1EE80] =	vst v63  }
0x48: {  	s20 =	rddreg [dreg:$0xb]  }
0x49: {  	[spmem:s20] =	stream.linear.scatter [tilespmem:s10], [sflag:$0x4], $0x2000, $0x38;
	[tilespmem:$0x1EE80] =	vst v63  }
0x4a: {  	s21 =	rddreg [dreg:$0xc]  }
0x4b: {  	[spmem:s21] =	stream.linear.scatter [tilespmem:s10], [sflag:$0x4], $0x2000, $0x38;
	[tilespmem:$0x1EE80] =	vst v63  }
0x4c: {  	_ = 	snop  }
0x4d: {  	[spmem:s26] =	stream.linear.scatter [tilespmem:s10], [sflag:$0x4], $0x2000, $0x38;
	[tilespmem:$0x1EE80] =	vst v63  }
0x4e: {  	_ = 	snop  }
0x4f: {  	[spmem:s28] =	stream.linear.scatter [tilespmem:s10], [sflag:$0x4], $0x2000, $0x38;
	[tilespmem:$0x1EE80] =	vst v63  }
0x50: {  	_ = 	snop  }
0x51: {  	[spmem:s29] =	stream.linear.scatter [tilespmem:s10], [sflag:$0x4], $0x2000, $0x38;
	[tilespmem:$0x1EE80] =	vst v63  }
0x52: {  	_ = 	snop  }
0x53: {  	[spmem:s30] =	stream.linear.scatter [tilespmem:s11], [sflag:$0x4], $0x400, $0x38;
	[tilespmem:$0x1EE80] =	vst v63  }
0x54: {  	_ = 	snop  }
0x55: {  	[spmem:s31] =	stream.linear.scatter [tilespmem:s11], [sflag:$0x4], $0x400, $0x38;
	[tilespmem:$0x1EE80] =	vst v63  }
0x56: {  	_ = 	snop  }
0x57: {  	[spmem:s1] =	stream.linear.scatter [tilespmem:s11], [sflag:$0x4], $0x400, $0x38;
	[tilespmem:$0x1EE80] =	vst v63  }
0x58: {  	_ = 	snop  }
0x59: {  	[spmem:s2] =	stream.linear.scatter [tilespmem:s11], [sflag:$0x4], $0x400, $0x38;
	[tilespmem:$0x1EE80] =	vst v63  }
0x5a: {  	_ = 	snop  }
0x5b: {  	[spmem:s4] =	stream.linear.scatter [tilespmem:s11], [sflag:$0x4], $0x400, $0x38;
	[tilespmem:$0x1EE80] =	vst v63  }
0x5c: {  	_ = 	snop  }
0x5d: {  	[spmem:s5] =	stream.linear.scatter [tilespmem:s11], [sflag:$0x4], $0x400, $0x38;
	[tilespmem:$0x1EE80] =	vst v63  }
0x5e: {  	_ = 	snop  }
0x5f: {  	[spmem:s6] =	stream.linear.scatter [tilespmem:s11], [sflag:$0x4], $0x400, $0x38;
	[tilespmem:$0x1EE80] =	vst v63  }
0x60: {  	_ =	swait.ge [sflag:s12], $0x2000  }
0x61: {  	[sflag:s12] =	ssyncset.done $0x0  }
0x62: {  	[sflag:s12] =	ssyncadd.s32 $0xFFFFE000  }
0x63: {  	_ =	swait.ge [sflag:s12], $0x2000  }
0x64: {  	[sflag:s12] =	ssyncset.done $0x0  }
0x65: {  	[sflag:s12] =	ssyncadd.s32 $0xFFFFE000  }
0x66: {  	_ =	swait.ge [sflag:s12], $0x2000  }
0x67: {  	[sflag:s12] =	ssyncset.done $0x0  }
0x68: {  	[sflag:s12] =	ssyncadd.s32 $0xFFFFE000  }
0x69: {  	_ =	swait.ge [sflag:s12], $0x2000  }
0x6a: {  	[sflag:s12] =	ssyncset.done $0x0  }
0x6b: {  	[sflag:s12] =	ssyncadd.s32 $0xFFFFE000  }
0x6c: {  	_ =	swait.ge [sflag:s12], $0x2000  }
0x6d: {  	[sflag:s12] =	ssyncset.done $0x0  }
0x6e: {  	[sflag:s12] =	ssyncadd.s32 $0xFFFFE000  }
0x6f: {  	_ =	swait.ge [sflag:s12], $0x2000  }
0x70: {  	[sflag:s12] =	ssyncset.done $0x0  }
0x71: {  	[sflag:s12] =	ssyncadd.s32 $0xFFFFE000  }
0x72: {  	_ =	swait.ge [sflag:s12], $0x2000  }
0x73: {  	[sflag:s12] =	ssyncset.done $0x0  }
0x74: {  	[sflag:s12] =	ssyncadd.s32 $0xFFFFE000  }
0x75: {  	_ =	swait.ge [sflag:s12], $0x2000  }
0x76: {  	[sflag:s12] =	ssyncset.done $0x0  }
0x77: {  	[sflag:s12] =	ssyncadd.s32 $0xFFFFE000  }
0x78: {  	_ =	swait.ge [sflag:s12], $0x2000  }
0x79: {  	[sflag:s12] =	ssyncset.done $0x0  }
0x7a: {  	[sflag:s12] =	ssyncadd.s32 $0xFFFFE000  }
0x7b: {  	_ =	swait.ge [sflag:s12], $0x400  }
0x7c: {  	[sflag:s12] =	ssyncset.done $0x0  }
0x7d: {  	[sflag:s12] =	ssyncadd.s32 $0xFFFFFC00  }
0x7e: {  	_ =	swait.ge [sflag:s12], $0x400  }
0x7f: {  	[sflag:s12] =	ssyncset.done $0x0  }
0x80: {  	[sflag:s12] =	ssyncadd.s32 $0xFFFFFC00  }
0x81: {  	_ =	swait.ge [sflag:s12], $0x400  }
0x82: {  	[sflag:s12] =	ssyncset.done $0x0  }
0x83: {  	[sflag:s12] =	ssyncadd.s32 $0xFFFFFC00  }
0x84: {  	_ =	swait.ge [sflag:s12], $0x400  }
0x85: {  	[sflag:s12] =	ssyncset.done $0x0  }
0x86: {  	[sflag:s12] =	ssyncadd.s32 $0xFFFFFC00  }
0x87: {  	_ =	swait.ge [sflag:s12], $0x400  }
0x88: {  	[sflag:s12] =	ssyncset.done $0x0  }
0x89: {  	[sflag:s12] =	ssyncadd.s32 $0xFFFFFC00  }
0x8a: {  	_ =	swait.ge [sflag:s12], $0x400  }
0x8b: {  	[sflag:s12] =	ssyncset.done $0x0  }
0x8c: {  	[sflag:s12] =	ssyncadd.s32 $0xFFFFFC00  }
0x8d: {  	_ =	swait.ge [sflag:s12], $0x400  }
0x8e: {  	[sflag:s12] =	ssyncset.done $0x0  }
0x8f: {  	[sflag:s12] =	ssyncadd.s32 $0xFFFFFC00  }
0x90: {  	[tilespmem:s10], [sflag:$0x1] =	stream.indirect.gather [hbm4b:s0+s13], $0x80, s8, s13, $0xb8;
	[tilespmem:$0x1EE80] =	vst v63  }
0x91: {  	s22 =	simm.s32 $0x13C40;
	s17 =	simm.s32 $0x1AA80;
	s16 =	simm.s32 $0x0  }
0x92: {  	[tilespmem:s17], [sflag:$0x2] =	stream.indirect.gather [hbm4b:s0+s13], $0x80, s22, s13, $0xb8;
	[tilespmem:$0x1EE80] =	vst v63  }
0x93: {  	s18 =	simm.s32 $0x13C80;
	s17 =	simm.s32 $0x16340;
	[bflag:$0x0] =	sbarrier.arrive $0xFFFF  }
.LBB2_6:
0x94: {  	s19 =	smul.u32 $0xAB, s16;
	_ =	sdelay $0x1  }
0x95: {  	s19 =	sshrl.u32 s19, $0x9  }
0x96: {  	s20 =	sadd.s32 $0x2, s16;
	s19 =	sand.u32 $0x7F, s19  }
0x97: {  	s21 =	sand.u32 $0xFF, s20;
	s19 =	smul.u32 $0x3, s19  }
0x98: {  	s21 =	smul.u32 $0xAB, s21  }
0x99: {  	s19 =	ssub.s32 s16, s19  }
0x9a: {  	s21 =	sshrl.u32 s21, $0x9;
	s19 =	sand.u32 $0xFF, s19  }
0x9b: {  	s21 =	smul.u32 $0x3, s21;
	s22 =	sadd.s32 $0x1, s19  }
0x9c: {  	_ =	swait.ge [sflag:s22], $0x2000  }
0x9d: {  	s20 =	ssub.s32 s20, s21;
	s21 =	sshll.u32 s19, $0xD;
	[sflag:s22] =	ssyncset.done $0x0  }
0x9e: {  	s19 =	sor.u32 $0x4, s19;
	s21 =	sor.u32 $0x18A80, s21;
	[sflag:s22] =	ssyncadd.s32 $0xFFFFE000  }
0x9f: {  	[spmem:s3] =	stream.indirect.scatter.add.f32 [tilespmem:s21], [sflag:s19], $0x80, s17, s13, $0xb8;
	[tilespmem:$0x1EE80] =	vst v63  }
0xa0: {  	p4 =	seq.s32 s16, $0x0;
	s19 =	sand.u32 $0xFF, s20  }
0xa1: {  	s20 =	sadd.s32 @!p4 $0x4, s19  }
0xa2: {  	_ =	swait.ge @!p4 [sflag:s20], $0x2000  }
0xa3: {  	p5 =	sgt.u32 @!p4 s16, $0x9A;
	s16 =	sadd.s32 $0x1, s16;
	[sflag:s20] =	ssyncset.done @!p4 $0x0  }
0xa4: {  	p5 =	por p4, !p5;
	[sflag:s20] =	ssyncadd.s32 @!p4 $0xFFFFE000;
	p4 =	sne.s32 s16, $0x9D  }
.Ltmp2:
0xa5: {  	_ = 	snop;
	(pc) =	sbr.rel @p4 .LBB2_6-.Ltmp2, $4  }
0xa6: {  	s20 =	sshll.u32 @p5 s19, $0xD  }
0xa7: {  	s19 =	sadd.s32 @p5 $0x1, s19;
	s20 =	sadd.s32 @p5 $0x18A80, s20  }
0xa8: {  	[tilespmem:s20], [sflag:s19] =	stream.indirect.gather @p5 [hbm4b:s0+s13], $0x80, s18, s13, $0xb8;
	[tilespmem:$0x1EE80] =	vst v63  }
0xa9: {  	s17 =	sadd.s32 $0x40, s17;
	s18 =	sadd.s32 $0x40, s18  }
0xaa: {  	_ =	swait.ge [sflag:s12], $0x2000  }
0xab: {  	[sflag:s12] =	ssyncset.done $0x0  }
0xac: {  	[sflag:s12] =	ssyncadd.s32 $0xFFFFE000  }
0xad: {  	s16 =	stileid.u32;
	[bflag:$0x0] =	sbarrier.arrive $0xFFFF  }
0xae: {  	s16 =	sshll.u32 s16, $0x6;
	s17 =	rddreg [dreg:$0xd]  }
0xaf: {  	s16 =	sor.u32 $0x1C05, s16;
	s18 =	rddreg [dreg:$0x12]  }
0xb0: {  	[hbm:s17], [sflag:s16] =	dma.local [spmem:s18], $0x800  }
0xb1: {  	s17 =	rddreg [dreg:$0xe]  }
0xb2: {  	s18 =	rddreg [dreg:$0x13]  }
0xb3: {  	[hbm:s17], [sflag:s16] =	dma.local [spmem:s18], $0x800  }
0xb4: {  	s17 =	rddreg [dreg:$0xf]  }
0xb5: {  	s18 =	rddreg [dreg:$0x14]  }
0xb6: {  	[hbm:s17], [sflag:s16] =	dma.local [spmem:s18], $0x800  }
0xb7: {  	s17 =	rddreg [dreg:$0x10]  }
0xb8: {  	[hbm:s17], [sflag:s16] =	dma.local [spmem:s23], $0x800  }
0xb9: {  	s17 =	simm.s32 @!p2 $0x1FC5;
	s18 =	rddreg [dreg:$0x6]  }
0xba: {  	[hbm:s18], [sflag:s17] =	dma.local @!p2 [spmem:s24], $0x100  }
0xbb: {  	s17 =	rddreg [dreg:$0x11]  }
0xbc: {  	[hbm:s17], [sflag:s16] =	dma.local @!p0 [spmem:s25], $0x800  }
0xbd: {  	_ =	swait.ge [sflag:s14], $0x800  }
0xbe: {  	[sflag:s14] =	ssyncset.done $0x0  }
0xbf: {  	[sflag:s14] =	ssyncadd.s32 $0xFFFFF800  }
0xc0: {  	_ =	swait.ge [sflag:s14], $0x800  }
0xc1: {  	[sflag:s14] =	ssyncset.done $0x0  }
0xc2: {  	[sflag:s14] =	ssyncadd.s32 $0xFFFFF800  }
0xc3: {  	_ =	swait.ge [sflag:s14], $0x800  }
0xc4: {  	[sflag:s14] =	ssyncset.done $0x0  }
0xc5: {  	[sflag:s14] =	ssyncadd.s32 $0xFFFFF800  }
0xc6: {  	_ =	swait.ge [sflag:s14], $0x800  }
0xc7: {  	[sflag:s14] =	ssyncset.done $0x0  }
0xc8: {  	s16 =	simm.s32 @!p3 $0x5;
	[sflag:s14] =	ssyncadd.s32 $0xFFFFF800  }
0xc9: {  	_ =	swait.ge @!p3 [sflag:s16], $0x100  }
0xca: {  	[sflag:s16] =	ssyncset.done @!p3 $0x0  }
0xcb: {  	[sflag:s16] =	ssyncadd.s32 @!p3 $0xFFFFFF00;
	s16 =	simm.s32 @!p1 $0x5  }
0xcc: {  	_ =	swait.ge @!p1 [sflag:s16], $0x800  }
0xcd: {  	s15 =	sadd.s32 $0x1, s15;
	s22 =	rddreg [dreg:$0x7]  }
0xce: {  	p4 =	sne.s32 s15, s22  }
.Ltmp3:
0xcf: {  	_ = 	snop;
	(pc) =	sbr.rel @p4 .LBB2_1-.Ltmp3, $3  }
0xd0: {  	_ =	sdelay $0x1  }
0xd1: {  	[sflag:s16] =	ssyncset.done @!p1 $0x0  }
0xd2: {  	[sflag:s16] =	ssyncadd.s32 @!p1 $0xFFFFF800  }
0xd3: {  	_ =	sfence.sel $0x180000  }
0xd4: {  	[bflag:$0x0] =	sbarrier.arrive $0xFFFF  }
0xd5: {  	_ =	strace $0x9000004D  }
0xd6: {  	s0 =	stileid.u32;
	[bflag:$0x2] =	sbarrier.arrive $0xFFFF  }
0xd7: {  	p0 =	sne.s32 s0, $0x0;
	s0 =	rddreg [dreg:$0x3]  }
0xd8: {  	s0 =	sadd.s32 @!p0 $0x100000, s0  }
0xd9: {  	[sflag:s0] =	ssyncadd.tile.s32 @!p0 $0x1;
	_ =	shalt  }
.Lfunc_end2:
_tile_overlayer_lowered:
.L_overlay_start_2:
0xda: {  	(tag) =	ssettag $0x2  }
0xdb: {  	s0 =	rddreg [dreg:$0x0];
	s2 =	stileid.u32  }
0xdc: {  	s1 =	rddreg [dreg:$0x1];
	p0 =	sne.s32 s2, $0x0  }
0xdd: {  	s3 =	rddreg [dreg:$0x2];
	[bflag:$0x3] =	sbarrier.arrive $0xFFFF;
	s2 =	simm.s32 @!p0 $0x1C07  }
0xde: {  	[timem:s3], [sflag:s2] =	dma.local @!p0 [hbm:s0], s1  }
0xdf: {  	s0 =	simm.s32 @!p0 $0x7  }
0xe0: {  	_ =	swait.ge @!p0 [sflag:s0], s1  }
0xe1: {  	s1 =	ssub.s32 @!p0 $0x0, s1;
	[sflag:s0] =	ssyncset.done @!p0 $0x0  }
0xe2: {  	[sflag:s0] =	ssyncadd.s32 @!p0 s1  }
0xe3: {  	[bflag:$0x3] =	sbarrier.arrive $0xFFFF  }
0xe4: {  	_ =	shalt  }

// kernel: kernel.8.cloned.1.call-start
scs
__scs_entry_jumppad:
0x0: {  	(pc) =	sbr.rel $0x88, $3  }
0x1: {  	(tag) =	ssettag $0x0;
	lr =	simm.s32 $0x1  }
0x2: {  	[smem:$0x3F9C] =	sst lr;
	_ =	strace $0xD0000000  }
0x3: {  	_ = 	snop  }
0x4: {  	_ = 	snop  }
0x5: {  	_ = 	snop  }
0x6: {  	_ = 	snop  }
0x7: {  	_ = 	snop  }
__scs_overlays_trampoline_lowered:
0x8: {  	[smem:$0x3FAB] =	sst s0  }
0x9: {  	[smem:$0x3FAC] =	sst s1  }
0xa: {  	[smem:$0x3FAD] =	sst s2  }
0xb: {  	[smem:$0x3FAE] =	sst s3  }
0xc: {  	[smem:$0x3FAF] =	sst s4  }
0xd: {  	[smem:$0x3FB0] =	sst s5  }
0xe: {  	[smem:$0x3FB1] =	sst s6  }
0xf: {  	[smem:$0x3FB2] =	sst s7  }
0x10: {  	[smem:$0x3FB3] =	sst s8  }
0x11: {  	[smem:$0x3FB4] =	sst s9;
	s0 =	simm.s32 @!p0 $0x0  }
0x12: {  	s1 =	sld [smem:$0x3F9A];
	s0 =	simm.s32 @p0 $0x1  }
0x13: {  	[smem:$0x3FB5] =	sst s0;
	s0 =	simm.s32 @!p1 $0x0  }
0x14: {  	s2 =	sld [smem:$0x3F99];
	s0 =	simm.s32 @p1 $0x1  }
0x15: {  	[smem:$0x3FB6] =	sst s0;
	s0 =	simm.s32 @!p2 $0x0  }
0x16: {  	s3 =	sld [smem:$0x3FDB];
	s0 =	simm.s32 @p2 $0x1  }
0x17: {  	s4 =	simm.s32 $0x1BF5;
	[smem:$0x3FB8] =	sst s0  }
0x18: {  	s0 =	sld [smem:$0x3F9B];
	_ =	swait.ge [sflag:s4], $0x0  }
0x19: {  	s7 =	sld [smem:$0x3F9C]  }
0x1a: {  	s8 =	sadd.s32 $0xFFFFE003, lr  }
0x1b: {  	s9 =	sadd.s32 $0xFFFFFEF7, lr;
	s5 =	simm.s32 $0xFFFFFFFF;
	p2 =	slt.u32 s8, $0xFFFFF086  }
0x1c: {  	p1 =	slt.u32 s9, $0xF7A;
	s5 =	simm.s32 @!p2 $0x0  }
0x1d: {  	s5 =	simm.s32 @p1 $0x1;
	p0 =	seq.s32 s7, s2  }
0x1e: {  	s7 =	smul.u32 @!p0 $0xF7A, s2;
	p2 =	seq.s32 @!p0 s5, $0x0  }
0x1f: {  	s9 =	smul.u32 $0xF7A, s1;
	s8 =	simm.s32 @!p0 $0x1BF5;
	p2 =	por !p2, p0  }
0x20: {  	[sflag:s8] =	ssyncset.s32 @!p0 $0xFFFFF086;
	s6 =	sadd.s32 @!p0 s3, s7;
	s7 =	simm.s32 @!p0 $0x108  }
0x21: {  	s3 =	sadd.s32 s3, s9;
	s6 =	sadd.s32 @!p0 $0x88, s6;
	s7 =	simm.s32 @p2 $0x1082  }
0x22: {  	[simem:s7], [sflag:s8] =	dma.local @!p0 [hbm:s6], $0xF7A  }
0x23: {  	s9 =	sor.u32 $0xD0000000, s2;
	s6 =	simm.s32 $0x108;
	_ =	swait.ge @!p0 [sflag:s8], $0x0  }
0x24: {  	s3 =	sadd.s32 $0x88, s3;
	s6 =	simm.s32 @!p1 $0x1082;
	[sflag:s4] =	ssyncset.s32 $0xFFFFF086  }
0x25: {  	[simem:s6], [sflag:s4] =	dma.local [hbm:s3], $0xF7A  }
0x26: {  	[smem:$0x3F9C] =	sst s1;
	(tag) =	ssettag s2;
	_ =	strace s9  }
0x27: {  	s1 =	sld [smem:$0x3FAC]  }
0x28: {  	s2 =	sld [smem:$0x3FAD]  }
0x29: {  	s4 =	sld [smem:$0x3FAF]  }
0x2a: {  	p0 =	seq.s32 s5, $0x0;
	s5 =	sld [smem:$0x3FB0]  }
0x2b: {  	s6 =	sld [smem:$0x3FB1]  }
0x2c: {  	s7 =	sld [smem:$0x3FB2]  }
0x2d: {  	s3 =	simm.s32 $0x108;
	s8 =	sld [smem:$0x3FB3]  }
0x2e: {  	s3 =	simm.s32 @!p0 $0x1082;
	s9 =	sld [smem:$0x3FB4]  }
0x2f: {  	lr =	sadd.s32 s0, s3;
	s0 =	sld [smem:$0x3FAB]  }
0x30: {  	s3 =	sld [smem:$0x3FAE]  }
0x31: {  	[smem:$0x3FB7] =	sst s10  }
0x32: {  	s10 =	sld [smem:$0x3FB5];
	_ =	sdelay $0x3  }
0x33: {  	p0 =	seq.s32 s10, $0x1;
	s10 =	sld [smem:$0x3FB7];
	_ =	sdelay $0x3  }
0x34: {  	[smem:$0x3FB7] =	sst s10  }
0x35: {  	s10 =	sld [smem:$0x3FB6];
	_ =	sdelay $0x3  }
0x36: {  	p1 =	seq.s32 s10, $0x1;
	s10 =	sld [smem:$0x3FB7];
	_ =	sdelay $0x3  }
0x37: {  	[smem:$0x3FB7] =	sst s10  }
0x38: {  	s10 =	sld [smem:$0x3FB8]  }
0x39: {  	_ = 	snop;
	(pc) =	sbr.ind lr, $3  }
0x3a: {  	_ = 	snop  }
0x3b: {  	_ = 	snop  }
0x3c: {  	p2 =	seq.s32 s10, $0x1;
	s10 =	sld [smem:$0x3FB7]  }
0x3d: {  	_ =	shalt  }
0x3e: {  	_ =	shalt  }
0x3f: {  	_ =	shalt  }
0x40: {  	_ =	shalt  }
0x41: {  	_ =	shalt  }
0x42: {  	_ =	shalt  }
0x43: {  	_ =	shalt  }
0x44: {  	_ =	shalt  }
0x45: {  	_ =	shalt  }
0x46: {  	_ =	shalt  }
0x47: {  	_ =	shalt  }
0x48: {  	_ =	shalt  }
0x49: {  	_ =	shalt  }
0x4a: {  	_ =	shalt  }
0x4b: {  	_ =	shalt  }
0x4c: {  	_ =	shalt  }
0x4d: {  	_ =	shalt  }
0x4e: {  	_ =	shalt  }
0x4f: {  	_ =	shalt  }
0x50: {  	_ =	shalt  }
0x51: {  	_ =	shalt  }
0x52: {  	_ =	shalt  }
0x53: {  	_ =	shalt  }
0x54: {  	_ =	shalt  }
0x55: {  	_ =	shalt  }
0x56: {  	_ =	shalt  }
0x57: {  	_ =	shalt  }
0x58: {  	_ =	shalt  }
0x59: {  	_ =	shalt  }
0x5a: {  	_ =	shalt  }
0x5b: {  	_ =	shalt  }
0x5c: {  	_ =	shalt  }
0x5d: {  	_ =	shalt  }
0x5e: {  	_ =	shalt  }
0x5f: {  	_ =	shalt  }
0x60: {  	_ =	shalt  }
0x61: {  	_ =	shalt  }
0x62: {  	_ =	shalt  }
0x63: {  	_ =	shalt  }
0x64: {  	_ =	shalt  }
0x65: {  	_ =	shalt  }
0x66: {  	_ =	shalt  }
0x67: {  	_ =	shalt  }
0x68: {  	_ =	shalt  }
0x69: {  	_ =	shalt  }
0x6a: {  	_ =	shalt  }
0x6b: {  	_ =	shalt  }
0x6c: {  	_ =	shalt  }
0x6d: {  	_ =	shalt  }
0x6e: {  	_ =	shalt  }
0x6f: {  	_ =	shalt  }
0x70: {  	_ =	shalt  }
0x71: {  	_ =	shalt  }
0x72: {  	_ =	shalt  }
0x73: {  	_ =	shalt  }
0x74: {  	_ =	shalt  }
0x75: {  	_ =	shalt  }
0x76: {  	_ =	shalt  }
0x77: {  	_ =	shalt  }
0x78: {  	_ =	shalt  }
0x79: {  	_ =	shalt  }
0x7a: {  	_ =	shalt  }
0x7b: {  	_ =	shalt  }
0x7c: {  	_ =	shalt  }
0x7d: {  	_ =	shalt  }
0x7e: {  	_ =	shalt  }
0x7f: {  	_ =	shalt  }
0x80: {  	_ =	shalt  }
0x81: {  	_ =	shalt  }
0x82: {  	_ =	shalt  }
0x83: {  	_ =	shalt  }
0x84: {  	_ =	shalt  }
0x85: {  	_ =	shalt  }
0x86: {  	_ =	shalt  }
0x87: {  	_ =	shalt  }
.Lfunc_end0:
.L_simem_size_0:
called_computation_lowered:
.L_overlay_start_0:
0x88: {  	s2 =	sld [smem:$0x3FD9]  }
0x89: {  	s3 =	sld [smem:$0x3FFE];
	_ =	sdelay $0x1  }
0x8a: {  	s1 =	srdreg.scid  }
0x8b: {  	s0 =	sand.u32 $0x1, s1  }
0x8c: {  	s17 =	sshll.u32 s0, $0xA;
	s2 =	sadd.s32 s3, s2  }
0x8d: {  	s2 =	sadd.s32 s2, s17  }
0x8e: {  	[smem:$0x3FC3] =	sst s2  }
0x8f: {  	_ = 	snop  }
0x90: {  	s2 =	sld [smem:$0x3FD0];
	(tm) =	ssettm $0x1  }
0x91: {  	s18 =	sld [smem:$0x3FFB];
	_ =	sdelay $0x3  }
0x92: {  	_ =	strace s18  }
0x93: {  	s3 =	sld [smem:$0x3FFC];
	_ =	sdelay $0x3  }
0x94: {  	_ =	strace s3  }
0x95: {  	s3 =	sld [smem:$0x3FFD];
	_ =	sdelay $0x3  }
0x96: {  	_ =	strace s3  }
0x97: {  	_ =	strace $0x8FFFFFFF  }
0x98: {  	s19 =	sld [smem:$0x3FDB];
	_ =	sdelay $0x1  }
0x99: {  	s4 =	simm.s32 $_scs_section_size  }
0x9a: {  	s5 =	simm.s32 $_size__tile_overlayer_lowered;
	s6 =	simm.s32 $_tile_overlayer_lowered  }
0x9b: {  	s22 =	simm.s32 $0x1BFF;
	s21 =	sshll.u32 s6, $0x1;
	s3 =	sadd.s32 s4, s19  }
0x9c: {  	s7 =	simm.s32 $0x0;
	s20 =	sshll.u32 s5, $0x1;
	s5 =	sadd.s32 s21, s3  }
0x9d: {  	[timem:s7], [sflag:s22] =	dma.local [hbm:s5], s20  }
0x9e: {  	_ =	swait.ge [sflag:s22], s20  }
0x9f: {  	s4 =	ssub.s32 $0x0, s20;
	[sflag:s22] =	ssyncset.done $0x0  }
0xa0: {  	[sflag:s22] =	ssyncadd.s32 s4;
	_ =	sdelay $0x1  }
0xa1: {  	s23 =	simm.s32 $0x1B8B  }
0xa2: {  	_ =	swait.ge [sflag:s23], $0x1  }
0xa3: {  	[sflag:s23] =	ssyncset.done $0x0  }
0xa4: {  	s25 =	simm.s32 $0x1B8E;
	s24 =	sld [smem:$0x3FFE];
	[sflag:s23] =	ssyncadd.s32 $0xFFFFFFFF  }
0xa5: {  	s26 =	simm.s32 $execute0_lowered;
	[smem:$0x3FD2] =	sst s25  }
0xa6: {  	s5 =	sshll.u32 s26, $0x1;
	_ =	strace $0x80000046;
	[dreg:$0x1] =	wrdreg $0xFFFFFFFF  }
0xa7: {  	s28 =	simm.s32 $_size_execute0_lowered;
	s3 =	sadd.s32 s3, s5;
	[dreg:$0x0] =	wrdreg $0x0  }
0xa8: {  	s5 =	sshll.u32 s28, $0x1;
	[dreg:$0x2] =	wrdreg s3  }
0xa9: {  	[dreg:$0x3] =	wrdreg s5  }
0xaa: {  	[dreg:$0x4] =	wrdreg $0xC0  }
0xab: {  	_ =	task [dreg:s7], $0x5FFFF  }
0xac: {  	[dreg:$0x1] =	wrdreg $0xFFFFFFFF  }
0xad: {  	[dreg:$0x0] =	wrdreg $0x60  }
0xae: {  	[dreg:$0x2] =	wrdreg s2  }
0xaf: {  	[dreg:$0x3] =	wrdreg s24  }
0xb0: {  	[dreg:$0x4] =	wrdreg $0x0  }
0xb1: {  	[dreg:$0x5] =	wrdreg $0x9  }
0xb2: {  	_ =	task.clear_ibuf [dreg:s7], $0x6FFFF;
	_ =	strace $0x90000046  }
0xb3: {  	s29 =	simm.s32 $0x9;
	_ =	strace $0x80000048  }
0xb4: {  	_ =	swait.ge [sflag:s29], $0x1  }
0xb5: {  	[sflag:s29] =	ssyncadd.s32 $0xFFFFFFFF  }
0xb6: {  	_ =	strace $0x90000048  }
0xb7: {  	_ =	sfence  }
0xb8: {  	s30 =	sld [smem:$0x0];
	_ =	sdelay $0x2  }
0xb9: {  	s31 =	sshll.u32 s1, $0xD;
	s1 =	sshrl.u32 s1, $0x2  }
0xba: {  	s3 =	sand.u32 $0x4000, s31;
	s1 =	sadd.s32 s1, s30  }
0xbb: {  	s0 =	sor.u32 s3, s0;
	s1 =	sshll.u32 s1, $0x11  }
0xbc: {  	s0 =	sor.u32 s1, s0  }
0xbd: {  	s0 =	sadd.s32 $0x8F2B, s0  }
0xbe: {  	[sflag:s0] =	ssyncadd.remote.s32 $0x1  }
0xbf: {  	_ =	sfence.sel $0xFFFF  }
0xc0: {  	[dreg:$0x0] =	wrdreg $0xFFFFFFFF;
	(pc) =	sbr.abs _section_cstart, $3  }
0xc1: {  	[dreg:$0x1] =	wrdreg $0xFFFFFFFF  }
0xc2: {  	_ =	task.clear_ibuf [dreg:s7], $0x2FFFF;
	_ =	strace $0x9FFFFFFF  }
0xc3: {  	(tm) =	ssettm $0x7FFFFFFF  }
tec
execute0_lowered:
.L_overlay_start_1:
0x0: {  	(tag) =	ssettag $0x1  }
0x1: {  	s6 =	rddreg [dreg:$0x0]  }
0x2: {  	s1 =	srdreg.scid;
	s4 =	rddreg [dreg:$0x1]  }
0x3: {  	s0 =	stileid.u32;
	s2 =	rddreg [dreg:$0x2];
	s3 =	simm.s32 $0x0  }
0x4: {  	s12 =	simm.s32 $0x40;
	s13 =	simm.s32 $0x5278;
	s14 =	simm.s32 $0x2F8  }
0x5: {  	s15 =	simm.s32 $0x378;
	s16 =	simm.s32 $0x3F8;
	s17 =	simm.s32 $0x478  }
0x6: {  	s18 =	simm.s32 $0x4F8;
	s19 =	simm.s32 $0x578;
	s20 =	simm.s32 $0x5F8  }
0x7: {  	s21 =	simm.s32 $0x1;
	s22 =	simm.s32 $0x0;
	s7 =	smul.u32 $0x7D0, s0  }
0x8: {  	s5 =	sand.u32 $0x1, s1;
	s1 =	rddreg [dreg:$0x3];
	s10 =	smul.u32 $0x1F40, s0  }
0x9: {  	[smem:$0x7FF] =	sst s3;
	p0 =	sgt.u32 s0, $0x4;
	s8 =	smul.u32 $0x2710, s5  }
0xa: {  	_ =	strace $0x80000047;
	s9 =	sshll.u32 s5, $0x4;
	s5 =	ssub.s32 $0x2, s5  }
0xb: {  	p1 =	sne.s32 @p0 s0, $0x5;
	s9 =	sor.u32 s0, s9;
	s30 =	sshrl.u32 s5, $0x1  }
0xc: {  	s31 =	sshrl.u32 s10, $0x2;
	p1 =	por p1, !p0;
	s10 =	simm.s32 $0x278  }
0xd: {  	s8 =	sadd.s32 s7, s8;
	s9 =	smul.u32 $0xA00, s9;
	s11 =	ssub.s32 s5, s30  }
0xe: {  	s5 =	sadd.s32 s31, s2;
	s7 =	sadd.s32 s7, s2;
	s8 =	sshrl.u32 s8, $0x3  }
0xf: {  	s8 =	sadd.s32 s8, s4;
	s4 =	sadd.s32 $0x2710, s2;
	s6 =	sadd.s32 s6, s9  }
0x10: {  	v0 =	vimm.f32 $1.000000000e+00;
	v1 =	vimm.f32 $0.0e+00;
	s9 =	smax.u32 s11, $0x1;
	s11 =	simm.s32 $0x2;
	s8 =	sadd.s32 $0x15A00, s8  }
.LBB2_1:
0x11: {  	[tilespmem:$0x5278] =	vst v0  }
0x12: {  	[tilespmem:$0x5288] =	vst v0  }
0x13: {  	[tilespmem:$0x5298] =	vst v0  }
0x14: {  	[tilespmem:$0x52A8] =	vst v0;
	s23 =	simm.s32 $0x40;
	s24 =	simm.s32 $0x0  }
.LBB2_2:
0x15: {  	p2 =	sne.s32 s23, $0x1F00;
	[tilespmem:s24+$0x52F8] =	vst v1;
	s24 =	smov.u32 s23;
	s23 =	sadd.s32 $0x40, s23  }
.Ltmp0:
0x16: {  	(pc) =	sbr.rel @p2 .LBB2_2-.Ltmp0, $2  }
0x17: {  	_ =	sdelay $0x2  }
0x18: {  	s24 =	sshra.s32 s24, $0x2  }
0x19: {  	[tilespmem:s24+$0x52F8] =	vst v1;
	s23 =	simm.s32 @!p1 $0x52F8  }
0x1a: {  	[spmem:s4] =	stream.linear.scatter @!p1 [tilespmem:s23], [sflag:$0x2], $0x70, $0x38;
	[tilespmem:$0x5AF8] =	vst v63  }
0x1b: {  	s23 =	simm.s32 @!p1 $0x2  }
0x1c: {  	_ =	swait.ge @!p1 [sflag:s23], $0x70  }
0x1d: {  	[sflag:s23] =	ssyncset.done @!p1 $0x0  }
0x1e: {  	[sflag:s23] =	ssyncadd.s32 @!p1 $0xFFFFFF90;
	s23 =	simm.s32 @!p0 $0x52F8  }
0x1f: {  	[spmem:s5] =	stream.linear.scatter @!p0 [tilespmem:s23], [sflag:$0x2], $0x7D0, $0x38;
	[tilespmem:$0x5AF8] =	vst v63  }
0x20: {  	s23 =	simm.s32 @!p0 $0x2  }
0x21: {  	_ =	swait.ge @!p0 [sflag:s23], $0x7D0  }
0x22: {  	[sflag:s23] =	ssyncset.done @!p0 $0x0  }
0x23: {  	[sflag:s23] =	ssyncadd.s32 @!p0 $0xFFFFF830  }
0x24: {  	[tilespmem:s10], [sflag:$0x2] =	stream.linear.gather [hbm4b:s6+s3], $0x4E80, $0x38;
	[tilespmem:$0x5AF8] =	vst v63  }
0x25: {  	_ =	swait.ge [sflag:s11], $0x4E80  }
0x26: {  	[sflag:s11] =	ssyncset.done $0x0  }
0x27: {  	[sflag:s11] =	ssyncadd.s32 $0xFFFFB180  }
0x28: {  	[bflag:$0x0] =	sbarrier.arrive $0xFFFF  }
0x29: {  	[spmem:s2] =	stream.indirect.scatter.add.f32 [tilespmem:s13], [sflag:$0x1], $0x1, s10, s12, $0xb8;
	[tilespmem:$0x5AF8] =	vst v63  }
0x2a: {  	_ = 	snop  }
0x2b: {  	[spmem:s2] =	stream.indirect.scatter.add.f32 [tilespmem:s13], [sflag:$0x1], $0x1, s14, s12, $0xb8;
	[tilespmem:$0x5AF8] =	vst v63  }
0x2c: {  	_ = 	snop  }
0x2d: {  	[spmem:s2] =	stream.indirect.scatter.add.f32 [tilespmem:s13], [sflag:$0x1], $0x1, s15, s12, $0xb8;
	[tilespmem:$0x5AF8] =	vst v63  }
0x2e: {  	_ = 	snop  }
0x2f: {  	[spmem:s2] =	stream.indirect.scatter.add.f32 [tilespmem:s13], [sflag:$0x1], $0x1, s16, s12, $0xb8;
	[tilespmem:$0x5AF8] =	vst v63  }
0x30: {  	_ = 	snop  }
0x31: {  	[spmem:s2] =	stream.indirect.scatter.add.f32 [tilespmem:s13], [sflag:$0x1], $0x1, s17, s12, $0xb8;
	[tilespmem:$0x5AF8] =	vst v63  }
0x32: {  	_ = 	snop  }
0x33: {  	[spmem:s2] =	stream.indirect.scatter.add.f32 [tilespmem:s13], [sflag:$0x1], $0x1, s18, s12, $0xb8;
	[tilespmem:$0x5AF8] =	vst v63  }
0x34: {  	_ = 	snop  }
0x35: {  	[spmem:s2] =	stream.indirect.scatter.add.f32 [tilespmem:s13], [sflag:$0x1], $0x1, s19, s12, $0xb8;
	[tilespmem:$0x5AF8] =	vst v63  }
0x36: {  	_ = 	snop  }
0x37: {  	[spmem:s2] =	stream.indirect.scatter.add.f32 [tilespmem:s13], [sflag:$0x1], $0x1, s20, s12, $0xb8;
	[tilespmem:$0x5AF8] =	vst v63  }
0x38: {  	_ =	swait.ge [sflag:s21], $0x40  }
0x39: {  	[sflag:s21] =	ssyncset.done $0x0  }
0x3a: {  	s24 =	simm.s32 $0x678;
	s23 =	simm.s32 $0x1200;
	[sflag:s21] =	ssyncadd.s32 $0xFFFFFFC0  }
.LBB2_4:
0x3b: {  	[spmem:s2] =	stream.indirect.scatter.add.f32 [tilespmem:s13], [sflag:$0x1], $0x1, s24, s12, $0xb8;
	[tilespmem:$0x5AF8] =	vst v63  }
0x3c: {  	s24 =	smov.u32 s23;
	p2 =	sne.s32 s23, $0x13800  }
.Ltmp1:
0x3d: {  	s23 =	sadd.s32 $0x200, s23;
	(pc) =	sbr.rel @p2 .LBB2_4-.Ltmp1, $4  }
0x3e: {  	_ = 	snop  }
0x3f: {  	_ =	swait.ge [sflag:s21], $0x40  }
0x40: {  	s24 =	sshra.s32 s24, $0x2;
	[sflag:s21] =	ssyncset.done $0x0  }
0x41: {  	s24 =	sadd.s32 $0x278, s24;
	[sflag:s21] =	ssyncadd.s32 $0xFFFFFFC0  }
0x42: {  	[spmem:s2] =	stream.indirect.scatter.add.f32 [tilespmem:s13], [sflag:$0x1], $0x1, s24, s12, $0xb8;
	[tilespmem:$0x5AF8] =	vst v63  }
0x43: {  	_ =	swait.ge [sflag:s21], $0x40  }
0x44: {  	[sflag:s21] =	ssyncset.done $0x0  }
0x45: {  	[sflag:s21] =	ssyncadd.s32 $0xFFFFFFC0  }
0x46: {  	_ =	swait.ge [sflag:s21], $0x40  }
0x47: {  	[sflag:s21] =	ssyncset.done $0x0  }
0x48: {  	[sflag:s21] =	ssyncadd.s32 $0xFFFFFFC0  }
0x49: {  	_ =	swait.ge [sflag:s21], $0x40  }
0x4a: {  	[sflag:s21] =	ssyncset.done $0x0  }
0x4b: {  	[sflag:s21] =	ssyncadd.s32 $0xFFFFFFC0  }
0x4c: {  	_ =	swait.ge [sflag:s21], $0x40  }
0x4d: {  	[sflag:s21] =	ssyncset.done $0x0  }
0x4e: {  	[sflag:s21] =	ssyncadd.s32 $0xFFFFFFC0  }
0x4f: {  	_ =	swait.ge [sflag:s21], $0x40  }
0x50: {  	[sflag:s21] =	ssyncset.done $0x0  }
0x51: {  	[sflag:s21] =	ssyncadd.s32 $0xFFFFFFC0  }
0x52: {  	_ =	swait.ge [sflag:s21], $0x40  }
0x53: {  	[sflag:s21] =	ssyncset.done $0x0  }
0x54: {  	[sflag:s21] =	ssyncadd.s32 $0xFFFFFFC0  }
0x55: {  	_ =	swait.ge [sflag:s21], $0x40  }
0x56: {  	[sflag:s21] =	ssyncset.done $0x0  }
0x57: {  	[sflag:s21] =	ssyncadd.s32 $0xFFFFFFC0  }
0x58: {  	_ =	swait.ge [sflag:s21], $0x40  }
0x59: {  	[sflag:s21] =	ssyncset.done $0x0  }
0x5a: {  	[sflag:s21] =	ssyncadd.s32 $0xFFFFFFC0  }
0x5b: {  	s23 =	simm.s32 @!p0 $0x52F8;
	s24 =	simm.s32 @!p0 $0x2;
	[bflag:$0x0] =	sbarrier.arrive $0xFFFF  }
0x5c: {  	[tilespmem:s23], [sflag:$0x2] =	stream.linear.gather @!p0 [spmem:s7], $0x7D0, $0x38;
	[tilespmem:$0x5AF8] =	vst v63  }
0x5d: {  	s22 =	sadd.s32 $0x1, s22;
	_ =	swait.ge @!p0 [sflag:s24], $0x7D0  }
0x5e: {  	p2 =	sne.s32 s22, s9;
	[sflag:s24] =	ssyncset.done @!p0 $0x0  }
.Ltmp2:
0x5f: {  	s25 =	simm.s32 @!p0 $0x0;
	[sflag:s24] =	ssyncadd.s32 @!p0 $0xFFFFF830;
	(pc) =	sbr.rel @p2 .LBB2_1-.Ltmp2, $4  }
0x60: {  	[hbm4b:s8+s25] =	stream.linear.scatter @!p0 [tilespmem:s23], [sflag:$0x2], $0x7D0, $0x38;
	[tilespmem:$0x5AF8] =	vst v63  }
0x61: {  	_ =	swait.ge @!p0 [sflag:s24], $0x7D0  }
0x62: {  	[sflag:s24] =	ssyncset.done @!p0 $0x0  }
0x63: {  	[sflag:s24] =	ssyncadd.s32 @!p0 $0xFFFFF830  }
0x64: {  	_ =	sfence.sel $0x180000  }
0x65: {  	[bflag:$0x0] =	sbarrier.arrive $0xFFFF  }
0x66: {  	p0 =	sne.s32 s0, $0x0;
	_ =	strace $0x90000047  }
0x67: {  	s0 =	sadd.s32 @!p0 $0x100000, s1;
	[bflag:$0x2] =	sbarrier.arrive $0xFFFF  }
0x68: {  	[sflag:s0] =	ssyncadd.tile.s32 @!p0 $0x1;
	_ =	shalt  }
.Lfunc_end2:
_tile_overlayer_lowered:
.L_overlay_start_2:
0x69: {  	(tag) =	ssettag $0x2  }
0x6a: {  	s0 =	rddreg [dreg:$0x0];
	s2 =	stileid.u32  }
0x6b: {  	s1 =	rddreg [dreg:$0x1];
	p0 =	sne.s32 s2, $0x0  }
0x6c: {  	s3 =	rddreg [dreg:$0x2];
	[bflag:$0x3] =	sbarrier.arrive $0xFFFF;
	s2 =	simm.s32 @!p0 $0x1C02  }
0x6d: {  	[timem:s3], [sflag:s2] =	dma.local @!p0 [hbm:s0], s1  }
0x6e: {  	s0 =	simm.s32 @!p0 $0x2  }
0x6f: {  	_ =	swait.ge @!p0 [sflag:s0], s1  }
0x70: {  	s1 =	ssub.s32 @!p0 $0x0, s1;
	[sflag:s0] =	ssyncset.done @!p0 $0x0  }
0x71: {  	[sflag:s0] =	ssyncadd.s32 @!p0 s1  }
0x72: {  	[bflag:$0x3] =	sbarrier.arrive $0xFFFF  }
0x73: {  	_ =	shalt  }

</sc_bundles>
